<compile_context>
chip_gen: v7x
topology: tpu7x:2x2x1
jax: 0.10.2.dev20260603
libtpu: 0.0.44.dev20260713+nightly
codegen_flags: <defaults>
</compile_context>

<pallas_src>
import functools

import jax
import jax.numpy as jnp
from jax import lax
from jax.experimental import pallas as pl
from jax.experimental.pallas import tpu as pltpu
from jax.experimental.pallas import tpu_sc as plsc

N = 10000
E = 320000
D = 128
H = 128
C = 16

NC = 2
NS = 16
NW = NC * NS
EPT = E // NW
K = 16
GK = 5
NG = EPT // (K * GK)
NPAD = 10240
RPT = NPAD // NS
CPT = NPAD // NS
BPW = NPAD // NW

_SQRT_HALF = 0.7071067811865476


def _gelu(x):
    return x * 0.5 * (1.0 + lax.erf(x * _SQRT_HALF))



BM = 1024


def _dot(a, b):
    return jnp.dot(a, b, preferred_element_type=jnp.float32,
                   precision=lax.Precision.HIGHEST)


def _tc_pre_body(nf, s1, t1, w1, b1, s2, t2, w2, b2, x_out, y_out):
    x = _gelu(_dot(nf[...] * s1[...] + t1[...], w1[...]) + b1[...])
    x_out[...] = x
    y = _gelu(_dot(x * s2[...] + t2[...], w2[...]) + b2[...])
    y_out[...] = y.T.reshape(32, 4, y.shape[0])


def _tc_upd_body(x, ps, pc, sa, ta, sb, tb, wa, wb, bu, s2, t2, w2, b2,
                 x1_out, y2_out):
    sums = ps[...].T
    cnt = jnp.maximum(pc[...], 1.0)
    agg = sums / cnt
    h = (_dot(x[...] * sa[...] + ta[...], wa[...])
         + _dot(agg * sb[...] + tb[...], wb[...]) + bu[...])
    x1 = _gelu(h)
    x1_out[...] = x1
    y2 = _gelu(_dot(x1 * s2[...] + t2[...], w2[...]) + b2[...])
    y2_out[...] = y2.T.reshape(32, 4, y2.shape[0])


def _tc_fin_body(x, ps, pc, sa, ta, sb, tb, wa, wb, bu, sp, tp, wp, bp,
                 ow, ob, z_out):
    sums = ps[...].T
    cnt = jnp.maximum(pc[...], 1.0)
    agg = sums / cnt
    h = (_dot(x[...] * sa[...] + ta[...], wa[...])
         + _dot(agg * sb[...] + tb[...], wb[...]) + bu[...])
    x2 = _gelu(h)
    xp = _gelu(_dot(x2 * sp[...] + tp[...], wp[...]) + bp[...])
    z_out[...] = _dot(xp, ow[...]) + ob[...]


def _vec_spec(n):
    return pl.BlockSpec((n,), lambda i: (0,))


def _mat_spec(r, c):
    return pl.BlockSpec((r, c), lambda i: (0, 0))


def _row_spec(c):
    return pl.BlockSpec((BM, c), lambda i: (i, 0))


def _ps_spec():
    return pl.BlockSpec((D, BM), lambda i: (0, i))


def _pc_spec():
    return pl.BlockSpec((BM, 1), lambda i: (i, 0))


def _yt_spec():
    return pl.BlockSpec((32, 4, BM), lambda i: (0, 0, i))


_f32 = jnp.float32

_tc_pre = pl.pallas_call(
    _tc_pre_body,
    grid=(NPAD // BM,),
    in_specs=[_row_spec(D),
              _vec_spec(D), _vec_spec(D), _mat_spec(D, H), _vec_spec(H),
              _vec_spec(H), _vec_spec(H), _mat_spec(H, H), _vec_spec(H)],
    out_specs=[_row_spec(H), _yt_spec()],
    out_shape=[jax.ShapeDtypeStruct((N, H), _f32),
               jax.ShapeDtypeStruct((32, 4, NPAD), _f32)],
)

_tc_upd = pl.pallas_call(
    _tc_upd_body,
    grid=(NPAD // BM,),
    in_specs=[_row_spec(H), _ps_spec(), _pc_spec(),
              _vec_spec(H), _vec_spec(H), _vec_spec(H), _vec_spec(H),
              _mat_spec(H, H), _mat_spec(H, H), _vec_spec(H),
              _vec_spec(H), _vec_spec(H), _mat_spec(H, H), _vec_spec(H)],
    out_specs=[_row_spec(H), _yt_spec()],
    out_shape=[jax.ShapeDtypeStruct((N, H), _f32),
               jax.ShapeDtypeStruct((32, 4, NPAD), _f32)],
)

_tc_fin = pl.pallas_call(
    _tc_fin_body,
    grid=(NPAD // BM,),
    in_specs=[_row_spec(H), _ps_spec(), _pc_spec(),
              _vec_spec(H), _vec_spec(H), _vec_spec(H), _vec_spec(H),
              _mat_spec(H, H), _mat_spec(H, H), _vec_spec(H),
              _vec_spec(H), _vec_spec(H), _mat_spec(H, H), _vec_spec(H),
              _mat_spec(H, H), _vec_spec(H)],
    out_specs=[_row_spec(H)],
    out_shape=[jax.ShapeDtypeStruct((N, H), _f32)],
)



_MESH = plsc.VectorSubcoreMesh(core_axis_name="c", subcore_axis_name="s")

EP = 327680
EPT2 = EP // NW
KG = 80
NCH = EPT2 // KG
NPAIR = NCH // 2
SUB = KG // 16
DRT = EPT2 // 16
KF = 80


ECH = 2048
NECH = EP // ECH
UNR = 4


def _make_agg(with_cnt):
    out_type = [jax.ShapeDtypeStruct((NW, 4, NPAD), _f32)]
    scratch = [
        pltpu.VMEM((4 * NPAD,), _f32),
        pltpu.VMEM((4 * NPAD,), _f32),
        pltpu.VMEM((ECH,), jnp.int32),
        pltpu.VMEM((ECH,), jnp.int32),
        pltpu.VMEM((ECH,), jnp.int32),
        pltpu.VMEM((ECH,), jnp.int32),
        pltpu.SemaphoreType.DMA,
        pltpu.SemaphoreType.DMA,
    ]
    if with_cnt:
        out_type.append(jax.ShapeDtypeStruct((NPAD,), _f32))
        scratch.append(pltpu.VMEM((NPAD,), _f32))

    def body(*refs):
        if with_cnt:
            (y_hbm, dst_hbm, src_hbm, zrows_hbm, zcnt_hbm,
             sum_out, cnt_out, y_loc, acc, sa_, sb_, da_, db_,
             sem_a, sem_b, cacc) = refs
        else:
            (y_hbm, dst_hbm, src_hbm, zrows_hbm,
             sum_out, y_loc, acc, sa_, sb_, da_, db_,
             sem_a, sem_b) = refs
        cid = lax.axis_index("c")
        sid = lax.axis_index("s")
        wid = cid * NS + sid

        for c in range(4):
            pltpu.sync_copy(y_hbm.at[wid, c], y_loc.at[pl.ds(c * NPAD, NPAD)])
            pltpu.sync_copy(zrows_hbm, acc.at[pl.ds(c * NPAD, NPAD)])
        if with_cnt:
            pltpu.sync_copy(zcnt_hbm, cacc)
        ones16 = jnp.ones((16,), _f32)
        coff = [jnp.full((16,), c * NPAD, jnp.int32) for c in range(4)]

        def fire(c, sbuf, dbuf, sem):
            pltpu.async_copy(src_hbm.at[pl.ds(c * ECH, ECH)], sbuf, sem)
            pltpu.async_copy(dst_hbm.at[pl.ds(c * ECH, ECH)], dbuf, sem)

        def drain(sbuf, dbuf, sem):
            pltpu.make_async_copy(src_hbm.at[pl.ds(0, ECH)], sbuf, sem).wait()
            pltpu.make_async_copy(dst_hbm.at[pl.ds(0, ECH)], dbuf, sem).wait()

        def process(sbuf, dbuf):
            def step(i, carry):
                for u in range(UNR):
                    e0 = (i * UNR + u) * 16
                    s16 = sbuf[pl.ds(e0, 16)]
                    d16 = dbuf[pl.ds(e0, 16)]
                    for c in range(4):
                        v = plsc.load_gather(y_loc, [s16 + coff[c]])
                        plsc.addupdate_scatter(acc, [d16 + coff[c]], v)
                    if with_cnt:
                        plsc.addupdate_scatter(cacc, [d16], ones16)
                return carry
            lax.fori_loop(0, ECH // (16 * UNR), step, 0)

        fire(0, sa_, da_, sem_a)

        def pair(g, carry):
            cA = 2 * g
            fire(cA + 1, sb_, db_, sem_b)
            drain(sa_, da_, sem_a)
            process(sa_, da_)

            @pl.when(g < NECH // 2 - 1)
            def _():
                fire(cA + 2, sa_, da_, sem_a)

            drain(sb_, db_, sem_b)
            process(sb_, db_)
            return carry

        lax.fori_loop(0, NECH // 2, pair, 0)

        for c in range(4):
            pltpu.sync_copy(acc.at[pl.ds(c * NPAD, NPAD)], sum_out.at[wid, c])
        if with_cnt:
            pltpu.sync_copy(cacc.at[pl.ds(wid * BPW, BPW)],
                            cnt_out.at[pl.ds(wid * BPW, BPW)])

    return pl.kernel(body, out_type=out_type, mesh=_MESH,
                     scratch_types=scratch,
                     compiler_params=pltpu.CompilerParams(
                         use_tc_tiling_on_sc=False,
                         needs_layout_passes=False))


_agg_cnt = _make_agg(True)
_agg = _make_agg(False)


@functools.partial(
    pl.kernel,
    out_type=jax.ShapeDtypeStruct((NPAD, H), _f32),
    mesh=_MESH,
    scratch_types=[
        pltpu.VMEM((BPW,), jnp.int32),
        pltpu.VMEM((BPW // KF, KF, H), _f32),
        pltpu.SemaphoreType.DMA,
    ],
)
def _final_gather(z_hbm, idx_hbm, out_hbm, idx_v, rows_v, sem):
    wid = lax.axis_index("c") * NS + lax.axis_index("s")
    base = wid * BPW
    pltpu.sync_copy(idx_hbm.at[pl.ds(base, BPW)], idx_v)
    descs = []
    for j in range(BPW // KF):
        descs.append(
            pltpu.async_copy(z_hbm.at[idx_v.at[pl.ds(j * KF, KF)]],
                             rows_v.at[j], sem))
    for j in range(BPW // KF):
        descs[j].wait()
        pltpu.sync_copy(rows_v.at[j], out_hbm.at[pl.ds(base + j * KF, KF)])




def _fold_bn(g, b, m, v):
    s = g / jnp.sqrt(v + 1e-5)
    return s, b - m * s


def kernel(input_node_indices, node_features, edge_index,
           pre_g, pre_b, pre_m, pre_v, pre_w, pre_bias,
           c1p_g, c1p_b, c1p_m, c1p_v, c1p_w, c1p_bias,
           c1u_g, c1u_b, c1u_m, c1u_v, c1u_w, c1u_bias,
           c2p_g, c2p_b, c2p_m, c2p_v, c2p_w, c2p_bias,
           c2u_g, c2u_b, c2u_m, c2u_v, c2u_w, c2u_bias,
           post_g, post_b, post_m, post_v, post_w, post_bias,
           out_w, out_b):
    dst = edge_index[0]
    src = edge_index[1]
    dstp = jnp.concatenate([dst, jnp.full((EP - E,), N + 200, jnp.int32)])
    srcp = jnp.concatenate([src, jnp.zeros((EP - E,), jnp.int32)])

    s_pre, t_pre = _fold_bn(pre_g, pre_b, pre_m, pre_v)
    s_c1p, t_c1p = _fold_bn(c1p_g, c1p_b, c1p_m, c1p_v)
    s_c1u, t_c1u = _fold_bn(c1u_g, c1u_b, c1u_m, c1u_v)
    s_c2p, t_c2p = _fold_bn(c2p_g, c2p_b, c2p_m, c2p_v)
    s_c2u, t_c2u = _fold_bn(c2u_g, c2u_b, c2u_m, c2u_v)
    s_post, t_post = _fold_bn(post_g, post_b, post_m, post_v)

    zrows = jnp.zeros((NPAD,), _f32)
    zcnt = jnp.zeros((NPAD,), _f32)

    x, y1 = _tc_pre(node_features, s_pre, t_pre, pre_w, pre_bias,
                    s_c1p, t_c1p, c1p_w, c1p_bias)

    ps1, pc = _agg_cnt(y1, dstp, srcp, zrows, zcnt)
    ps1 = ps1.reshape(D, NPAD)
    pcr = pc[:N, None]

    x1, y2 = _tc_upd(x, ps1, pcr,
                     s_c1u[:H], t_c1u[:H], s_c1u[H:], t_c1u[H:],
                     c1u_w[:H], c1u_w[H:], c1u_bias,
                     s_c2p, t_c2p, c2p_w, c2p_bias)

    (ps2,) = _agg(y2, dstp, srcp, zrows)
    ps2 = ps2.reshape(D, NPAD)

    ow_pad = jnp.zeros((H, H), _f32).at[:, :C].set(out_w)
    ob_pad = jnp.zeros((H,), _f32).at[:C].set(out_b)
    (z,) = _tc_fin(x1, ps2, pcr,
                   s_c2u[:H], t_c2u[:H], s_c2u[H:], t_c2u[H:],
                   c2u_w[:H], c2u_w[H:], c2u_bias,
                   s_post, t_post, post_w, post_bias,
                   ow_pad, ob_pad)

    idx = jnp.concatenate(
        [input_node_indices.astype(jnp.int32),
         jnp.zeros((NPAD - N,), jnp.int32)])
    return _final_gather(z, idx)[:N, :C]

# --- scband reference (transcript-rebuilt; emitter-appended) ---
"""Pipeline reference for scband-gnnnode-classifier-78915729097325 (READ-ONLY COPY).

The authoritative reference and input builder live on the scoring server;
editing this copy changes nothing except your own understanding.
"""

import jax, jax.numpy as jnp
import numpy as np

N = 10000
E = 320000
D = 128
H = 128
C = 16


def _ffn(x, g, b, m, v, w, bias):
    # BatchNorm1d (eval mode) -> Dropout (identity in eval) -> Linear -> GELU
    x = (x - m) / jnp.sqrt(v + 1e-5) * g + b
    x = x @ w + bias
    return jax.nn.gelu(x, approximate=False)


def _conv(x, edge_index, prep, upd):
    dst = edge_index[0]
    src = edge_index[1]
    nbr = jnp.take(x, src, axis=0)
    msgs = _ffn(nbr, *prep)
    n = x.shape[0]
    sums = jax.ops.segment_sum(msgs, dst, num_segments=n)
    cnts = jax.ops.segment_sum(jnp.ones((msgs.shape[0],), msgs.dtype), dst, num_segments=n)
    agg = sums / jnp.clip(cnts, 1.0)[:, None]
    h = jnp.concatenate([x, agg], axis=1)
    return _ffn(h, *upd)


def _ffn_params(key, din, dout):
    kw, kb = jax.random.split(key)
    g = jnp.ones((din,), jnp.float32)
    b = jnp.zeros((din,), jnp.float32)
    m = jnp.zeros((din,), jnp.float32)
    v = jnp.ones((din,), jnp.float32)
    w = jax.random.normal(kw, (din, dout), jnp.float32) * 0.05
    bias = jax.random.normal(kb, (dout,), jnp.float32) * 0.05
    return g, b, m, v, w, bias


def setup_inputs(seed: int = 0):
    key = jax.random.key(seed)
    ks = jax.random.split(key, 12)
    inp = {}
    inp["input_node_indices"] = jax.random.randint(ks[0], (N,), 0, N)
    inp["node_features"] = jax.random.normal(ks[1], (N, D), jnp.float32)
    inp["edge_index"] = jax.random.randint(ks[2], (2, E), 0, N)
    for name, k, din in [("pre", ks[3], D), ("c1p", ks[4], H), ("c1u", ks[5], 2 * H), ("c2p", ks[6], H), ("c2u", ks[7], 2 * H), ("post", ks[8], H)]:
        g, b, m, v, w, bias = _ffn_params(k, din, H)
        inp[name + "_g"] = g
        inp[name + "_b"] = b
        inp[name + "_m"] = m
        inp[name + "_v"] = v
        inp[name + "_w"] = w
        inp[name + "_bias"] = bias
    inp["out_w"] = jax.random.normal(ks[9], (H, C), jnp.float32) * 0.05
    inp["out_b"] = jax.random.normal(ks[10], (C,), jnp.float32) * 0.05
    return inp


def reference(input_node_indices, node_features, edge_index,
              pre_g, pre_b, pre_m, pre_v, pre_w, pre_bias,
              c1p_g, c1p_b, c1p_m, c1p_v, c1p_w, c1p_bias,
              c1u_g, c1u_b, c1u_m, c1u_v, c1u_w, c1u_bias,
              c2p_g, c2p_b, c2p_m, c2p_v, c2p_w, c2p_bias,
              c2u_g, c2u_b, c2u_m, c2u_v, c2u_w, c2u_bias,
              post_g, post_b, post_m, post_v, post_w, post_bias,
              out_w, out_b):
    x = _ffn(node_features, pre_g, pre_b, pre_m, pre_v, pre_w, pre_bias)
    x1 = _conv(x, edge_index,
               (c1p_g, c1p_b, c1p_m, c1p_v, c1p_w, c1p_bias),
               (c1u_g, c1u_b, c1u_m, c1u_v, c1u_w, c1u_bias))
    x2 = _conv(x1, edge_index,
               (c2p_g, c2p_b, c2p_m, c2p_v, c2p_w, c2p_bias),
               (c2u_g, c2u_b, c2u_m, c2u_v, c2u_w, c2u_bias))
    x = _ffn(x2, post_g, post_b, post_m, post_v, post_w, post_bias)
    emb = jnp.take(x, input_node_indices, axis=0)
    return emb @ out_w + out_b

if __name__ == "__main__":
    import jax
    _d = setup_inputs()
    print(jax.jit(kernel)(*tuple(_d.values())))

</pallas_src>

<mosaic_0001>
#map = affine_map<(d0, d1) -> (0, 0, 0)>
#map1 = affine_map<(d0, d1) -> (0)>
module attributes {stable_mosaic.version = 14 : i64} {
  func.func @body(%arg0: i32, %arg1: i32, %arg2: memref<32x4x10240xf32, #tpu.memory_space<hbm>>, %arg3: memref<327680xi32, #tpu.memory_space<hbm>>, %arg4: memref<327680xi32, #tpu.memory_space<hbm>>, %arg5: memref<10240xf32, #tpu.memory_space<hbm>>, %arg6: memref<10240xf32, #tpu.memory_space<hbm>>, %arg7: memref<32x4x10240xf32, #tpu.memory_space<hbm>>, %arg8: memref<10240xf32, #tpu.memory_space<hbm>>, %arg9: memref<40960xf32, #tpu.memory_space<vmem>>, %arg10: memref<40960xf32, #tpu.memory_space<vmem>>, %arg11: memref<2048xi32, #tpu.memory_space<vmem>>, %arg12: memref<2048xi32, #tpu.memory_space<vmem>>, %arg13: memref<2048xi32, #tpu.memory_space<vmem>>, %arg14: memref<2048xi32, #tpu.memory_space<vmem>>, %arg15: memref<!tpu.dma_semaphore, #tpu.memory_space<semaphore_mem>>, %arg16: memref<!tpu.dma_semaphore, #tpu.memory_space<semaphore_mem>>, %arg17: memref<10240xf32, #tpu.memory_space<vmem>>) attributes {dimension_semantics = [#tpu.dimension_semantics<core_parallel>, #tpu.dimension_semantics<subcore_parallel>], iteration_bounds = array<i64: 2, 16>, scalar_prefetch = 0 : i64, scratch_operands = 9 : i64, tpu.core_type = #tpu.core_type<sc_vector_subcore>, window_params = [{transform_indices = #map}, {transform_indices = #map1}, {transform_indices = #map1}, {transform_indices = #map1}, {transform_indices = #map1}, {transform_indices = #map}, {transform_indices = #map1}]} {
    %mul3A = arith.constant 16 : i32
    %mul3A_0 = arith.muli %arg0, %mul3A : i32
    %add3A = arith.addi %mul3A_0, %arg1 : i32
    %run_scoped3A = arith.constant 0 : i32
    "tpu.region"() ({
      %run_scoped3A_33 = tpu.sem_alloc : memref<!tpu.dma_semaphore, #tpu.memory_space<semaphore_mem>>
      %dma_start3A_34 = arith.constant 0 : i32
      %dma_start3A_35 = tpu.memref_slice %arg9[%dma_start3A_34] : memref<40960xf32, #tpu.memory_space<vmem>> -> memref<10240xf32, #tpu.memory_space<vmem>>
      %dma_start3A_36 = arith.constant 0 : i32
      %dma_start3A_37 = tpu.memref_slice %arg2[%add3A, %run_scoped3A, %dma_start3A_36] : memref<32x4x10240xf32, #tpu.memory_space<hbm>> -> memref<1x1x10240xf32, #tpu.memory_space<hbm>>
      %dma_start3A_38 = tpu.memref_squeeze %dma_start3A_37 : memref<1x1x10240xf32, #tpu.memory_space<hbm>> -> memref<10240xf32, #tpu.memory_space<hbm>>
      %dma_start3A_39 = arith.constant 0 : i32
      %dma_start3A_40 = tpu.memref_slice %arg9[%dma_start3A_39] : memref<40960xf32, #tpu.memory_space<vmem>> -> memref<10240xf32, #tpu.memory_space<vmem>>
      %dma_start3A_41 = arith.constant 0 : i32
      %dma_start3A_42 = tpu.memref_slice %arg2[%add3A, %run_scoped3A, %dma_start3A_41] : memref<32x4x10240xf32, #tpu.memory_space<hbm>> -> memref<1x1x10240xf32, #tpu.memory_space<hbm>>
      %dma_start3A_43 = tpu.memref_squeeze %dma_start3A_42 : memref<1x1x10240xf32, #tpu.memory_space<hbm>> -> memref<10240xf32, #tpu.memory_space<hbm>>
      tpu.enqueue_dma source(%dma_start3A_43 : memref<10240xf32, #tpu.memory_space<hbm>>) target(%dma_start3A_40 : memref<10240xf32, #tpu.memory_space<vmem>>) target_semaphore(%run_scoped3A_33 : memref<!tpu.dma_semaphore, #tpu.memory_space<semaphore_mem>>)
      %dma_wait3A = arith.constant 0 : i32
      %dma_wait3A_44 = tpu.memref_slice %arg9[%dma_wait3A] : memref<40960xf32, #tpu.memory_space<vmem>> -> memref<10240xf32, #tpu.memory_space<vmem>>
      %dma_wait3A_45 = arith.constant 0 : i32
      %dma_wait3A_46 = tpu.memref_slice %arg2[%add3A, %run_scoped3A, %dma_wait3A_45] : memref<32x4x10240xf32, #tpu.memory_space<hbm>> -> memref<1x1x10240xf32, #tpu.memory_space<hbm>>
      %dma_wait3A_47 = tpu.memref_squeeze %dma_wait3A_46 : memref<1x1x10240xf32, #tpu.memory_space<hbm>> -> memref<10240xf32, #tpu.memory_space<hbm>>
      %dma_wait3A_48 = arith.constant 0 : i32
      %dma_wait3A_49 = tpu.memref_slice %arg9[%dma_wait3A_48] : memref<40960xf32, #tpu.memory_space<vmem>> -> memref<10240xf32, #tpu.memory_space<vmem>>
      %dma_wait3A_50 = arith.constant 0 : i32
      %dma_wait3A_51 = tpu.memref_slice %arg2[%add3A, %run_scoped3A, %dma_wait3A_50] : memref<32x4x10240xf32, #tpu.memory_space<hbm>> -> memref<1x1x10240xf32, #tpu.memory_space<hbm>>
      %dma_wait3A_52 = tpu.memref_squeeze %dma_wait3A_51 : memref<1x1x10240xf32, #tpu.memory_space<hbm>> -> memref<10240xf32, #tpu.memory_space<hbm>>
      tpu.wait_dma2 semaphore(%run_scoped3A_33 : memref<!tpu.dma_semaphore, #tpu.memory_space<semaphore_mem>>) src(%dma_wait3A_52 : memref<10240xf32, #tpu.memory_space<hbm>>) dst(%dma_wait3A_49 : memref<10240xf32, #tpu.memory_space<vmem>>)
      tpu.yield
    }) : () -> ()
    "tpu.region"() ({
      %run_scoped3A_33 = tpu.sem_alloc : memref<!tpu.dma_semaphore, #tpu.memory_space<semaphore_mem>>
      %dma_start3A_34 = arith.constant 0 : i32
      %dma_start3A_35 = tpu.memref_slice %arg10[%dma_start3A_34] : memref<40960xf32, #tpu.memory_space<vmem>> -> memref<10240xf32, #tpu.memory_space<vmem>>
      %dma_start3A_36 = arith.constant 0 : i32
      %dma_start3A_37 = tpu.memref_slice %arg10[%dma_start3A_36] : memref<40960xf32, #tpu.memory_space<vmem>> -> memref<10240xf32, #tpu.memory_space<vmem>>
      tpu.enqueue_dma source(%arg5 : memref<10240xf32, #tpu.memory_space<hbm>>) target(%dma_start3A_37 : memref<10240xf32, #tpu.memory_space<vmem>>) target_semaphore(%run_scoped3A_33 : memref<!tpu.dma_semaphore, #tpu.memory_space<semaphore_mem>>)
      %dma_wait3A = arith.constant 0 : i32
      %dma_wait3A_38 = tpu.memref_slice %arg10[%dma_wait3A] : memref<40960xf32, #tpu.memory_space<vmem>> -> memref<10240xf32, #tpu.memory_space<vmem>>
      %dma_wait3A_39 = arith.constant 0 : i32
      %dma_wait3A_40 = tpu.memref_slice %arg10[%dma_wait3A_39] : memref<40960xf32, #tpu.memory_space<vmem>> -> memref<10240xf32, #tpu.memory_space<vmem>>
      tpu.wait_dma2 semaphore(%run_scoped3A_33 : memref<!tpu.dma_semaphore, #tpu.memory_space<semaphore_mem>>) src(%arg5 : memref<10240xf32, #tpu.memory_space<hbm>>) dst(%dma_wait3A_40 : memref<10240xf32, #tpu.memory_space<vmem>>)
      tpu.yield
    }) : () -> ()
    %run_scoped3A_1 = arith.constant 1 : i32
    "tpu.region"() ({
      %run_scoped3A_33 = tpu.sem_alloc : memref<!tpu.dma_semaphore, #tpu.memory_space<semaphore_mem>>
      %dma_start3A_34 = arith.constant 10240 : i32
      %dma_start3A_35 = tpu.memref_slice %arg9[%dma_start3A_34] : memref<40960xf32, #tpu.memory_space<vmem>> -> memref<10240xf32, #tpu.memory_space<vmem>>
      %dma_start3A_36 = arith.constant 0 : i32
      %dma_start3A_37 = tpu.memref_slice %arg2[%add3A, %run_scoped3A_1, %dma_start3A_36] : memref<32x4x10240xf32, #tpu.memory_space<hbm>> -> memref<1x1x10240xf32, #tpu.memory_space<hbm>>
      %dma_start3A_38 = tpu.memref_squeeze %dma_start3A_37 : memref<1x1x10240xf32, #tpu.memory_space<hbm>> -> memref<10240xf32, #tpu.memory_space<hbm>>
      %dma_start3A_39 = arith.constant 10240 : i32
      %dma_start3A_40 = tpu.memref_slice %arg9[%dma_start3A_39] : memref<40960xf32, #tpu.memory_space<vmem>> -> memref<10240xf32, #tpu.memory_space<vmem>>
      %dma_start3A_41 = arith.constant 0 : i32
      %dma_start3A_42 = tpu.memref_slice %arg2[%add3A, %run_scoped3A_1, %dma_start3A_41] : memref<32x4x10240xf32, #tpu.memory_space<hbm>> -> memref<1x1x10240xf32, #tpu.memory_space<hbm>>
      %dma_start3A_43 = tpu.memref_squeeze %dma_start3A_42 : memref<1x1x10240xf32, #tpu.memory_space<hbm>> -> memref<10240xf32, #tpu.memory_space<hbm>>
      tpu.enqueue_dma source(%dma_start3A_43 : memref<10240xf32, #tpu.memory_space<hbm>>) target(%dma_start3A_40 : memref<10240xf32, #tpu.memory_space<vmem>>) target_semaphore(%run_scoped3A_33 : memref<!tpu.dma_semaphore, #tpu.memory_space<semaphore_mem>>)
      %dma_wait3A = arith.constant 10240 : i32
      %dma_wait3A_44 = tpu.memref_slice %arg9[%dma_wait3A] : memref<40960xf32, #tpu.memory_space<vmem>> -> memref<10240xf32, #tpu.memory_space<vmem>>
      %dma_wait3A_45 = arith.constant 0 : i32
      %dma_wait3A_46 = tpu.memref_slice %arg2[%add3A, %run_scoped3A_1, %dma_wait3A_45] : memref<32x4x10240xf32, #tpu.memory_space<hbm>> -> memref<1x1x10240xf32, #tpu.memory_space<hbm>>
      %dma_wait3A_47 = tpu.memref_squeeze %dma_wait3A_46 : memref<1x1x10240xf32, #tpu.memory_space<hbm>> -> memref<10240xf32, #tpu.memory_space<hbm>>
      %dma_wait3A_48 = arith.constant 10240 : i32
      %dma_wait3A_49 = tpu.memref_slice %arg9[%dma_wait3A_48] : memref<40960xf32, #tpu.memory_space<vmem>> -> memref<10240xf32, #tpu.memory_space<vmem>>
      %dma_wait3A_50 = arith.constant 0 : i32
      %dma_wait3A_51 = tpu.memref_slice %arg2[%add3A, %run_scoped3A_1, %dma_wait3A_50] : memref<32x4x10240xf32, #tpu.memory_space<hbm>> -> memref<1x1x10240xf32, #tpu.memory_space<hbm>>
      %dma_wait3A_52 = tpu.memref_squeeze %dma_wait3A_51 : memref<1x1x10240xf32, #tpu.memory_space<hbm>> -> memref<10240xf32, #tpu.memory_space<hbm>>
      tpu.wait_dma2 semaphore(%run_scoped3A_33 : memref<!tpu.dma_semaphore, #tpu.memory_space<semaphore_mem>>) src(%dma_wait3A_52 : memref<10240xf32, #tpu.memory_space<hbm>>) dst(%dma_wait3A_49 : memref<10240xf32, #tpu.memory_space<vmem>>)
      tpu.yield
    }) : () -> ()
    "tpu.region"() ({
      %run_scoped3A_33 = tpu.sem_alloc : memref<!tpu.dma_semaphore, #tpu.memory_space<semaphore_mem>>
      %dma_start3A_34 = arith.constant 10240 : i32
      %dma_start3A_35 = tpu.memref_slice %arg10[%dma_start3A_34] : memref<40960xf32, #tpu.memory_space<vmem>> -> memref<10240xf32, #tpu.memory_space<vmem>>
      %dma_start3A_36 = arith.constant 10240 : i32
      %dma_start3A_37 = tpu.memref_slice %arg10[%dma_start3A_36] : memref<40960xf32, #tpu.memory_space<vmem>> -> memref<10240xf32, #tpu.memory_space<vmem>>
      tpu.enqueue_dma source(%arg5 : memref<10240xf32, #tpu.memory_space<hbm>>) target(%dma_start3A_37 : memref<10240xf32, #tpu.memory_space<vmem>>) target_semaphore(%run_scoped3A_33 : memref<!tpu.dma_semaphore, #tpu.memory_space<semaphore_mem>>)
      %dma_wait3A = arith.constant 10240 : i32
      %dma_wait3A_38 = tpu.memref_slice %arg10[%dma_wait3A] : memref<40960xf32, #tpu.memory_space<vmem>> -> memref<10240xf32, #tpu.memory_space<vmem>>
      %dma_wait3A_39 = arith.constant 10240 : i32
      %dma_wait3A_40 = tpu.memref_slice %arg10[%dma_wait3A_39] : memref<40960xf32, #tpu.memory_space<vmem>> -> memref<10240xf32, #tpu.memory_space<vmem>>
      tpu.wait_dma2 semaphore(%run_scoped3A_33 : memref<!tpu.dma_semaphore, #tpu.memory_space<semaphore_mem>>) src(%arg5 : memref<10240xf32, #tpu.memory_space<hbm>>) dst(%dma_wait3A_40 : memref<10240xf32, #tpu.memory_space<vmem>>)
      tpu.yield
    }) : () -> ()
    %run_scoped3A_2 = arith.constant 2 : i32
    "tpu.region"() ({
      %run_scoped3A_33 = tpu.sem_alloc : memref<!tpu.dma_semaphore, #tpu.memory_space<semaphore_mem>>
      %dma_start3A_34 = arith.constant 20480 : i32
      %dma_start3A_35 = tpu.memref_slice %arg9[%dma_start3A_34] : memref<40960xf32, #tpu.memory_space<vmem>> -> memref<10240xf32, #tpu.memory_space<vmem>>
      %dma_start3A_36 = arith.constant 0 : i32
      %dma_start3A_37 = tpu.memref_slice %arg2[%add3A, %run_scoped3A_2, %dma_start3A_36] : memref<32x4x10240xf32, #tpu.memory_space<hbm>> -> memref<1x1x10240xf32, #tpu.memory_space<hbm>>
      %dma_start3A_38 = tpu.memref_squeeze %dma_start3A_37 : memref<1x1x10240xf32, #tpu.memory_space<hbm>> -> memref<10240xf32, #tpu.memory_space<hbm>>
      %dma_start3A_39 = arith.constant 20480 : i32
      %dma_start3A_40 = tpu.memref_slice %arg9[%dma_start3A_39] : memref<40960xf32, #tpu.memory_space<vmem>> -> memref<10240xf32, #tpu.memory_space<vmem>>
      %dma_start3A_41 = arith.constant 0 : i32
      %dma_start3A_42 = tpu.memref_slice %arg2[%add3A, %run_scoped3A_2, %dma_start3A_41] : memref<32x4x10240xf32, #tpu.memory_space<hbm>> -> memref<1x1x10240xf32, #tpu.memory_space<hbm>>
      %dma_start3A_43 = tpu.memref_squeeze %dma_start3A_42 : memref<1x1x10240xf32, #tpu.memory_space<hbm>> -> memref<10240xf32, #tpu.memory_space<hbm>>
      tpu.enqueue_dma source(%dma_start3A_43 : memref<10240xf32, #tpu.memory_space<hbm>>) target(%dma_start3A_40 : memref<10240xf32, #tpu.memory_space<vmem>>) target_semaphore(%run_scoped3A_33 : memref<!tpu.dma_semaphore, #tpu.memory_space<semaphore_mem>>)
      %dma_wait3A = arith.constant 20480 : i32
      %dma_wait3A_44 = tpu.memref_slice %arg9[%dma_wait3A] : memref<40960xf32, #tpu.memory_space<vmem>> -> memref<10240xf32, #tpu.memory_space<vmem>>
      %dma_wait3A_45 = arith.constant 0 : i32
      %dma_wait3A_46 = tpu.memref_slice %arg2[%add3A, %run_scoped3A_2, %dma_wait3A_45] : memref<32x4x10240xf32, #tpu.memory_space<hbm>> -> memref<1x1x10240xf32, #tpu.memory_space<hbm>>
      %dma_wait3A_47 = tpu.memref_squeeze %dma_wait3A_46 : memref<1x1x10240xf32, #tpu.memory_space<hbm>> -> memref<10240xf32, #tpu.memory_space<hbm>>
      %dma_wait3A_48 = arith.constant 20480 : i32
      %dma_wait3A_49 = tpu.memref_slice %arg9[%dma_wait3A_48] : memref<40960xf32, #tpu.memory_space<vmem>> -> memref<10240xf32, #tpu.memory_space<vmem>>
      %dma_wait3A_50 = arith.constant 0 : i32
      %dma_wait3A_51 = tpu.memref_slice %arg2[%add3A, %run_scoped3A_2, %dma_wait3A_50] : memref<32x4x10240xf32, #tpu.memory_space<hbm>> -> memref<1x1x10240xf32, #tpu.memory_space<hbm>>
      %dma_wait3A_52 = tpu.memref_squeeze %dma_wait3A_51 : memref<1x1x10240xf32, #tpu.memory_space<hbm>> -> memref<10240xf32, #tpu.memory_space<hbm>>
      tpu.wait_dma2 semaphore(%run_scoped3A_33 : memref<!tpu.dma_semaphore, #tpu.memory_space<semaphore_mem>>) src(%dma_wait3A_52 : memref<10240xf32, #tpu.memory_space<hbm>>) dst(%dma_wait3A_49 : memref<10240xf32, #tpu.memory_space<vmem>>)
      tpu.yield
    }) : () -> ()
    "tpu.region"() ({
      %run_scoped3A_33 = tpu.sem_alloc : memref<!tpu.dma_semaphore, #tpu.memory_space<semaphore_mem>>
      %dma_start3A_34 = arith.constant 20480 : i32
      %dma_start3A_35 = tpu.memref_slice %arg10[%dma_start3A_34] : memref<40960xf32, #tpu.memory_space<vmem>> -> memref<10240xf32, #tpu.memory_space<vmem>>
      %dma_start3A_36 = arith.constant 20480 : i32
      %dma_start3A_37 = tpu.memref_slice %arg10[%dma_start3A_36] : memref<40960xf32, #tpu.memory_space<vmem>> -> memref<10240xf32, #tpu.memory_space<vmem>>
      tpu.enqueue_dma source(%arg5 : memref<10240xf32, #tpu.memory_space<hbm>>) target(%dma_start3A_37 : memref<10240xf32, #tpu.memory_space<vmem>>) target_semaphore(%run_scoped3A_33 : memref<!tpu.dma_semaphore, #tpu.memory_space<semaphore_mem>>)
      %dma_wait3A = arith.constant 20480 : i32
      %dma_wait3A_38 = tpu.memref_slice %arg10[%dma_wait3A] : memref<40960xf32, #tpu.memory_space<vmem>> -> memref<10240xf32, #tpu.memory_space<vmem>>
      %dma_wait3A_39 = arith.constant 20480 : i32
      %dma_wait3A_40 = tpu.memref_slice %arg10[%dma_wait3A_39] : memref<40960xf32, #tpu.memory_space<vmem>> -> memref<10240xf32, #tpu.memory_space<vmem>>
      tpu.wait_dma2 semaphore(%run_scoped3A_33 : memref<!tpu.dma_semaphore, #tpu.memory_space<semaphore_mem>>) src(%arg5 : memref<10240xf32, #tpu.memory_space<hbm>>) dst(%dma_wait3A_40 : memref<10240xf32, #tpu.memory_space<vmem>>)
      tpu.yield
    }) : () -> ()
    %run_scoped3A_3 = arith.constant 3 : i32
    "tpu.region"() ({
      %run_scoped3A_33 = tpu.sem_alloc : memref<!tpu.dma_semaphore, #tpu.memory_space<semaphore_mem>>
      %dma_start3A_34 = arith.constant 30720 : i32
      %dma_start3A_35 = tpu.memref_slice %arg9[%dma_start3A_34] : memref<40960xf32, #tpu.memory_space<vmem>> -> memref<10240xf32, #tpu.memory_space<vmem>>
      %dma_start3A_36 = arith.constant 0 : i32
      %dma_start3A_37 = tpu.memref_slice %arg2[%add3A, %run_scoped3A_3, %dma_start3A_36] : memref<32x4x10240xf32, #tpu.memory_space<hbm>> -> memref<1x1x10240xf32, #tpu.memory_space<hbm>>
      %dma_start3A_38 = tpu.memref_squeeze %dma_start3A_37 : memref<1x1x10240xf32, #tpu.memory_space<hbm>> -> memref<10240xf32, #tpu.memory_space<hbm>>
      %dma_start3A_39 = arith.constant 30720 : i32
      %dma_start3A_40 = tpu.memref_slice %arg9[%dma_start3A_39] : memref<40960xf32, #tpu.memory_space<vmem>> -> memref<10240xf32, #tpu.memory_space<vmem>>
      %dma_start3A_41 = arith.constant 0 : i32
      %dma_start3A_42 = tpu.memref_slice %arg2[%add3A, %run_scoped3A_3, %dma_start3A_41] : memref<32x4x10240xf32, #tpu.memory_space<hbm>> -> memref<1x1x10240xf32, #tpu.memory_space<hbm>>
      %dma_start3A_43 = tpu.memref_squeeze %dma_start3A_42 : memref<1x1x10240xf32, #tpu.memory_space<hbm>> -> memref<10240xf32, #tpu.memory_space<hbm>>
      tpu.enqueue_dma source(%dma_start3A_43 : memref<10240xf32, #tpu.memory_space<hbm>>) target(%dma_start3A_40 : memref<10240xf32, #tpu.memory_space<vmem>>) target_semaphore(%run_scoped3A_33 : memref<!tpu.dma_semaphore, #tpu.memory_space<semaphore_mem>>)
      %dma_wait3A = arith.constant 30720 : i32
      %dma_wait3A_44 = tpu.memref_slice %arg9[%dma_wait3A] : memref<40960xf32, #tpu.memory_space<vmem>> -> memref<10240xf32, #tpu.memory_space<vmem>>
      %dma_wait3A_45 = arith.constant 0 : i32
      %dma_wait3A_46 = tpu.memref_slice %arg2[%add3A, %run_scoped3A_3, %dma_wait3A_45] : memref<32x4x10240xf32, #tpu.memory_space<hbm>> -> memref<1x1x10240xf32, #tpu.memory_space<hbm>>
      %dma_wait3A_47 = tpu.memref_squeeze %dma_wait3A_46 : memref<1x1x10240xf32, #tpu.memory_space<hbm>> -> memref<10240xf32, #tpu.memory_space<hbm>>
      %dma_wait3A_48 = arith.constant 30720 : i32
      %dma_wait3A_49 = tpu.memref_slice %arg9[%dma_wait3A_48] : memref<40960xf32, #tpu.memory_space<vmem>> -> memref<10240xf32, #tpu.memory_space<vmem>>
      %dma_wait3A_50 = arith.constant 0 : i32
      %dma_wait3A_51 = tpu.memref_slice %arg2[%add3A, %run_scoped3A_3, %dma_wait3A_50] : memref<32x4x10240xf32, #tpu.memory_space<hbm>> -> memref<1x1x10240xf32, #tpu.memory_space<hbm>>
      %dma_wait3A_52 = tpu.memref_squeeze %dma_wait3A_51 : memref<1x1x10240xf32, #tpu.memory_space<hbm>> -> memref<10240xf32, #tpu.memory_space<hbm>>
      tpu.wait_dma2 semaphore(%run_scoped3A_33 : memref<!tpu.dma_semaphore, #tpu.memory_space<semaphore_mem>>) src(%dma_wait3A_52 : memref<10240xf32, #tpu.memory_space<hbm>>) dst(%dma_wait3A_49 : memref<10240xf32, #tpu.memory_space<vmem>>)
      tpu.yield
    }) : () -> ()
    "tpu.region"() ({
      %run_scoped3A_33 = tpu.sem_alloc : memref<!tpu.dma_semaphore, #tpu.memory_space<semaphore_mem>>
      %dma_start3A_34 = arith.constant 30720 : i32
      %dma_start3A_35 = tpu.memref_slice %arg10[%dma_start3A_34] : memref<40960xf32, #tpu.memory_space<vmem>> -> memref<10240xf32, #tpu.memory_space<vmem>>
      %dma_start3A_36 = arith.constant 30720 : i32
      %dma_start3A_37 = tpu.memref_slice %arg10[%dma_start3A_36] : memref<40960xf32, #tpu.memory_space<vmem>> -> memref<10240xf32, #tpu.memory_space<vmem>>
      tpu.enqueue_dma source(%arg5 : memref<10240xf32, #tpu.memory_space<hbm>>) target(%dma_start3A_37 : memref<10240xf32, #tpu.memory_space<vmem>>) target_semaphore(%run_scoped3A_33 : memref<!tpu.dma_semaphore, #tpu.memory_space<semaphore_mem>>)
      %dma_wait3A = arith.constant 30720 : i32
      %dma_wait3A_38 = tpu.memref_slice %arg10[%dma_wait3A] : memref<40960xf32, #tpu.memory_space<vmem>> -> memref<10240xf32, #tpu.memory_space<vmem>>
      %dma_wait3A_39 = arith.constant 30720 : i32
      %dma_wait3A_40 = tpu.memref_slice %arg10[%dma_wait3A_39] : memref<40960xf32, #tpu.memory_space<vmem>> -> memref<10240xf32, #tpu.memory_space<vmem>>
      tpu.wait_dma2 semaphore(%run_scoped3A_33 : memref<!tpu.dma_semaphore, #tpu.memory_space<semaphore_mem>>) src(%arg5 : memref<10240xf32, #tpu.memory_space<hbm>>) dst(%dma_wait3A_40 : memref<10240xf32, #tpu.memory_space<vmem>>)
      tpu.yield
    }) : () -> ()
    "tpu.region"() ({
      %run_scoped3A_33 = tpu.sem_alloc : memref<!tpu.dma_semaphore, #tpu.memory_space<semaphore_mem>>
      tpu.enqueue_dma source(%arg6 : memref<10240xf32, #tpu.memory_space<hbm>>) target(%arg17 : memref<10240xf32, #tpu.memory_space<vmem>>) target_semaphore(%run_scoped3A_33 : memref<!tpu.dma_semaphore, #tpu.memory_space<semaphore_mem>>)
      tpu.wait_dma2 semaphore(%run_scoped3A_33 : memref<!tpu.dma_semaphore, #tpu.memory_space<semaphore_mem>>) src(%arg6 : memref<10240xf32, #tpu.memory_space<hbm>>) dst(%arg17 : memref<10240xf32, #tpu.memory_space<vmem>>)
      tpu.yield
    }) : () -> ()
    %broadcast_in_dim3A = arith.constant 1.000000e+00 : f32
    %broadcast_in_dim3A_4 = vector.broadcast %broadcast_in_dim3A : f32 to vector<16xf32>
    %broadcast_in_dim3A_5 = arith.constant 0 : i32
    %broadcast_in_dim3A_6 = vector.broadcast %broadcast_in_dim3A_5 : i32 to vector<16xi32>
    %broadcast_in_dim3A_7 = arith.constant 10240 : i32
    %broadcast_in_dim3A_8 = vector.broadcast %broadcast_in_dim3A_7 : i32 to vector<16xi32>
    %broadcast_in_dim3A_9 = arith.constant 20480 : i32
    %broadcast_in_dim3A_10 = vector.broadcast %broadcast_in_dim3A_9 : i32 to vector<16xi32>
    %broadcast_in_dim3A_11 = arith.constant 30720 : i32
    %broadcast_in_dim3A_12 = vector.broadcast %broadcast_in_dim3A_11 : i32 to vector<16xi32>
    %dma_start3A = arith.constant 0 : i32
    %dma_start3A_13 = tpu.memref_slice %arg4[%dma_start3A] : memref<327680xi32, #tpu.memory_space<hbm>> -> memref<2048xi32, #tpu.memory_space<hbm>>
    %dma_start3A_14 = arith.constant 0 : i32
    %dma_start3A_15 = tpu.memref_slice %arg4[%dma_start3A_14] : memref<327680xi32, #tpu.memory_space<hbm>> -> memref<2048xi32, #tpu.memory_space<hbm>>
    tpu.enqueue_dma source(%dma_start3A_15 : memref<2048xi32, #tpu.memory_space<hbm>>) target(%arg11 : memref<2048xi32, #tpu.memory_space<vmem>>) target_semaphore(%arg15 : memref<!tpu.dma_semaphore, #tpu.memory_space<semaphore_mem>>)
    %dma_start3A_16 = arith.constant 0 : i32
    %dma_start3A_17 = tpu.memref_slice %arg3[%dma_start3A_16] : memref<327680xi32, #tpu.memory_space<hbm>> -> memref<2048xi32, #tpu.memory_space<hbm>>
    %dma_start3A_18 = arith.constant 0 : i32
    %dma_start3A_19 = tpu.memref_slice %arg3[%dma_start3A_18] : memref<327680xi32, #tpu.memory_space<hbm>> -> memref<2048xi32, #tpu.memory_space<hbm>>
    tpu.enqueue_dma source(%dma_start3A_19 : memref<2048xi32, #tpu.memory_space<hbm>>) target(%arg13 : memref<2048xi32, #tpu.memory_space<vmem>>) target_semaphore(%arg15 : memref<!tpu.dma_semaphore, #tpu.memory_space<semaphore_mem>>)
    %scan3A = arith.constant 0 : i32
    %scan3A_20 = arith.constant 0 : i32
    %scan3A_21 = arith.constant 80 : i32
    %scan3A_22 = arith.addi %scan3A_20, %scan3A_21 : i32
    %scan3A_23 = arith.constant 1 : i32
    scf.for %scan3A_33 = %scan3A_20 to %scan3A_22 step %scan3A_23  : i32 {
      %mul3A_34 = arith.constant 2 : i32
      %mul3A_35 = arith.muli %mul3A_34, %scan3A_33 : i32
      %add3A_36 = arith.constant 1 : i32
      %add3A_37 = arith.addi %mul3A_35, %add3A_36 : i32
      %mul3A_38 = arith.constant 2048 : i32
      %mul3A_39 = arith.muli %add3A_37, %mul3A_38 : i32
      %dma_start3A_40 = tpu.memref_slice %arg4[%mul3A_39] : memref<327680xi32, #tpu.memory_space<hbm>> -> memref<2048xi32, #tpu.memory_space<hbm>>
      %dma_start3A_41 = tpu.memref_slice %arg4[%mul3A_39] : memref<327680xi32, #tpu.memory_space<hbm>> -> memref<2048xi32, #tpu.memory_space<hbm>>
      tpu.enqueue_dma source(%dma_start3A_41 : memref<2048xi32, #tpu.memory_space<hbm>>) target(%arg12 : memref<2048xi32, #tpu.memory_space<vmem>>) target_semaphore(%arg16 : memref<!tpu.dma_semaphore, #tpu.memory_space<semaphore_mem>>)
      %mul3A_42 = arith.constant 2048 : i32
      %mul3A_43 = arith.muli %add3A_37, %mul3A_42 : i32
      %dma_start3A_44 = tpu.memref_slice %arg3[%mul3A_43] : memref<327680xi32, #tpu.memory_space<hbm>> -> memref<2048xi32, #tpu.memory_space<hbm>>
      %dma_start3A_45 = tpu.memref_slice %arg3[%mul3A_43] : memref<327680xi32, #tpu.memory_space<hbm>> -> memref<2048xi32, #tpu.memory_space<hbm>>
      tpu.enqueue_dma source(%dma_start3A_45 : memref<2048xi32, #tpu.memory_space<hbm>>) target(%arg14 : memref<2048xi32, #tpu.memory_space<vmem>>) target_semaphore(%arg16 : memref<!tpu.dma_semaphore, #tpu.memory_space<semaphore_mem>>)
      %dma_wait3A = arith.constant 0 : i32
      %dma_wait3A_46 = tpu.memref_slice %arg4[%dma_wait3A] : memref<327680xi32, #tpu.memory_space<hbm>> -> memref<2048xi32, #tpu.memory_space<hbm>>
      %dma_wait3A_47 = arith.constant 0 : i32
      %dma_wait3A_48 = tpu.memref_slice %arg4[%dma_wait3A_47] : memref<327680xi32, #tpu.memory_space<hbm>> -> memref<2048xi32, #tpu.memory_space<hbm>>
      tpu.wait_dma2 semaphore(%arg15 : memref<!tpu.dma_semaphore, #tpu.memory_space<semaphore_mem>>) src(%dma_wait3A_48 : memref<2048xi32, #tpu.memory_space<hbm>>) dst(%arg11 : memref<2048xi32, #tpu.memory_space<vmem>>)
      %dma_wait3A_49 = arith.constant 0 : i32
      %dma_wait3A_50 = tpu.memref_slice %arg3[%dma_wait3A_49] : memref<327680xi32, #tpu.memory_space<hbm>> -> memref<2048xi32, #tpu.memory_space<hbm>>
      %dma_wait3A_51 = arith.constant 0 : i32
      %dma_wait3A_52 = tpu.memref_slice %arg3[%dma_wait3A_51] : memref<327680xi32, #tpu.memory_space<hbm>> -> memref<2048xi32, #tpu.memory_space<hbm>>
      tpu.wait_dma2 semaphore(%arg15 : memref<!tpu.dma_semaphore, #tpu.memory_space<semaphore_mem>>) src(%dma_wait3A_52 : memref<2048xi32, #tpu.memory_space<hbm>>) dst(%arg13 : memref<2048xi32, #tpu.memory_space<vmem>>)
      %scan3A_53 = arith.constant 0 : i32
      %scan3A_54 = arith.constant 0 : i32
      %scan3A_55 = arith.constant 32 : i32
      %scan3A_56 = arith.addi %scan3A_54, %scan3A_55 : i32
      %scan3A_57 = arith.constant 1 : i32
      scf.for %scan3A_75 = %scan3A_54 to %scan3A_56 step %scan3A_57  : i32 {
        %mul3A_76 = arith.constant 4 : i32
        %mul3A_77 = arith.muli %scan3A_75, %mul3A_76 : i32
        %add3A_78 = arith.constant 0 : i32
        %add3A_79 = arith.addi %mul3A_77, %add3A_78 : i32
        %mul3A_80 = arith.constant 16 : i32
        %mul3A_81 = arith.muli %add3A_79, %mul3A_80 : i32
        %get3A = arith.index_cast %mul3A_81 : i32 to index
        %get3A_82 = tpu.vector_load %arg11[%get3A] {strides = array<i32>} : memref<2048xi32, #tpu.memory_space<vmem>>, vector<16xi32>,
        %get3A_83 = arith.index_cast %mul3A_81 : i32 to index
        %get3A_84 = tpu.vector_load %arg13[%get3A_83] {strides = array<i32>} : memref<2048xi32, #tpu.memory_space<vmem>>, vector<16xi32>,
        %add3A_85 = arith.addi %get3A_82, %broadcast_in_dim3A_6 : vector<16xi32>
        %gather3A = tpu.vector_load_idx %arg9[%add3A_85] : memref<40960xf32, #tpu.memory_space<vmem>>[vector<16xi32>], vector<16xf32>,
        %add3A_86 = arith.addi %get3A_84, %broadcast_in_dim3A_6 : vector<16xi32>
        tpu.vector_store_idx %arg10[%add3A_86], %gather3A {add = true} : memref<40960xf32, #tpu.memory_space<vmem>>[vector<16xi32>], vector<16xf32>,
        %add3A_87 = arith.addi %get3A_82, %broadcast_in_dim3A_8 : vector<16xi32>
        %gather3A_88 = tpu.vector_load_idx %arg9[%add3A_87] : memref<40960xf32, #tpu.memory_space<vmem>>[vector<16xi32>], vector<16xf32>,
        %add3A_89 = arith.addi %get3A_84, %broadcast_in_dim3A_8 : vector<16xi32>
        tpu.vector_store_idx %arg10[%add3A_89], %gather3A_88 {add = true} : memref<40960xf32, #tpu.memory_space<vmem>>[vector<16xi32>], vector<16xf32>,
        %add3A_90 = arith.addi %get3A_82, %broadcast_in_dim3A_10 : vector<16xi32>
        %gather3A_91 = tpu.vector_load_idx %arg9[%add3A_90] : memref<40960xf32, #tpu.memory_space<vmem>>[vector<16xi32>], vector<16xf32>,
        %add3A_92 = arith.addi %get3A_84, %broadcast_in_dim3A_10 : vector<16xi32>
        tpu.vector_store_idx %arg10[%add3A_92], %gather3A_91 {add = true} : memref<40960xf32, #tpu.memory_space<vmem>>[vector<16xi32>], vector<16xf32>,
        %add3A_93 = arith.addi %get3A_82, %broadcast_in_dim3A_12 : vector<16xi32>
        %gather3A_94 = tpu.vector_load_idx %arg9[%add3A_93] : memref<40960xf32, #tpu.memory_space<vmem>>[vector<16xi32>], vector<16xf32>,
        %add3A_95 = arith.addi %get3A_84, %broadcast_in_dim3A_12 : vector<16xi32>
        tpu.vector_store_idx %arg10[%add3A_95], %gather3A_94 {add = true} : memref<40960xf32, #tpu.memory_space<vmem>>[vector<16xi32>], vector<16xf32>,
        tpu.vector_store_idx %arg17[%get3A_84], %broadcast_in_dim3A_4 {add = true} : memref<10240xf32, #tpu.memory_space<vmem>>[vector<16xi32>], vector<16xf32>,
        %mul3A_96 = arith.constant 4 : i32
        %mul3A_97 = arith.muli %scan3A_75, %mul3A_96 : i32
        %add3A_98 = arith.constant 1 : i32
        %add3A_99 = arith.addi %mul3A_97, %add3A_98 : i32
        %mul3A_100 = arith.constant 16 : i32
        %mul3A_101 = arith.muli %add3A_99, %mul3A_100 : i32
        %get3A_102 = arith.index_cast %mul3A_101 : i32 to index
        %get3A_103 = tpu.vector_load %arg11[%get3A_102] {strides = array<i32>} : memref<2048xi32, #tpu.memory_space<vmem>>, vector<16xi32>,
        %get3A_104 = arith.index_cast %mul3A_101 : i32 to index
        %get3A_105 = tpu.vector_load %arg13[%get3A_104] {strides = array<i32>} : memref<2048xi32, #tpu.memory_space<vmem>>, vector<16xi32>,
        %add3A_106 = arith.addi %get3A_103, %broadcast_in_dim3A_6 : vector<16xi32>
        %gather3A_107 = tpu.vector_load_idx %arg9[%add3A_106] : memref<40960xf32, #tpu.memory_space<vmem>>[vector<16xi32>], vector<16xf32>,
        %add3A_108 = arith.addi %get3A_105, %broadcast_in_dim3A_6 : vector<16xi32>
        tpu.vector_store_idx %arg10[%add3A_108], %gather3A_107 {add = true} : memref<40960xf32, #tpu.memory_space<vmem>>[vector<16xi32>], vector<16xf32>,
        %add3A_109 = arith.addi %get3A_103, %broadcast_in_dim3A_8 : vector<16xi32>
        %gather3A_110 = tpu.vector_load_idx %arg9[%add3A_109] : memref<40960xf32, #tpu.memory_space<vmem>>[vector<16xi32>], vector<16xf32>,
        %add3A_111 = arith.addi %get3A_105, %broadcast_in_dim3A_8 : vector<16xi32>
        tpu.vector_store_idx %arg10[%add3A_111], %gather3A_110 {add = true} : memref<40960xf32, #tpu.memory_space<vmem>>[vector<16xi32>], vector<16xf32>,
        %add3A_112 = arith.addi %get3A_103, %broadcast_in_dim3A_10 : vector<16xi32>
        %gather3A_113 = tpu.vector_load_idx %arg9[%add3A_112] : memref<40960xf32, #tpu.memory_space<vmem>>[vector<16xi32>], vector<16xf32>,
        %add3A_114 = arith.addi %get3A_105, %broadcast_in_dim3A_10 : vector<16xi32>
        tpu.vector_store_idx %arg10[%add3A_114], %gather3A_113 {add = true} : memref<40960xf32, #tpu.memory_space<vmem>>[vector<16xi32>], vector<16xf32>,
        %add3A_115 = arith.addi %get3A_103, %broadcast_in_dim3A_12 : vector<16xi32>
        %gather3A_116 = tpu.vector_load_idx %arg9[%add3A_115] : memref<40960xf32, #tpu.memory_space<vmem>>[vector<16xi32>], vector<16xf32>,
        %add3A_117 = arith.addi %get3A_105, %broadcast_in_dim3A_12 : vector<16xi32>
        tpu.vector_store_idx %arg10[%add3A_117], %gather3A_116 {add = true} : memref<40960xf32, #tpu.memory_space<vmem>>[vector<16xi32>], vector<16xf32>,
        tpu.vector_store_idx %arg17[%get3A_105], %broadcast_in_dim3A_4 {add = true} : memref<10240xf32, #tpu.memory_space<vmem>>[vector<16xi32>], vector<16xf32>,
        %mul3A_118 = arith.constant 4 : i32
        %mul3A_119 = arith.muli %scan3A_75, %mul3A_118 : i32
        %add3A_120 = arith.constant 2 : i32
        %add3A_121 = arith.addi %mul3A_119, %add3A_120 : i32
        %mul3A_122 = arith.constant 16 : i32
        %mul3A_123 = arith.muli %add3A_121, %mul3A_122 : i32
        %get3A_124 = arith.index_cast %mul3A_123 : i32 to index
        %get3A_125 = tpu.vector_load %arg11[%get3A_124] {strides = array<i32>} : memref<2048xi32, #tpu.memory_space<vmem>>, vector<16xi32>,
        %get3A_126 = arith.index_cast %mul3A_123 : i32 to index
        %get3A_127 = tpu.vector_load %arg13[%get3A_126] {strides = array<i32>} : memref<2048xi32, #tpu.memory_space<vmem>>, vector<16xi32>,
        %add3A_128 = arith.addi %get3A_125, %broadcast_in_dim3A_6 : vector<16xi32>
        %gather3A_129 = tpu.vector_load_idx %arg9[%add3A_128] : memref<40960xf32, #tpu.memory_space<vmem>>[vector<16xi32>], vector<16xf32>,
        %add3A_130 = arith.addi %get3A_127, %broadcast_in_dim3A_6 : vector<16xi32>
        tpu.vector_store_idx %arg10[%add3A_130], %gather3A_129 {add = true} : memref<40960xf32, #tpu.memory_space<vmem>>[vector<16xi32>], vector<16xf32>,
        %add3A_131 = arith.addi %get3A_125, %broadcast_in_dim3A_8 : vector<16xi32>
        %gather3A_132 = tpu.vector_load_idx %arg9[%add3A_131] : memref<40960xf32, #tpu.memory_space<vmem>>[vector<16xi32>], vector<16xf32>,
        %add3A_133 = arith.addi %get3A_127, %broadcast_in_dim3A_8 : vector<16xi32>
        tpu.vector_store_idx %arg10[%add3A_133], %gather3A_132 {add = true} : memref<40960xf32, #tpu.memory_space<vmem>>[vector<16xi32>], vector<16xf32>,
        %add3A_134 = arith.addi %get3A_125, %broadcast_in_dim3A_10 : vector<16xi32>
        %gather3A_135 = tpu.vector_load_idx %arg9[%add3A_134] : memref<40960xf32, #tpu.memory_space<vmem>>[vector<16xi32>], vector<16xf32>,
        %add3A_136 = arith.addi %get3A_127, %broadcast_in_dim3A_10 : vector<16xi32>
        tpu.vector_store_idx %arg10[%add3A_136], %gather3A_135 {add = true} : memref<40960xf32, #tpu.memory_space<vmem>>[vector<16xi32>], vector<16xf32>,
        %add3A_137 = arith.addi %get3A_125, %broadcast_in_dim3A_12 : vector<16xi32>
        %gather3A_138 = tpu.vector_load_idx %arg9[%add3A_137] : memref<40960xf32, #tpu.memory_space<vmem>>[vector<16xi32>], vector<16xf32>,
        %add3A_139 = arith.addi %get3A_127, %broadcast_in_dim3A_12 : vector<16xi32>
        tpu.vector_store_idx %arg10[%add3A_139], %gather3A_138 {add = true} : memref<40960xf32, #tpu.memory_space<vmem>>[vector<16xi32>], vector<16xf32>,
        tpu.vector_store_idx %arg17[%get3A_127], %broadcast_in_dim3A_4 {add = true} : memref<10240xf32, #tpu.memory_space<vmem>>[vector<16xi32>], vector<16xf32>,
        %mul3A_140 = arith.constant 4 : i32
        %mul3A_141 = arith.muli %scan3A_75, %mul3A_140 : i32
        %add3A_142 = arith.constant 3 : i32
        %add3A_143 = arith.addi %mul3A_141, %add3A_142 : i32
        %mul3A_144 = arith.constant 16 : i32
        %mul3A_145 = arith.muli %add3A_143, %mul3A_144 : i32
        %get3A_146 = arith.index_cast %mul3A_145 : i32 to index
        %get3A_147 = tpu.vector_load %arg11[%get3A_146] {strides = array<i32>} : memref<2048xi32, #tpu.memory_space<vmem>>, vector<16xi32>,
        %get3A_148 = arith.index_cast %mul3A_145 : i32 to index
        %get3A_149 = tpu.vector_load %arg13[%get3A_148] {strides = array<i32>} : memref<2048xi32, #tpu.memory_space<vmem>>, vector<16xi32>,
        %add3A_150 = arith.addi %get3A_147, %broadcast_in_dim3A_6 : vector<16xi32>
        %gather3A_151 = tpu.vector_load_idx %arg9[%add3A_150] : memref<40960xf32, #tpu.memory_space<vmem>>[vector<16xi32>], vector<16xf32>,
        %add3A_152 = arith.addi %get3A_149, %broadcast_in_dim3A_6 : vector<16xi32>
        tpu.vector_store_idx %arg10[%add3A_152], %gather3A_151 {add = true} : memref<40960xf32, #tpu.memory_space<vmem>>[vector<16xi32>], vector<16xf32>,
        %add3A_153 = arith.addi %get3A_147, %broadcast_in_dim3A_8 : vector<16xi32>
        %gather3A_154 = tpu.vector_load_idx %arg9[%add3A_153] : memref<40960xf32, #tpu.memory_space<vmem>>[vector<16xi32>], vector<16xf32>,
        %add3A_155 = arith.addi %get3A_149, %broadcast_in_dim3A_8 : vector<16xi32>
        tpu.vector_store_idx %arg10[%add3A_155], %gather3A_154 {add = true} : memref<40960xf32, #tpu.memory_space<vmem>>[vector<16xi32>], vector<16xf32>,
        %add3A_156 = arith.addi %get3A_147, %broadcast_in_dim3A_10 : vector<16xi32>
        %gather3A_157 = tpu.vector_load_idx %arg9[%add3A_156] : memref<40960xf32, #tpu.memory_space<vmem>>[vector<16xi32>], vector<16xf32>,
        %add3A_158 = arith.addi %get3A_149, %broadcast_in_dim3A_10 : vector<16xi32>
        tpu.vector_store_idx %arg10[%add3A_158], %gather3A_157 {add = true} : memref<40960xf32, #tpu.memory_space<vmem>>[vector<16xi32>], vector<16xf32>,
        %add3A_159 = arith.addi %get3A_147, %broadcast_in_dim3A_12 : vector<16xi32>
        %gather3A_160 = tpu.vector_load_idx %arg9[%add3A_159] : memref<40960xf32, #tpu.memory_space<vmem>>[vector<16xi32>], vector<16xf32>,
        %add3A_161 = arith.addi %get3A_149, %broadcast_in_dim3A_12 : vector<16xi32>
        tpu.vector_store_idx %arg10[%add3A_161], %gather3A_160 {add = true} : memref<40960xf32, #tpu.memory_space<vmem>>[vector<16xi32>], vector<16xf32>,
        tpu.vector_store_idx %arg17[%get3A_149], %broadcast_in_dim3A_4 {add = true} : memref<10240xf32, #tpu.memory_space<vmem>>[vector<16xi32>], vector<16xf32>,
      }
      %scan3A_58 = arith.constant 32 : i32
      %lt3A = arith.constant 79 : i32
      %lt3A_59 = arith.cmpi slt, %scan3A_33, %lt3A : i32
      %convert_element_type3A = arith.extui %lt3A_59 : i1 to i32
      %cond3A = arith.constant 0 : i32
      %cond3A_60 = arith.cmpi ne, %convert_element_type3A, %cond3A : i32
      scf.if %cond3A_60 {
        %add3A_75 = arith.constant 2 : i32
        %add3A_76 = arith.addi %mul3A_35, %add3A_75 : i32
        %mul3A_77 = arith.constant 2048 : i32
        %mul3A_78 = arith.muli %add3A_76, %mul3A_77 : i32
        %dma_start3A_79 = tpu.memref_slice %arg4[%mul3A_78] : memref<327680xi32, #tpu.memory_space<hbm>> -> memref<2048xi32, #tpu.memory_space<hbm>>
        %dma_start3A_80 = tpu.memref_slice %arg4[%mul3A_78] : memref<327680xi32, #tpu.memory_space<hbm>> -> memref<2048xi32, #tpu.memory_space<hbm>>
        tpu.enqueue_dma source(%dma_start3A_80 : memref<2048xi32, #tpu.memory_space<hbm>>) target(%arg11 : memref<2048xi32, #tpu.memory_space<vmem>>) target_semaphore(%arg15 : memref<!tpu.dma_semaphore, #tpu.memory_space<semaphore_mem>>)
        %mul3A_81 = arith.constant 2048 : i32
        %mul3A_82 = arith.muli %add3A_76, %mul3A_81 : i32
        %dma_start3A_83 = tpu.memref_slice %arg3[%mul3A_82] : memref<327680xi32, #tpu.memory_space<hbm>> -> memref<2048xi32, #tpu.memory_space<hbm>>
        %dma_start3A_84 = tpu.memref_slice %arg3[%mul3A_82] : memref<327680xi32, #tpu.memory_space<hbm>> -> memref<2048xi32, #tpu.memory_space<hbm>>
        tpu.enqueue_dma source(%dma_start3A_84 : memref<2048xi32, #tpu.memory_space<hbm>>) target(%arg13 : memref<2048xi32, #tpu.memory_space<vmem>>) target_semaphore(%arg15 : memref<!tpu.dma_semaphore, #tpu.memory_space<semaphore_mem>>)
      } else {
      }
      %dma_wait3A_61 = arith.constant 0 : i32
      %dma_wait3A_62 = tpu.memref_slice %arg4[%dma_wait3A_61] : memref<327680xi32, #tpu.memory_space<hbm>> -> memref<2048xi32, #tpu.memory_space<hbm>>
      %dma_wait3A_63 = arith.constant 0 : i32
      %dma_wait3A_64 = tpu.memref_slice %arg4[%dma_wait3A_63] : memref<327680xi32, #tpu.memory_space<hbm>> -> memref<2048xi32, #tpu.memory_space<hbm>>
      tpu.wait_dma2 semaphore(%arg16 : memref<!tpu.dma_semaphore, #tpu.memory_space<semaphore_mem>>) src(%dma_wait3A_64 : memref<2048xi32, #tpu.memory_space<hbm>>) dst(%arg12 : memref<2048xi32, #tpu.memory_space<vmem>>)
      %dma_wait3A_65 = arith.constant 0 : i32
      %dma_wait3A_66 = tpu.memref_slice %arg3[%dma_wait3A_65] : memref<327680xi32, #tpu.memory_space<hbm>> -> memref<2048xi32, #tpu.memory_space<hbm>>
      %dma_wait3A_67 = arith.constant 0 : i32
      %dma_wait3A_68 = tpu.memref_slice %arg3[%dma_wait3A_67] : memref<327680xi32, #tpu.memory_space<hbm>> -> memref<2048xi32, #tpu.memory_space<hbm>>
      tpu.wait_dma2 semaphore(%arg16 : memref<!tpu.dma_semaphore, #tpu.memory_space<semaphore_mem>>) src(%dma_wait3A_68 : memref<2048xi32, #tpu.memory_space<hbm>>) dst(%arg14 : memref<2048xi32, #tpu.memory_space<vmem>>)
      %scan3A_69 = arith.constant 0 : i32
      %scan3A_70 = arith.constant 0 : i32
      %scan3A_71 = arith.constant 32 : i32
      %scan3A_72 = arith.addi %scan3A_70, %scan3A_71 : i32
      %scan3A_73 = arith.constant 1 : i32
      scf.for %scan3A_75 = %scan3A_70 to %scan3A_72 step %scan3A_73  : i32 {
        %mul3A_76 = arith.constant 4 : i32
        %mul3A_77 = arith.muli %scan3A_75, %mul3A_76 : i32
        %add3A_78 = arith.constant 0 : i32
        %add3A_79 = arith.addi %mul3A_77, %add3A_78 : i32
        %mul3A_80 = arith.constant 16 : i32
        %mul3A_81 = arith.muli %add3A_79, %mul3A_80 : i32
        %get3A = arith.index_cast %mul3A_81 : i32 to index
        %get3A_82 = tpu.vector_load %arg12[%get3A] {strides = array<i32>} : memref<2048xi32, #tpu.memory_space<vmem>>, vector<16xi32>,
        %get3A_83 = arith.index_cast %mul3A_81 : i32 to index
        %get3A_84 = tpu.vector_load %arg14[%get3A_83] {strides = array<i32>} : memref<2048xi32, #tpu.memory_space<vmem>>, vector<16xi32>,
        %add3A_85 = arith.addi %get3A_82, %broadcast_in_dim3A_6 : vector<16xi32>
        %gather3A = tpu.vector_load_idx %arg9[%add3A_85] : memref<40960xf32, #tpu.memory_space<vmem>>[vector<16xi32>], vector<16xf32>,
        %add3A_86 = arith.addi %get3A_84, %broadcast_in_dim3A_6 : vector<16xi32>
        tpu.vector_store_idx %arg10[%add3A_86], %gather3A {add = true} : memref<40960xf32, #tpu.memory_space<vmem>>[vector<16xi32>], vector<16xf32>,
        %add3A_87 = arith.addi %get3A_82, %broadcast_in_dim3A_8 : vector<16xi32>
        %gather3A_88 = tpu.vector_load_idx %arg9[%add3A_87] : memref<40960xf32, #tpu.memory_space<vmem>>[vector<16xi32>], vector<16xf32>,
        %add3A_89 = arith.addi %get3A_84, %broadcast_in_dim3A_8 : vector<16xi32>
        tpu.vector_store_idx %arg10[%add3A_89], %gather3A_88 {add = true} : memref<40960xf32, #tpu.memory_space<vmem>>[vector<16xi32>], vector<16xf32>,
        %add3A_90 = arith.addi %get3A_82, %broadcast_in_dim3A_10 : vector<16xi32>
        %gather3A_91 = tpu.vector_load_idx %arg9[%add3A_90] : memref<40960xf32, #tpu.memory_space<vmem>>[vector<16xi32>], vector<16xf32>,
        %add3A_92 = arith.addi %get3A_84, %broadcast_in_dim3A_10 : vector<16xi32>
        tpu.vector_store_idx %arg10[%add3A_92], %gather3A_91 {add = true} : memref<40960xf32, #tpu.memory_space<vmem>>[vector<16xi32>], vector<16xf32>,
        %add3A_93 = arith.addi %get3A_82, %broadcast_in_dim3A_12 : vector<16xi32>
        %gather3A_94 = tpu.vector_load_idx %arg9[%add3A_93] : memref<40960xf32, #tpu.memory_space<vmem>>[vector<16xi32>], vector<16xf32>,
        %add3A_95 = arith.addi %get3A_84, %broadcast_in_dim3A_12 : vector<16xi32>
        tpu.vector_store_idx %arg10[%add3A_95], %gather3A_94 {add = true} : memref<40960xf32, #tpu.memory_space<vmem>>[vector<16xi32>], vector<16xf32>,
        tpu.vector_store_idx %arg17[%get3A_84], %broadcast_in_dim3A_4 {add = true} : memref<10240xf32, #tpu.memory_space<vmem>>[vector<16xi32>], vector<16xf32>,
        %mul3A_96 = arith.constant 4 : i32
        %mul3A_97 = arith.muli %scan3A_75, %mul3A_96 : i32
        %add3A_98 = arith.constant 1 : i32
        %add3A_99 = arith.addi %mul3A_97, %add3A_98 : i32
        %mul3A_100 = arith.constant 16 : i32
        %mul3A_101 = arith.muli %add3A_99, %mul3A_100 : i32
        %get3A_102 = arith.index_cast %mul3A_101 : i32 to index
        %get3A_103 = tpu.vector_load %arg12[%get3A_102] {strides = array<i32>} : memref<2048xi32, #tpu.memory_space<vmem>>, vector<16xi32>,
        %get3A_104 = arith.index_cast %mul3A_101 : i32 to index
        %get3A_105 = tpu.vector_load %arg14[%get3A_104] {strides = array<i32>} : memref<2048xi32, #tpu.memory_space<vmem>>, vector<16xi32>,
        %add3A_106 = arith.addi %get3A_103, %broadcast_in_dim3A_6 : vector<16xi32>
        %gather3A_107 = tpu.vector_load_idx %arg9[%add3A_106] : memref<40960xf32, #tpu.memory_space<vmem>>[vector<16xi32>], vector<16xf32>,
        %add3A_108 = arith.addi %get3A_105, %broadcast_in_dim3A_6 : vector<16xi32>
        tpu.vector_store_idx %arg10[%add3A_108], %gather3A_107 {add = true} : memref<40960xf32, #tpu.memory_space<vmem>>[vector<16xi32>], vector<16xf32>,
        %add3A_109 = arith.addi %get3A_103, %broadcast_in_dim3A_8 : vector<16xi32>
        %gather3A_110 = tpu.vector_load_idx %arg9[%add3A_109] : memref<40960xf32, #tpu.memory_space<vmem>>[vector<16xi32>], vector<16xf32>,
        %add3A_111 = arith.addi %get3A_105, %broadcast_in_dim3A_8 : vector<16xi32>
        tpu.vector_store_idx %arg10[%add3A_111], %gather3A_110 {add = true} : memref<40960xf32, #tpu.memory_space<vmem>>[vector<16xi32>], vector<16xf32>,
        %add3A_112 = arith.addi %get3A_103, %broadcast_in_dim3A_10 : vector<16xi32>
        %gather3A_113 = tpu.vector_load_idx %arg9[%add3A_112] : memref<40960xf32, #tpu.memory_space<vmem>>[vector<16xi32>], vector<16xf32>,
        %add3A_114 = arith.addi %get3A_105, %broadcast_in_dim3A_10 : vector<16xi32>
        tpu.vector_store_idx %arg10[%add3A_114], %gather3A_113 {add = true} : memref<40960xf32, #tpu.memory_space<vmem>>[vector<16xi32>], vector<16xf32>,
        %add3A_115 = arith.addi %get3A_103, %broadcast_in_dim3A_12 : vector<16xi32>
        %gather3A_116 = tpu.vector_load_idx %arg9[%add3A_115] : memref<40960xf32, #tpu.memory_space<vmem>>[vector<16xi32>], vector<16xf32>,
        %add3A_117 = arith.addi %get3A_105, %broadcast_in_dim3A_12 : vector<16xi32>
        tpu.vector_store_idx %arg10[%add3A_117], %gather3A_116 {add = true} : memref<40960xf32, #tpu.memory_space<vmem>>[vector<16xi32>], vector<16xf32>,
        tpu.vector_store_idx %arg17[%get3A_105], %broadcast_in_dim3A_4 {add = true} : memref<10240xf32, #tpu.memory_space<vmem>>[vector<16xi32>], vector<16xf32>,
        %mul3A_118 = arith.constant 4 : i32
        %mul3A_119 = arith.muli %scan3A_75, %mul3A_118 : i32
        %add3A_120 = arith.constant 2 : i32
        %add3A_121 = arith.addi %mul3A_119, %add3A_120 : i32
        %mul3A_122 = arith.constant 16 : i32
        %mul3A_123 = arith.muli %add3A_121, %mul3A_122 : i32
        %get3A_124 = arith.index_cast %mul3A_123 : i32 to index
        %get3A_125 = tpu.vector_load %arg12[%get3A_124] {strides = array<i32>} : memref<2048xi32, #tpu.memory_space<vmem>>, vector<16xi32>,
        %get3A_126 = arith.index_cast %mul3A_123 : i32 to index
        %get3A_127 = tpu.vector_load %arg14[%get3A_126] {strides = array<i32>} : memref<2048xi32, #tpu.memory_space<vmem>>, vector<16xi32>,
        %add3A_128 = arith.addi %get3A_125, %broadcast_in_dim3A_6 : vector<16xi32>
        %gather3A_129 = tpu.vector_load_idx %arg9[%add3A_128] : memref<40960xf32, #tpu.memory_space<vmem>>[vector<16xi32>], vector<16xf32>,
        %add3A_130 = arith.addi %get3A_127, %broadcast_in_dim3A_6 : vector<16xi32>
        tpu.vector_store_idx %arg10[%add3A_130], %gather3A_129 {add = true} : memref<40960xf32, #tpu.memory_space<vmem>>[vector<16xi32>], vector<16xf32>,
        %add3A_131 = arith.addi %get3A_125, %broadcast_in_dim3A_8 : vector<16xi32>
        %gather3A_132 = tpu.vector_load_idx %arg9[%add3A_131] : memref<40960xf32, #tpu.memory_space<vmem>>[vector<16xi32>], vector<16xf32>,
        %add3A_133 = arith.addi %get3A_127, %broadcast_in_dim3A_8 : vector<16xi32>
        tpu.vector_store_idx %arg10[%add3A_133], %gather3A_132 {add = true} : memref<40960xf32, #tpu.memory_space<vmem>>[vector<16xi32>], vector<16xf32>,
        %add3A_134 = arith.addi %get3A_125, %broadcast_in_dim3A_10 : vector<16xi32>
        %gather3A_135 = tpu.vector_load_idx %arg9[%add3A_134] : memref<40960xf32, #tpu.memory_space<vmem>>[vector<16xi32>], vector<16xf32>,
        %add3A_136 = arith.addi %get3A_127, %broadcast_in_dim3A_10 : vector<16xi32>
        tpu.vector_store_idx %arg10[%add3A_136], %gather3A_135 {add = true} : memref<40960xf32, #tpu.memory_space<vmem>>[vector<16xi32>], vector<16xf32>,
        %add3A_137 = arith.addi %get3A_125, %broadcast_in_dim3A_12 : vector<16xi32>
        %gather3A_138 = tpu.vector_load_idx %arg9[%add3A_137] : memref<40960xf32, #tpu.memory_space<vmem>>[vector<16xi32>], vector<16xf32>,
        %add3A_139 = arith.addi %get3A_127, %broadcast_in_dim3A_12 : vector<16xi32>
        tpu.vector_store_idx %arg10[%add3A_139], %gather3A_138 {add = true} : memref<40960xf32, #tpu.memory_space<vmem>>[vector<16xi32>], vector<16xf32>,
        tpu.vector_store_idx %arg17[%get3A_127], %broadcast_in_dim3A_4 {add = true} : memref<10240xf32, #tpu.memory_space<vmem>>[vector<16xi32>], vector<16xf32>,
        %mul3A_140 = arith.constant 4 : i32
        %mul3A_141 = arith.muli %scan3A_75, %mul3A_140 : i32
        %add3A_142 = arith.constant 3 : i32
        %add3A_143 = arith.addi %mul3A_141, %add3A_142 : i32
        %mul3A_144 = arith.constant 16 : i32
        %mul3A_145 = arith.muli %add3A_143, %mul3A_144 : i32
        %get3A_146 = arith.index_cast %mul3A_145 : i32 to index
        %get3A_147 = tpu.vector_load %arg12[%get3A_146] {strides = array<i32>} : memref<2048xi32, #tpu.memory_space<vmem>>, vector<16xi32>,
        %get3A_148 = arith.index_cast %mul3A_145 : i32 to index
        %get3A_149 = tpu.vector_load %arg14[%get3A_148] {strides = array<i32>} : memref<2048xi32, #tpu.memory_space<vmem>>, vector<16xi32>,
        %add3A_150 = arith.addi %get3A_147, %broadcast_in_dim3A_6 : vector<16xi32>
        %gather3A_151 = tpu.vector_load_idx %arg9[%add3A_150] : memref<40960xf32, #tpu.memory_space<vmem>>[vector<16xi32>], vector<16xf32>,
        %add3A_152 = arith.addi %get3A_149, %broadcast_in_dim3A_6 : vector<16xi32>
        tpu.vector_store_idx %arg10[%add3A_152], %gather3A_151 {add = true} : memref<40960xf32, #tpu.memory_space<vmem>>[vector<16xi32>], vector<16xf32>,
        %add3A_153 = arith.addi %get3A_147, %broadcast_in_dim3A_8 : vector<16xi32>
        %gather3A_154 = tpu.vector_load_idx %arg9[%add3A_153] : memref<40960xf32, #tpu.memory_space<vmem>>[vector<16xi32>], vector<16xf32>,
        %add3A_155 = arith.addi %get3A_149, %broadcast_in_dim3A_8 : vector<16xi32>
        tpu.vector_store_idx %arg10[%add3A_155], %gather3A_154 {add = true} : memref<40960xf32, #tpu.memory_space<vmem>>[vector<16xi32>], vector<16xf32>,
        %add3A_156 = arith.addi %get3A_147, %broadcast_in_dim3A_10 : vector<16xi32>
        %gather3A_157 = tpu.vector_load_idx %arg9[%add3A_156] : memref<40960xf32, #tpu.memory_space<vmem>>[vector<16xi32>], vector<16xf32>,
        %add3A_158 = arith.addi %get3A_149, %broadcast_in_dim3A_10 : vector<16xi32>
        tpu.vector_store_idx %arg10[%add3A_158], %gather3A_157 {add = true} : memref<40960xf32, #tpu.memory_space<vmem>>[vector<16xi32>], vector<16xf32>,
        %add3A_159 = arith.addi %get3A_147, %broadcast_in_dim3A_12 : vector<16xi32>
        %gather3A_160 = tpu.vector_load_idx %arg9[%add3A_159] : memref<40960xf32, #tpu.memory_space<vmem>>[vector<16xi32>], vector<16xf32>,
        %add3A_161 = arith.addi %get3A_149, %broadcast_in_dim3A_12 : vector<16xi32>
        tpu.vector_store_idx %arg10[%add3A_161], %gather3A_160 {add = true} : memref<40960xf32, #tpu.memory_space<vmem>>[vector<16xi32>], vector<16xf32>,
        tpu.vector_store_idx %arg17[%get3A_149], %broadcast_in_dim3A_4 {add = true} : memref<10240xf32, #tpu.memory_space<vmem>>[vector<16xi32>], vector<16xf32>,
      }
      %scan3A_74 = arith.constant 32 : i32
    }
    %scan3A_24 = arith.constant 80 : i32
    %run_scoped3A_25 = arith.constant 0 : i32
    "tpu.region"() ({
      %run_scoped3A_33 = tpu.sem_alloc : memref<!tpu.dma_semaphore, #tpu.memory_space<semaphore_mem>>
      %dma_start3A_34 = arith.constant 0 : i32
      %dma_start3A_35 = tpu.memref_slice %arg10[%dma_start3A_34] : memref<40960xf32, #tpu.memory_space<vmem>> -> memref<10240xf32, #tpu.memory_space<vmem>>
      %dma_start3A_36 = arith.constant 0 : i32
      %dma_start3A_37 = tpu.memref_slice %arg7[%add3A, %run_scoped3A_25, %dma_start3A_36] : memref<32x4x10240xf32, #tpu.memory_space<hbm>> -> memref<1x1x10240xf32, #tpu.memory_space<hbm>>
      %dma_start3A_38 = tpu.memref_squeeze %dma_start3A_37 : memref<1x1x10240xf32, #tpu.memory_space<hbm>> -> memref<10240xf32, #tpu.memory_space<hbm>>
      %dma_start3A_39 = arith.constant 0 : i32
      %dma_start3A_40 = tpu.memref_slice %arg7[%add3A, %run_scoped3A_25, %dma_start3A_39] : memref<32x4x10240xf32, #tpu.memory_space<hbm>> -> memref<1x1x10240xf32, #tpu.memory_space<hbm>>
      %dma_start3A_41 = tpu.memref_squeeze %dma_start3A_40 : memref<1x1x10240xf32, #tpu.memory_space<hbm>> -> memref<10240xf32, #tpu.memory_space<hbm>>
      %dma_start3A_42 = arith.constant 0 : i32
      %dma_start3A_43 = tpu.memref_slice %arg10[%dma_start3A_42] : memref<40960xf32, #tpu.memory_space<vmem>> -> memref<10240xf32, #tpu.memory_space<vmem>>
      tpu.enqueue_dma source(%dma_start3A_43 : memref<10240xf32, #tpu.memory_space<vmem>>) target(%dma_start3A_41 : memref<10240xf32, #tpu.memory_space<hbm>>) target_semaphore(%run_scoped3A_33 : memref<!tpu.dma_semaphore, #tpu.memory_space<semaphore_mem>>)
      %dma_wait3A = arith.constant 0 : i32
      %dma_wait3A_44 = tpu.memref_slice %arg10[%dma_wait3A] : memref<40960xf32, #tpu.memory_space<vmem>> -> memref<10240xf32, #tpu.memory_space<vmem>>
      %dma_wait3A_45 = arith.constant 0 : i32
      %dma_wait3A_46 = tpu.memref_slice %arg7[%add3A, %run_scoped3A_25, %dma_wait3A_45] : memref<32x4x10240xf32, #tpu.memory_space<hbm>> -> memref<1x1x10240xf32, #tpu.memory_space<hbm>>
      %dma_wait3A_47 = tpu.memref_squeeze %dma_wait3A_46 : memref<1x1x10240xf32, #tpu.memory_space<hbm>> -> memref<10240xf32, #tpu.memory_space<hbm>>
      %dma_wait3A_48 = arith.constant 0 : i32
      %dma_wait3A_49 = tpu.memref_slice %arg7[%add3A, %run_scoped3A_25, %dma_wait3A_48] : memref<32x4x10240xf32, #tpu.memory_space<hbm>> -> memref<1x1x10240xf32, #tpu.memory_space<hbm>>
      %dma_wait3A_50 = tpu.memref_squeeze %dma_wait3A_49 : memref<1x1x10240xf32, #tpu.memory_space<hbm>> -> memref<10240xf32, #tpu.memory_space<hbm>>
      %dma_wait3A_51 = arith.constant 0 : i32
      %dma_wait3A_52 = tpu.memref_slice %arg10[%dma_wait3A_51] : memref<40960xf32, #tpu.memory_space<vmem>> -> memref<10240xf32, #tpu.memory_space<vmem>>
      tpu.wait_dma2 semaphore(%run_scoped3A_33 : memref<!tpu.dma_semaphore, #tpu.memory_space<semaphore_mem>>) src(%dma_wait3A_52 : memref<10240xf32, #tpu.memory_space<vmem>>) dst(%dma_wait3A_50 : memref<10240xf32, #tpu.memory_space<hbm>>)
      tpu.yield
    }) : () -> ()
    %run_scoped3A_26 = arith.constant 1 : i32
    "tpu.region"() ({
      %run_scoped3A_33 = tpu.sem_alloc : memref<!tpu.dma_semaphore, #tpu.memory_space<semaphore_mem>>
      %dma_start3A_34 = arith.constant 10240 : i32
      %dma_start3A_35 = tpu.memref_slice %arg10[%dma_start3A_34] : memref<40960xf32, #tpu.memory_space<vmem>> -> memref<10240xf32, #tpu.memory_space<vmem>>
      %dma_start3A_36 = arith.constant 0 : i32
      %dma_start3A_37 = tpu.memref_slice %arg7[%add3A, %run_scoped3A_26, %dma_start3A_36] : memref<32x4x10240xf32, #tpu.memory_space<hbm>> -> memref<1x1x10240xf32, #tpu.memory_space<hbm>>
      %dma_start3A_38 = tpu.memref_squeeze %dma_start3A_37 : memref<1x1x10240xf32, #tpu.memory_space<hbm>> -> memref<10240xf32, #tpu.memory_space<hbm>>
      %dma_start3A_39 = arith.constant 0 : i32
      %dma_start3A_40 = tpu.memref_slice %arg7[%add3A, %run_scoped3A_26, %dma_start3A_39] : memref<32x4x10240xf32, #tpu.memory_space<hbm>> -> memref<1x1x10240xf32, #tpu.memory_space<hbm>>
      %dma_start3A_41 = tpu.memref_squeeze %dma_start3A_40 : memref<1x1x10240xf32, #tpu.memory_space<hbm>> -> memref<10240xf32, #tpu.memory_space<hbm>>
      %dma_start3A_42 = arith.constant 10240 : i32
      %dma_start3A_43 = tpu.memref_slice %arg10[%dma_start3A_42] : memref<40960xf32, #tpu.memory_space<vmem>> -> memref<10240xf32, #tpu.memory_space<vmem>>
      tpu.enqueue_dma source(%dma_start3A_43 : memref<10240xf32, #tpu.memory_space<vmem>>) target(%dma_start3A_41 : memref<10240xf32, #tpu.memory_space<hbm>>) target_semaphore(%run_scoped3A_33 : memref<!tpu.dma_semaphore, #tpu.memory_space<semaphore_mem>>)
      %dma_wait3A = arith.constant 10240 : i32
      %dma_wait3A_44 = tpu.memref_slice %arg10[%dma_wait3A] : memref<40960xf32, #tpu.memory_space<vmem>> -> memref<10240xf32, #tpu.memory_space<vmem>>
      %dma_wait3A_45 = arith.constant 0 : i32
      %dma_wait3A_46 = tpu.memref_slice %arg7[%add3A, %run_scoped3A_26, %dma_wait3A_45] : memref<32x4x10240xf32, #tpu.memory_space<hbm>> -> memref<1x1x10240xf32, #tpu.memory_space<hbm>>
      %dma_wait3A_47 = tpu.memref_squeeze %dma_wait3A_46 : memref<1x1x10240xf32, #tpu.memory_space<hbm>> -> memref<10240xf32, #tpu.memory_space<hbm>>
      %dma_wait3A_48 = arith.constant 0 : i32
      %dma_wait3A_49 = tpu.memref_slice %arg7[%add3A, %run_scoped3A_26, %dma_wait3A_48] : memref<32x4x10240xf32, #tpu.memory_space<hbm>> -> memref<1x1x10240xf32, #tpu.memory_space<hbm>>
      %dma_wait3A_50 = tpu.memref_squeeze %dma_wait3A_49 : memref<1x1x10240xf32, #tpu.memory_space<hbm>> -> memref<10240xf32, #tpu.memory_space<hbm>>
      %dma_wait3A_51 = arith.constant 10240 : i32
      %dma_wait3A_52 = tpu.memref_slice %arg10[%dma_wait3A_51] : memref<40960xf32, #tpu.memory_space<vmem>> -> memref<10240xf32, #tpu.memory_space<vmem>>
      tpu.wait_dma2 semaphore(%run_scoped3A_33 : memref<!tpu.dma_semaphore, #tpu.memory_space<semaphore_mem>>) src(%dma_wait3A_52 : memref<10240xf32, #tpu.memory_space<vmem>>) dst(%dma_wait3A_50 : memref<10240xf32, #tpu.memory_space<hbm>>)
      tpu.yield
    }) : () -> ()
    %run_scoped3A_27 = arith.constant 2 : i32
    "tpu.region"() ({
      %run_scoped3A_33 = tpu.sem_alloc : memref<!tpu.dma_semaphore, #tpu.memory_space<semaphore_mem>>
      %dma_start3A_34 = arith.constant 20480 : i32
      %dma_start3A_35 = tpu.memref_slice %arg10[%dma_start3A_34] : memref<40960xf32, #tpu.memory_space<vmem>> -> memref<10240xf32, #tpu.memory_space<vmem>>
      %dma_start3A_36 = arith.constant 0 : i32
      %dma_start3A_37 = tpu.memref_slice %arg7[%add3A, %run_scoped3A_27, %dma_start3A_36] : memref<32x4x10240xf32, #tpu.memory_space<hbm>> -> memref<1x1x10240xf32, #tpu.memory_space<hbm>>
      %dma_start3A_38 = tpu.memref_squeeze %dma_start3A_37 : memref<1x1x10240xf32, #tpu.memory_space<hbm>> -> memref<10240xf32, #tpu.memory_space<hbm>>
      %dma_start3A_39 = arith.constant 0 : i32
      %dma_start3A_40 = tpu.memref_slice %arg7[%add3A, %run_scoped3A_27, %dma_start3A_39] : memref<32x4x10240xf32, #tpu.memory_space<hbm>> -> memref<1x1x10240xf32, #tpu.memory_space<hbm>>
      %dma_start3A_41 = tpu.memref_squeeze %dma_start3A_40 : memref<1x1x10240xf32, #tpu.memory_space<hbm>> -> memref<10240xf32, #tpu.memory_space<hbm>>
      %dma_start3A_42 = arith.constant 20480 : i32
      %dma_start3A_43 = tpu.memref_slice %arg10[%dma_start3A_42] : memref<40960xf32, #tpu.memory_space<vmem>> -> memref<10240xf32, #tpu.memory_space<vmem>>
      tpu.enqueue_dma source(%dma_start3A_43 : memref<10240xf32, #tpu.memory_space<vmem>>) target(%dma_start3A_41 : memref<10240xf32, #tpu.memory_space<hbm>>) target_semaphore(%run_scoped3A_33 : memref<!tpu.dma_semaphore, #tpu.memory_space<semaphore_mem>>)
      %dma_wait3A = arith.constant 20480 : i32
      %dma_wait3A_44 = tpu.memref_slice %arg10[%dma_wait3A] : memref<40960xf32, #tpu.memory_space<vmem>> -> memref<10240xf32, #tpu.memory_space<vmem>>
      %dma_wait3A_45 = arith.constant 0 : i32
      %dma_wait3A_46 = tpu.memref_slice %arg7[%add3A, %run_scoped3A_27, %dma_wait3A_45] : memref<32x4x10240xf32, #tpu.memory_space<hbm>> -> memref<1x1x10240xf32, #tpu.memory_space<hbm>>
      %dma_wait3A_47 = tpu.memref_squeeze %dma_wait3A_46 : memref<1x1x10240xf32, #tpu.memory_space<hbm>> -> memref<10240xf32, #tpu.memory_space<hbm>>
      %dma_wait3A_48 = arith.constant 0 : i32
      %dma_wait3A_49 = tpu.memref_slice %arg7[%add3A, %run_scoped3A_27, %dma_wait3A_48] : memref<32x4x10240xf32, #tpu.memory_space<hbm>> -> memref<1x1x10240xf32, #tpu.memory_space<hbm>>
      %dma_wait3A_50 = tpu.memref_squeeze %dma_wait3A_49 : memref<1x1x10240xf32, #tpu.memory_space<hbm>> -> memref<10240xf32, #tpu.memory_space<hbm>>
      %dma_wait3A_51 = arith.constant 20480 : i32
      %dma_wait3A_52 = tpu.memref_slice %arg10[%dma_wait3A_51] : memref<40960xf32, #tpu.memory_space<vmem>> -> memref<10240xf32, #tpu.memory_space<vmem>>
      tpu.wait_dma2 semaphore(%run_scoped3A_33 : memref<!tpu.dma_semaphore, #tpu.memory_space<semaphore_mem>>) src(%dma_wait3A_52 : memref<10240xf32, #tpu.memory_space<vmem>>) dst(%dma_wait3A_50 : memref<10240xf32, #tpu.memory_space<hbm>>)
      tpu.yield
    }) : () -> ()
    %run_scoped3A_28 = arith.constant 3 : i32
    "tpu.region"() ({
      %run_scoped3A_33 = tpu.sem_alloc : memref<!tpu.dma_semaphore, #tpu.memory_space<semaphore_mem>>
      %dma_start3A_34 = arith.constant 30720 : i32
      %dma_start3A_35 = tpu.memref_slice %arg10[%dma_start3A_34] : memref<40960xf32, #tpu.memory_space<vmem>> -> memref<10240xf32, #tpu.memory_space<vmem>>
      %dma_start3A_36 = arith.constant 0 : i32
      %dma_start3A_37 = tpu.memref_slice %arg7[%add3A, %run_scoped3A_28, %dma_start3A_36] : memref<32x4x10240xf32, #tpu.memory_space<hbm>> -> memref<1x1x10240xf32, #tpu.memory_space<hbm>>
      %dma_start3A_38 = tpu.memref_squeeze %dma_start3A_37 : memref<1x1x10240xf32, #tpu.memory_space<hbm>> -> memref<10240xf32, #tpu.memory_space<hbm>>
      %dma_start3A_39 = arith.constant 0 : i32
      %dma_start3A_40 = tpu.memref_slice %arg7[%add3A, %run_scoped3A_28, %dma_start3A_39] : memref<32x4x10240xf32, #tpu.memory_space<hbm>> -> memref<1x1x10240xf32, #tpu.memory_space<hbm>>
      %dma_start3A_41 = tpu.memref_squeeze %dma_start3A_40 : memref<1x1x10240xf32, #tpu.memory_space<hbm>> -> memref<10240xf32, #tpu.memory_space<hbm>>
      %dma_start3A_42 = arith.constant 30720 : i32
      %dma_start3A_43 = tpu.memref_slice %arg10[%dma_start3A_42] : memref<40960xf32, #tpu.memory_space<vmem>> -> memref<10240xf32, #tpu.memory_space<vmem>>
      tpu.enqueue_dma source(%dma_start3A_43 : memref<10240xf32, #tpu.memory_space<vmem>>) target(%dma_start3A_41 : memref<10240xf32, #tpu.memory_space<hbm>>) target_semaphore(%run_scoped3A_33 : memref<!tpu.dma_semaphore, #tpu.memory_space<semaphore_mem>>)
      %dma_wait3A = arith.constant 30720 : i32
      %dma_wait3A_44 = tpu.memref_slice %arg10[%dma_wait3A] : memref<40960xf32, #tpu.memory_space<vmem>> -> memref<10240xf32, #tpu.memory_space<vmem>>
      %dma_wait3A_45 = arith.constant 0 : i32
      %dma_wait3A_46 = tpu.memref_slice %arg7[%add3A, %run_scoped3A_28, %dma_wait3A_45] : memref<32x4x10240xf32, #tpu.memory_space<hbm>> -> memref<1x1x10240xf32, #tpu.memory_space<hbm>>
      %dma_wait3A_47 = tpu.memref_squeeze %dma_wait3A_46 : memref<1x1x10240xf32, #tpu.memory_space<hbm>> -> memref<10240xf32, #tpu.memory_space<hbm>>
      %dma_wait3A_48 = arith.constant 0 : i32
      %dma_wait3A_49 = tpu.memref_slice %arg7[%add3A, %run_scoped3A_28, %dma_wait3A_48] : memref<32x4x10240xf32, #tpu.memory_space<hbm>> -> memref<1x1x10240xf32, #tpu.memory_space<hbm>>
      %dma_wait3A_50 = tpu.memref_squeeze %dma_wait3A_49 : memref<1x1x10240xf32, #tpu.memory_space<hbm>> -> memref<10240xf32, #tpu.memory_space<hbm>>
      %dma_wait3A_51 = arith.constant 30720 : i32
      %dma_wait3A_52 = tpu.memref_slice %arg10[%dma_wait3A_51] : memref<40960xf32, #tpu.memory_space<vmem>> -> memref<10240xf32, #tpu.memory_space<vmem>>
      tpu.wait_dma2 semaphore(%run_scoped3A_33 : memref<!tpu.dma_semaphore, #tpu.memory_space<semaphore_mem>>) src(%dma_wait3A_52 : memref<10240xf32, #tpu.memory_space<vmem>>) dst(%dma_wait3A_50 : memref<10240xf32, #tpu.memory_space<hbm>>)
      tpu.yield
    }) : () -> ()
    %mul3A_29 = arith.constant 320 : i32
    %mul3A_30 = arith.muli %add3A, %mul3A_29 : i32
    %mul3A_31 = arith.constant 320 : i32
    %mul3A_32 = arith.muli %add3A, %mul3A_31 : i32
    "tpu.region"() ({
      %run_scoped3A_33 = tpu.sem_alloc : memref<!tpu.dma_semaphore, #tpu.memory_space<semaphore_mem>>
      %dma_start3A_34 = tpu.memref_slice %arg17[%mul3A_30] : memref<10240xf32, #tpu.memory_space<vmem>> -> memref<320xf32, #tpu.memory_space<vmem>>
      %dma_start3A_35 = tpu.memref_slice %arg8[%mul3A_32] : memref<10240xf32, #tpu.memory_space<hbm>> -> memref<320xf32, #tpu.memory_space<hbm>>
      %dma_start3A_36 = tpu.memref_slice %arg8[%mul3A_32] : memref<10240xf32, #tpu.memory_space<hbm>> -> memref<320xf32, #tpu.memory_space<hbm>>
      %dma_start3A_37 = tpu.memref_slice %arg17[%mul3A_30] : memref<10240xf32, #tpu.memory_space<vmem>> -> memref<320xf32, #tpu.memory_space<vmem>>
      tpu.enqueue_dma source(%dma_start3A_37 : memref<320xf32, #tpu.memory_space<vmem>>) target(%dma_start3A_36 : memref<320xf32, #tpu.memory_space<hbm>>) target_semaphore(%run_scoped3A_33 : memref<!tpu.dma_semaphore, #tpu.memory_space<semaphore_mem>>)
      %dma_wait3A = tpu.memref_slice %arg17[%mul3A_30] : memref<10240xf32, #tpu.memory_space<vmem>> -> memref<320xf32, #tpu.memory_space<vmem>>
      %dma_wait3A_38 = tpu.memref_slice %arg8[%mul3A_32] : memref<10240xf32, #tpu.memory_space<hbm>> -> memref<320xf32, #tpu.memory_space<hbm>>
      %dma_wait3A_39 = tpu.memref_slice %arg8[%mul3A_32] : memref<10240xf32, #tpu.memory_space<hbm>> -> memref<320xf32, #tpu.memory_space<hbm>>
      %dma_wait3A_40 = tpu.memref_slice %arg17[%mul3A_30] : memref<10240xf32, #tpu.memory_space<vmem>> -> memref<320xf32, #tpu.memory_space<vmem>>
      tpu.wait_dma2 semaphore(%run_scoped3A_33 : memref<!tpu.dma_semaphore, #tpu.memory_space<semaphore_mem>>) src(%dma_wait3A_40 : memref<320xf32, #tpu.memory_space<vmem>>) dst(%dma_wait3A_39 : memref<320xf32, #tpu.memory_space<hbm>>)
      tpu.yield
    }) : () -> ()
    return
  }
}

#map = affine_map<(d0, d1) -> (0, 0)>
#map1 = affine_map<(d0, d1) -> (0)>
module attributes {stable_mosaic.version = 14 : i64} {
  func.func @_final_gather(%arg0: i32, %arg1: i32, %arg2: memref<10000x128xf32, #tpu.memory_space<hbm>>, %arg3: memref<10240xi32, #tpu.memory_space<hbm>>, %arg4: memref<10240x128xf32, #tpu.memory_space<hbm>>, %arg5: memref<320xi32, #tpu.memory_space<vmem>>, %arg6: memref<4x80x128xf32, #tpu.memory_space<vmem>>, %arg7: memref<!tpu.dma_semaphore, #tpu.memory_space<semaphore_mem>>) attributes {dimension_semantics = [#tpu.dimension_semantics<core_parallel>, #tpu.dimension_semantics<subcore_parallel>], iteration_bounds = array<i64: 2, 16>, scalar_prefetch = 0 : i64, scratch_operands = 3 : i64, tpu.core_type = #tpu.core_type<sc_vector_subcore>, window_params = [{transform_indices = #map}, {transform_indices = #map1}, {transform_indices = #map}]} {
    %mul3A = arith.constant 16 : i32
    %mul3A_0 = arith.muli %arg0, %mul3A : i32
    %add3A = arith.addi %mul3A_0, %arg1 : i32
    %mul3A_1 = arith.constant 320 : i32
    %mul3A_2 = arith.muli %add3A, %mul3A_1 : i32
    "tpu.region"() ({
      %run_scoped3A_92 = tpu.sem_alloc : memref<!tpu.dma_semaphore, #tpu.memory_space<semaphore_mem>>
      %dma_start3A_93 = tpu.memref_slice %arg3[%mul3A_2] : memref<10240xi32, #tpu.memory_space<hbm>> -> memref<320xi32, #tpu.memory_space<hbm>>
      %dma_start3A_94 = tpu.memref_slice %arg3[%mul3A_2] : memref<10240xi32, #tpu.memory_space<hbm>> -> memref<320xi32, #tpu.memory_space<hbm>>
      tpu.enqueue_dma source(%dma_start3A_94 : memref<320xi32, #tpu.memory_space<hbm>>) target(%arg5 : memref<320xi32, #tpu.memory_space<vmem>>) target_semaphore(%run_scoped3A_92 : memref<!tpu.dma_semaphore, #tpu.memory_space<semaphore_mem>>)
      %dma_wait3A_95 = tpu.memref_slice %arg3[%mul3A_2] : memref<10240xi32, #tpu.memory_space<hbm>> -> memref<320xi32, #tpu.memory_space<hbm>>
      %dma_wait3A_96 = tpu.memref_slice %arg3[%mul3A_2] : memref<10240xi32, #tpu.memory_space<hbm>> -> memref<320xi32, #tpu.memory_space<hbm>>
      tpu.wait_dma2 semaphore(%run_scoped3A_92 : memref<!tpu.dma_semaphore, #tpu.memory_space<semaphore_mem>>) src(%dma_wait3A_96 : memref<320xi32, #tpu.memory_space<hbm>>) dst(%arg5 : memref<320xi32, #tpu.memory_space<vmem>>)
      tpu.yield
    }) : () -> ()
    %dma_start3A = arith.constant 0 : i32
    %dma_start3A_3 = arith.constant 0 : i32
    %dma_start3A_4 = arith.constant 0 : i32
    %dma_start3A_5 = tpu.memref_slice %arg6[%dma_start3A, %dma_start3A_3, %dma_start3A_4] : memref<4x80x128xf32, #tpu.memory_space<vmem>> -> memref<1x80x128xf32, #tpu.memory_space<vmem>>
    %dma_start3A_6 = tpu.memref_squeeze %dma_start3A_5 : memref<1x80x128xf32, #tpu.memory_space<vmem>> -> memref<80x128xf32, #tpu.memory_space<vmem>>
    %dma_start3A_7 = arith.constant 0 : i32
    %dma_start3A_8 = tpu.memref_slice %arg5[%dma_start3A_7] : memref<320xi32, #tpu.memory_space<vmem>> -> memref<80xi32, #tpu.memory_space<vmem>>
    %dma_start3A_9 = arith.constant 0 : i32
    %dma_start3A_10 = arith.constant 0 : i32
    %dma_start3A_11 = tpu.memref_slice %arg2[%dma_start3A_9, %dma_start3A_10] : memref<10000x128xf32, #tpu.memory_space<hbm>> -> memref<10000x128xf32, #tpu.memory_space<hbm>>
    tpu.enqueue_indirect_dma source(%dma_start3A_11 : memref<10000x128xf32, #tpu.memory_space<hbm>>) target(%dma_start3A_6 : memref<80x128xf32, #tpu.memory_space<vmem>>) offsets(%dma_start3A_8 : memref<80xi32, #tpu.memory_space<vmem>>) semaphore(%arg7 : memref<!tpu.dma_semaphore, #tpu.memory_space<semaphore_mem>>)
    %dma_start3A_12 = arith.constant 1 : i32
    %dma_start3A_13 = arith.constant 0 : i32
    %dma_start3A_14 = arith.constant 0 : i32
    %dma_start3A_15 = tpu.memref_slice %arg6[%dma_start3A_12, %dma_start3A_13, %dma_start3A_14] : memref<4x80x128xf32, #tpu.memory_space<vmem>> -> memref<1x80x128xf32, #tpu.memory_space<vmem>>
    %dma_start3A_16 = tpu.memref_squeeze %dma_start3A_15 : memref<1x80x128xf32, #tpu.memory_space<vmem>> -> memref<80x128xf32, #tpu.memory_space<vmem>>
    %dma_start3A_17 = arith.constant 80 : i32
    %dma_start3A_18 = tpu.memref_slice %arg5[%dma_start3A_17] : memref<320xi32, #tpu.memory_space<vmem>> -> memref<80xi32, #tpu.memory_space<vmem>>
    %dma_start3A_19 = arith.constant 0 : i32
    %dma_start3A_20 = arith.constant 0 : i32
    %dma_start3A_21 = tpu.memref_slice %arg2[%dma_start3A_19, %dma_start3A_20] : memref<10000x128xf32, #tpu.memory_space<hbm>> -> memref<10000x128xf32, #tpu.memory_space<hbm>>
    tpu.enqueue_indirect_dma source(%dma_start3A_21 : memref<10000x128xf32, #tpu.memory_space<hbm>>) target(%dma_start3A_16 : memref<80x128xf32, #tpu.memory_space<vmem>>) offsets(%dma_start3A_18 : memref<80xi32, #tpu.memory_space<vmem>>) semaphore(%arg7 : memref<!tpu.dma_semaphore, #tpu.memory_space<semaphore_mem>>)
    %dma_start3A_22 = arith.constant 2 : i32
    %dma_start3A_23 = arith.constant 0 : i32
    %dma_start3A_24 = arith.constant 0 : i32
    %dma_start3A_25 = tpu.memref_slice %arg6[%dma_start3A_22, %dma_start3A_23, %dma_start3A_24] : memref<4x80x128xf32, #tpu.memory_space<vmem>> -> memref<1x80x128xf32, #tpu.memory_space<vmem>>
    %dma_start3A_26 = tpu.memref_squeeze %dma_start3A_25 : memref<1x80x128xf32, #tpu.memory_space<vmem>> -> memref<80x128xf32, #tpu.memory_space<vmem>>
    %dma_start3A_27 = arith.constant 160 : i32
    %dma_start3A_28 = tpu.memref_slice %arg5[%dma_start3A_27] : memref<320xi32, #tpu.memory_space<vmem>> -> memref<80xi32, #tpu.memory_space<vmem>>
    %dma_start3A_29 = arith.constant 0 : i32
    %dma_start3A_30 = arith.constant 0 : i32
    %dma_start3A_31 = tpu.memref_slice %arg2[%dma_start3A_29, %dma_start3A_30] : memref<10000x128xf32, #tpu.memory_space<hbm>> -> memref<10000x128xf32, #tpu.memory_space<hbm>>
    tpu.enqueue_indirect_dma source(%dma_start3A_31 : memref<10000x128xf32, #tpu.memory_space<hbm>>) target(%dma_start3A_26 : memref<80x128xf32, #tpu.memory_space<vmem>>) offsets(%dma_start3A_28 : memref<80xi32, #tpu.memory_space<vmem>>) semaphore(%arg7 : memref<!tpu.dma_semaphore, #tpu.memory_space<semaphore_mem>>)
    %dma_start3A_32 = arith.constant 3 : i32
    %dma_start3A_33 = arith.constant 0 : i32
    %dma_start3A_34 = arith.constant 0 : i32
    %dma_start3A_35 = tpu.memref_slice %arg6[%dma_start3A_32, %dma_start3A_33, %dma_start3A_34] : memref<4x80x128xf32, #tpu.memory_space<vmem>> -> memref<1x80x128xf32, #tpu.memory_space<vmem>>
    %dma_start3A_36 = tpu.memref_squeeze %dma_start3A_35 : memref<1x80x128xf32, #tpu.memory_space<vmem>> -> memref<80x128xf32, #tpu.memory_space<vmem>>
    %dma_start3A_37 = arith.constant 240 : i32
    %dma_start3A_38 = tpu.memref_slice %arg5[%dma_start3A_37] : memref<320xi32, #tpu.memory_space<vmem>> -> memref<80xi32, #tpu.memory_space<vmem>>
    %dma_start3A_39 = arith.constant 0 : i32
    %dma_start3A_40 = arith.constant 0 : i32
    %dma_start3A_41 = tpu.memref_slice %arg2[%dma_start3A_39, %dma_start3A_40] : memref<10000x128xf32, #tpu.memory_space<hbm>> -> memref<10000x128xf32, #tpu.memory_space<hbm>>
    tpu.enqueue_indirect_dma source(%dma_start3A_41 : memref<10000x128xf32, #tpu.memory_space<hbm>>) target(%dma_start3A_36 : memref<80x128xf32, #tpu.memory_space<vmem>>) offsets(%dma_start3A_38 : memref<80xi32, #tpu.memory_space<vmem>>) semaphore(%arg7 : memref<!tpu.dma_semaphore, #tpu.memory_space<semaphore_mem>>)
    %dma_wait3A = arith.constant 0 : i32
    %dma_wait3A_42 = arith.constant 0 : i32
    %dma_wait3A_43 = arith.constant 0 : i32
    %dma_wait3A_44 = tpu.memref_slice %arg6[%dma_wait3A, %dma_wait3A_42, %dma_wait3A_43] : memref<4x80x128xf32, #tpu.memory_space<vmem>> -> memref<1x80x128xf32, #tpu.memory_space<vmem>>
    %dma_wait3A_45 = tpu.memref_squeeze %dma_wait3A_44 : memref<1x80x128xf32, #tpu.memory_space<vmem>> -> memref<80x128xf32, #tpu.memory_space<vmem>>
    %dma_wait3A_46 = arith.constant 0 : i32
    %dma_wait3A_47 = tpu.memref_slice %arg5[%dma_wait3A_46] : memref<320xi32, #tpu.memory_space<vmem>> -> memref<80xi32, #tpu.memory_space<vmem>>
    %dma_wait3A_48 = arith.constant 0 : i32
    %dma_wait3A_49 = arith.constant 0 : i32
    %dma_wait3A_50 = tpu.memref_slice %arg2[%dma_wait3A_48, %dma_wait3A_49] : memref<10000x128xf32, #tpu.memory_space<hbm>> -> memref<10000x128xf32, #tpu.memory_space<hbm>>
    tpu.wait_indirect_dma semaphore(%arg7 : memref<!tpu.dma_semaphore, #tpu.memory_space<semaphore_mem>>) src(%dma_wait3A_50 : memref<10000x128xf32, #tpu.memory_space<hbm>>) dst(%dma_wait3A_45 : memref<80x128xf32, #tpu.memory_space<vmem>>)
    %add3A_51 = arith.constant 0 : i32
    %add3A_52 = arith.addi %mul3A_2, %add3A_51 : i32
    %run_scoped3A = arith.constant 0 : i32
    "tpu.region"() ({
      %run_scoped3A_92 = tpu.sem_alloc : memref<!tpu.dma_semaphore, #tpu.memory_space<semaphore_mem>>
      %dma_start3A_93 = arith.constant 0 : i32
      %dma_start3A_94 = arith.constant 0 : i32
      %dma_start3A_95 = tpu.memref_slice %arg6[%run_scoped3A, %dma_start3A_93, %dma_start3A_94] : memref<4x80x128xf32, #tpu.memory_space<vmem>> -> memref<1x80x128xf32, #tpu.memory_space<vmem>>
      %dma_start3A_96 = tpu.memref_squeeze %dma_start3A_95 : memref<1x80x128xf32, #tpu.memory_space<vmem>> -> memref<80x128xf32, #tpu.memory_space<vmem>>
      %dma_start3A_97 = arith.constant 0 : i32
      %dma_start3A_98 = tpu.memref_slice %arg4[%add3A_52, %dma_start3A_97] : memref<10240x128xf32, #tpu.memory_space<hbm>> -> memref<80x128xf32, #tpu.memory_space<hbm>>
      %dma_start3A_99 = arith.constant 0 : i32
      %dma_start3A_100 = tpu.memref_slice %arg4[%add3A_52, %dma_start3A_99] : memref<10240x128xf32, #tpu.memory_space<hbm>> -> memref<80x128xf32, #tpu.memory_space<hbm>>
      %dma_start3A_101 = arith.constant 0 : i32
      %dma_start3A_102 = arith.constant 0 : i32
      %dma_start3A_103 = tpu.memref_slice %arg6[%run_scoped3A, %dma_start3A_101, %dma_start3A_102] : memref<4x80x128xf32, #tpu.memory_space<vmem>> -> memref<1x80x128xf32, #tpu.memory_space<vmem>>
      %dma_start3A_104 = tpu.memref_squeeze %dma_start3A_103 : memref<1x80x128xf32, #tpu.memory_space<vmem>> -> memref<80x128xf32, #tpu.memory_space<vmem>>
      tpu.enqueue_dma source(%dma_start3A_104 : memref<80x128xf32, #tpu.memory_space<vmem>>) target(%dma_start3A_100 : memref<80x128xf32, #tpu.memory_space<hbm>>) target_semaphore(%run_scoped3A_92 : memref<!tpu.dma_semaphore, #tpu.memory_space<semaphore_mem>>)
      %dma_wait3A_105 = arith.constant 0 : i32
      %dma_wait3A_106 = arith.constant 0 : i32
      %dma_wait3A_107 = tpu.memref_slice %arg6[%run_scoped3A, %dma_wait3A_105, %dma_wait3A_106] : memref<4x80x128xf32, #tpu.memory_space<vmem>> -> memref<1x80x128xf32, #tpu.memory_space<vmem>>
      %dma_wait3A_108 = tpu.memref_squeeze %dma_wait3A_107 : memref<1x80x128xf32, #tpu.memory_space<vmem>> -> memref<80x128xf32, #tpu.memory_space<vmem>>
      %dma_wait3A_109 = arith.constant 0 : i32
      %dma_wait3A_110 = tpu.memref_slice %arg4[%add3A_52, %dma_wait3A_109] : memref<10240x128xf32, #tpu.memory_space<hbm>> -> memref<80x128xf32, #tpu.memory_space<hbm>>
      %dma_wait3A_111 = arith.constant 0 : i32
      %dma_wait3A_112 = tpu.memref_slice %arg4[%add3A_52, %dma_wait3A_111] : memref<10240x128xf32, #tpu.memory_space<hbm>> -> memref<80x128xf32, #tpu.memory_space<hbm>>
      %dma_wait3A_113 = arith.constant 0 : i32
      %dma_wait3A_114 = arith.constant 0 : i32
      %dma_wait3A_115 = tpu.memref_slice %arg6[%run_scoped3A, %dma_wait3A_113, %dma_wait3A_114] : memref<4x80x128xf32, #tpu.memory_space<vmem>> -> memref<1x80x128xf32, #tpu.memory_space<vmem>>
      %dma_wait3A_116 = tpu.memref_squeeze %dma_wait3A_115 : memref<1x80x128xf32, #tpu.memory_space<vmem>> -> memref<80x128xf32, #tpu.memory_space<vmem>>
      tpu.wait_dma2 semaphore(%run_scoped3A_92 : memref<!tpu.dma_semaphore, #tpu.memory_space<semaphore_mem>>) src(%dma_wait3A_116 : memref<80x128xf32, #tpu.memory_space<vmem>>) dst(%dma_wait3A_112 : memref<80x128xf32, #tpu.memory_space<hbm>>)
      tpu.yield
    }) : () -> ()
    %dma_wait3A_53 = arith.constant 1 : i32
    %dma_wait3A_54 = arith.constant 0 : i32
    %dma_wait3A_55 = arith.constant 0 : i32
    %dma_wait3A_56 = tpu.memref_slice %arg6[%dma_wait3A_53, %dma_wait3A_54, %dma_wait3A_55] : memref<4x80x128xf32, #tpu.memory_space<vmem>> -> memref<1x80x128xf32, #tpu.memory_space<vmem>>
    %dma_wait3A_57 = tpu.memref_squeeze %dma_wait3A_56 : memref<1x80x128xf32, #tpu.memory_space<vmem>> -> memref<80x128xf32, #tpu.memory_space<vmem>>
    %dma_wait3A_58 = arith.constant 80 : i32
    %dma_wait3A_59 = tpu.memref_slice %arg5[%dma_wait3A_58] : memref<320xi32, #tpu.memory_space<vmem>> -> memref<80xi32, #tpu.memory_space<vmem>>
    %dma_wait3A_60 = arith.constant 0 : i32
    %dma_wait3A_61 = arith.constant 0 : i32
    %dma_wait3A_62 = tpu.memref_slice %arg2[%dma_wait3A_60, %dma_wait3A_61] : memref<10000x128xf32, #tpu.memory_space<hbm>> -> memref<10000x128xf32, #tpu.memory_space<hbm>>
    tpu.wait_indirect_dma semaphore(%arg7 : memref<!tpu.dma_semaphore, #tpu.memory_space<semaphore_mem>>) src(%dma_wait3A_62 : memref<10000x128xf32, #tpu.memory_space<hbm>>) dst(%dma_wait3A_57 : memref<80x128xf32, #tpu.memory_space<vmem>>)
    %add3A_63 = arith.constant 80 : i32
    %add3A_64 = arith.addi %mul3A_2, %add3A_63 : i32
    %run_scoped3A_65 = arith.constant 1 : i32
    "tpu.region"() ({
      %run_scoped3A_92 = tpu.sem_alloc : memref<!tpu.dma_semaphore, #tpu.memory_space<semaphore_mem>>
      %dma_start3A_93 = arith.constant 0 : i32
      %dma_start3A_94 = arith.constant 0 : i32
      %dma_start3A_95 = tpu.memref_slice %arg6[%run_scoped3A_65, %dma_start3A_93, %dma_start3A_94] : memref<4x80x128xf32, #tpu.memory_space<vmem>> -> memref<1x80x128xf32, #tpu.memory_space<vmem>>
      %dma_start3A_96 = tpu.memref_squeeze %dma_start3A_95 : memref<1x80x128xf32, #tpu.memory_space<vmem>> -> memref<80x128xf32, #tpu.memory_space<vmem>>
      %dma_start3A_97 = arith.constant 0 : i32
      %dma_start3A_98 = tpu.memref_slice %arg4[%add3A_64, %dma_start3A_97] : memref<10240x128xf32, #tpu.memory_space<hbm>> -> memref<80x128xf32, #tpu.memory_space<hbm>>
      %dma_start3A_99 = arith.constant 0 : i32
      %dma_start3A_100 = tpu.memref_slice %arg4[%add3A_64, %dma_start3A_99] : memref<10240x128xf32, #tpu.memory_space<hbm>> -> memref<80x128xf32, #tpu.memory_space<hbm>>
      %dma_start3A_101 = arith.constant 0 : i32
      %dma_start3A_102 = arith.constant 0 : i32
      %dma_start3A_103 = tpu.memref_slice %arg6[%run_scoped3A_65, %dma_start3A_101, %dma_start3A_102] : memref<4x80x128xf32, #tpu.memory_space<vmem>> -> memref<1x80x128xf32, #tpu.memory_space<vmem>>
      %dma_start3A_104 = tpu.memref_squeeze %dma_start3A_103 : memref<1x80x128xf32, #tpu.memory_space<vmem>> -> memref<80x128xf32, #tpu.memory_space<vmem>>
      tpu.enqueue_dma source(%dma_start3A_104 : memref<80x128xf32, #tpu.memory_space<vmem>>) target(%dma_start3A_100 : memref<80x128xf32, #tpu.memory_space<hbm>>) target_semaphore(%run_scoped3A_92 : memref<!tpu.dma_semaphore, #tpu.memory_space<semaphore_mem>>)
      %dma_wait3A_105 = arith.constant 0 : i32
      %dma_wait3A_106 = arith.constant 0 : i32
      %dma_wait3A_107 = tpu.memref_slice %arg6[%run_scoped3A_65, %dma_wait3A_105, %dma_wait3A_106] : memref<4x80x128xf32, #tpu.memory_space<vmem>> -> memref<1x80x128xf32, #tpu.memory_space<vmem>>
      %dma_wait3A_108 = tpu.memref_squeeze %dma_wait3A_107 : memref<1x80x128xf32, #tpu.memory_space<vmem>> -> memref<80x128xf32, #tpu.memory_space<vmem>>
      %dma_wait3A_109 = arith.constant 0 : i32
      %dma_wait3A_110 = tpu.memref_slice %arg4[%add3A_64, %dma_wait3A_109] : memref<10240x128xf32, #tpu.memory_space<hbm>> -> memref<80x128xf32, #tpu.memory_space<hbm>>
      %dma_wait3A_111 = arith.constant 0 : i32
      %dma_wait3A_112 = tpu.memref_slice %arg4[%add3A_64, %dma_wait3A_111] : memref<10240x128xf32, #tpu.memory_space<hbm>> -> memref<80x128xf32, #tpu.memory_space<hbm>>
      %dma_wait3A_113 = arith.constant 0 : i32
      %dma_wait3A_114 = arith.constant 0 : i32
      %dma_wait3A_115 = tpu.memref_slice %arg6[%run_scoped3A_65, %dma_wait3A_113, %dma_wait3A_114] : memref<4x80x128xf32, #tpu.memory_space<vmem>> -> memref<1x80x128xf32, #tpu.memory_space<vmem>>
      %dma_wait3A_116 = tpu.memref_squeeze %dma_wait3A_115 : memref<1x80x128xf32, #tpu.memory_space<vmem>> -> memref<80x128xf32, #tpu.memory_space<vmem>>
      tpu.wait_dma2 semaphore(%run_scoped3A_92 : memref<!tpu.dma_semaphore, #tpu.memory_space<semaphore_mem>>) src(%dma_wait3A_116 : memref<80x128xf32, #tpu.memory_space<vmem>>) dst(%dma_wait3A_112 : memref<80x128xf32, #tpu.memory_space<hbm>>)
      tpu.yield
    }) : () -> ()
    %dma_wait3A_66 = arith.constant 2 : i32
    %dma_wait3A_67 = arith.constant 0 : i32
    %dma_wait3A_68 = arith.constant 0 : i32
    %dma_wait3A_69 = tpu.memref_slice %arg6[%dma_wait3A_66, %dma_wait3A_67, %dma_wait3A_68] : memref<4x80x128xf32, #tpu.memory_space<vmem>> -> memref<1x80x128xf32, #tpu.memory_space<vmem>>
    %dma_wait3A_70 = tpu.memref_squeeze %dma_wait3A_69 : memref<1x80x128xf32, #tpu.memory_space<vmem>> -> memref<80x128xf32, #tpu.memory_space<vmem>>
    %dma_wait3A_71 = arith.constant 160 : i32
    %dma_wait3A_72 = tpu.memref_slice %arg5[%dma_wait3A_71] : memref<320xi32, #tpu.memory_space<vmem>> -> memref<80xi32, #tpu.memory_space<vmem>>
    %dma_wait3A_73 = arith.constant 0 : i32
    %dma_wait3A_74 = arith.constant 0 : i32
    %dma_wait3A_75 = tpu.memref_slice %arg2[%dma_wait3A_73, %dma_wait3A_74] : memref<10000x128xf32, #tpu.memory_space<hbm>> -> memref<10000x128xf32, #tpu.memory_space<hbm>>
    tpu.wait_indirect_dma semaphore(%arg7 : memref<!tpu.dma_semaphore, #tpu.memory_space<semaphore_mem>>) src(%dma_wait3A_75 : memref<10000x128xf32, #tpu.memory_space<hbm>>) dst(%dma_wait3A_70 : memref<80x128xf32, #tpu.memory_space<vmem>>)
    %add3A_76 = arith.constant 160 : i32
    %add3A_77 = arith.addi %mul3A_2, %add3A_76 : i32
    %run_scoped3A_78 = arith.constant 2 : i32
    "tpu.region"() ({
      %run_scoped3A_92 = tpu.sem_alloc : memref<!tpu.dma_semaphore, #tpu.memory_space<semaphore_mem>>
      %dma_start3A_93 = arith.constant 0 : i32
      %dma_start3A_94 = arith.constant 0 : i32
      %dma_start3A_95 = tpu.memref_slice %arg6[%run_scoped3A_78, %dma_start3A_93, %dma_start3A_94] : memref<4x80x128xf32, #tpu.memory_space<vmem>> -> memref<1x80x128xf32, #tpu.memory_space<vmem>>
      %dma_start3A_96 = tpu.memref_squeeze %dma_start3A_95 : memref<1x80x128xf32, #tpu.memory_space<vmem>> -> memref<80x128xf32, #tpu.memory_space<vmem>>
      %dma_start3A_97 = arith.constant 0 : i32
      %dma_start3A_98 = tpu.memref_slice %arg4[%add3A_77, %dma_start3A_97] : memref<10240x128xf32, #tpu.memory_space<hbm>> -> memref<80x128xf32, #tpu.memory_space<hbm>>
      %dma_start3A_99 = arith.constant 0 : i32
      %dma_start3A_100 = tpu.memref_slice %arg4[%add3A_77, %dma_start3A_99] : memref<10240x128xf32, #tpu.memory_space<hbm>> -> memref<80x128xf32, #tpu.memory_space<hbm>>
      %dma_start3A_101 = arith.constant 0 : i32
      %dma_start3A_102 = arith.constant 0 : i32
      %dma_start3A_103 = tpu.memref_slice %arg6[%run_scoped3A_78, %dma_start3A_101, %dma_start3A_102] : memref<4x80x128xf32, #tpu.memory_space<vmem>> -> memref<1x80x128xf32, #tpu.memory_space<vmem>>
      %dma_start3A_104 = tpu.memref_squeeze %dma_start3A_103 : memref<1x80x128xf32, #tpu.memory_space<vmem>> -> memref<80x128xf32, #tpu.memory_space<vmem>>
      tpu.enqueue_dma source(%dma_start3A_104 : memref<80x128xf32, #tpu.memory_space<vmem>>) target(%dma_start3A_100 : memref<80x128xf32, #tpu.memory_space<hbm>>) target_semaphore(%run_scoped3A_92 : memref<!tpu.dma_semaphore, #tpu.memory_space<semaphore_mem>>)
      %dma_wait3A_105 = arith.constant 0 : i32
      %dma_wait3A_106 = arith.constant 0 : i32
      %dma_wait3A_107 = tpu.memref_slice %arg6[%run_scoped3A_78, %dma_wait3A_105, %dma_wait3A_106] : memref<4x80x128xf32, #tpu.memory_space<vmem>> -> memref<1x80x128xf32, #tpu.memory_space<vmem>>
      %dma_wait3A_108 = tpu.memref_squeeze %dma_wait3A_107 : memref<1x80x128xf32, #tpu.memory_space<vmem>> -> memref<80x128xf32, #tpu.memory_space<vmem>>
      %dma_wait3A_109 = arith.constant 0 : i32
      %dma_wait3A_110 = tpu.memref_slice %arg4[%add3A_77, %dma_wait3A_109] : memref<10240x128xf32, #tpu.memory_space<hbm>> -> memref<80x128xf32, #tpu.memory_space<hbm>>
      %dma_wait3A_111 = arith.constant 0 : i32
      %dma_wait3A_112 = tpu.memref_slice %arg4[%add3A_77, %dma_wait3A_111] : memref<10240x128xf32, #tpu.memory_space<hbm>> -> memref<80x128xf32, #tpu.memory_space<hbm>>
      %dma_wait3A_113 = arith.constant 0 : i32
      %dma_wait3A_114 = arith.constant 0 : i32
      %dma_wait3A_115 = tpu.memref_slice %arg6[%run_scoped3A_78, %dma_wait3A_113, %dma_wait3A_114] : memref<4x80x128xf32, #tpu.memory_space<vmem>> -> memref<1x80x128xf32, #tpu.memory_space<vmem>>
      %dma_wait3A_116 = tpu.memref_squeeze %dma_wait3A_115 : memref<1x80x128xf32, #tpu.memory_space<vmem>> -> memref<80x128xf32, #tpu.memory_space<vmem>>
      tpu.wait_dma2 semaphore(%run_scoped3A_92 : memref<!tpu.dma_semaphore, #tpu.memory_space<semaphore_mem>>) src(%dma_wait3A_116 : memref<80x128xf32, #tpu.memory_space<vmem>>) dst(%dma_wait3A_112 : memref<80x128xf32, #tpu.memory_space<hbm>>)
      tpu.yield
    }) : () -> ()
    %dma_wait3A_79 = arith.constant 3 : i32
    %dma_wait3A_80 = arith.constant 0 : i32
    %dma_wait3A_81 = arith.constant 0 : i32
    %dma_wait3A_82 = tpu.memref_slice %arg6[%dma_wait3A_79, %dma_wait3A_80, %dma_wait3A_81] : memref<4x80x128xf32, #tpu.memory_space<vmem>> -> memref<1x80x128xf32, #tpu.memory_space<vmem>>
    %dma_wait3A_83 = tpu.memref_squeeze %dma_wait3A_82 : memref<1x80x128xf32, #tpu.memory_space<vmem>> -> memref<80x128xf32, #tpu.memory_space<vmem>>
    %dma_wait3A_84 = arith.constant 240 : i32
    %dma_wait3A_85 = tpu.memref_slice %arg5[%dma_wait3A_84] : memref<320xi32, #tpu.memory_space<vmem>> -> memref<80xi32, #tpu.memory_space<vmem>>
    %dma_wait3A_86 = arith.constant 0 : i32
    %dma_wait3A_87 = arith.constant 0 : i32
    %dma_wait3A_88 = tpu.memref_slice %arg2[%dma_wait3A_86, %dma_wait3A_87] : memref<10000x128xf32, #tpu.memory_space<hbm>> -> memref<10000x128xf32, #tpu.memory_space<hbm>>
    tpu.wait_indirect_dma semaphore(%arg7 : memref<!tpu.dma_semaphore, #tpu.memory_space<semaphore_mem>>) src(%dma_wait3A_88 : memref<10000x128xf32, #tpu.memory_space<hbm>>) dst(%dma_wait3A_83 : memref<80x128xf32, #tpu.memory_space<vmem>>)
    %add3A_89 = arith.constant 240 : i32
    %add3A_90 = arith.addi %mul3A_2, %add3A_89 : i32
    %run_scoped3A_91 = arith.constant 3 : i32
    "tpu.region"() ({
      %run_scoped3A_92 = tpu.sem_alloc : memref<!tpu.dma_semaphore, #tpu.memory_space<semaphore_mem>>
      %dma_start3A_93 = arith.constant 0 : i32
      %dma_start3A_94 = arith.constant 0 : i32
      %dma_start3A_95 = tpu.memref_slice %arg6[%run_scoped3A_91, %dma_start3A_93, %dma_start3A_94] : memref<4x80x128xf32, #tpu.memory_space<vmem>> -> memref<1x80x128xf32, #tpu.memory_space<vmem>>
      %dma_start3A_96 = tpu.memref_squeeze %dma_start3A_95 : memref<1x80x128xf32, #tpu.memory_space<vmem>> -> memref<80x128xf32, #tpu.memory_space<vmem>>
      %dma_start3A_97 = arith.constant 0 : i32
      %dma_start3A_98 = tpu.memref_slice %arg4[%add3A_90, %dma_start3A_97] : memref<10240x128xf32, #tpu.memory_space<hbm>> -> memref<80x128xf32, #tpu.memory_space<hbm>>
      %dma_start3A_99 = arith.constant 0 : i32
      %dma_start3A_100 = tpu.memref_slice %arg4[%add3A_90, %dma_start3A_99] : memref<10240x128xf32, #tpu.memory_space<hbm>> -> memref<80x128xf32, #tpu.memory_space<hbm>>
      %dma_start3A_101 = arith.constant 0 : i32
      %dma_start3A_102 = arith.constant 0 : i32
      %dma_start3A_103 = tpu.memref_slice %arg6[%run_scoped3A_91, %dma_start3A_101, %dma_start3A_102] : memref<4x80x128xf32, #tpu.memory_space<vmem>> -> memref<1x80x128xf32, #tpu.memory_space<vmem>>
      %dma_start3A_104 = tpu.memref_squeeze %dma_start3A_103 : memref<1x80x128xf32, #tpu.memory_space<vmem>> -> memref<80x128xf32, #tpu.memory_space<vmem>>
      tpu.enqueue_dma source(%dma_start3A_104 : memref<80x128xf32, #tpu.memory_space<vmem>>) target(%dma_start3A_100 : memref<80x128xf32, #tpu.memory_space<hbm>>) target_semaphore(%run_scoped3A_92 : memref<!tpu.dma_semaphore, #tpu.memory_space<semaphore_mem>>)
      %dma_wait3A_105 = arith.constant 0 : i32
      %dma_wait3A_106 = arith.constant 0 : i32
      %dma_wait3A_107 = tpu.memref_slice %arg6[%run_scoped3A_91, %dma_wait3A_105, %dma_wait3A_106] : memref<4x80x128xf32, #tpu.memory_space<vmem>> -> memref<1x80x128xf32, #tpu.memory_space<vmem>>
      %dma_wait3A_108 = tpu.memref_squeeze %dma_wait3A_107 : memref<1x80x128xf32, #tpu.memory_space<vmem>> -> memref<80x128xf32, #tpu.memory_space<vmem>>
      %dma_wait3A_109 = arith.constant 0 : i32
      %dma_wait3A_110 = tpu.memref_slice %arg4[%add3A_90, %dma_wait3A_109] : memref<10240x128xf32, #tpu.memory_space<hbm>> -> memref<80x128xf32, #tpu.memory_space<hbm>>
      %dma_wait3A_111 = arith.constant 0 : i32
      %dma_wait3A_112 = tpu.memref_slice %arg4[%add3A_90, %dma_wait3A_111] : memref<10240x128xf32, #tpu.memory_space<hbm>> -> memref<80x128xf32, #tpu.memory_space<hbm>>
      %dma_wait3A_113 = arith.constant 0 : i32
      %dma_wait3A_114 = arith.constant 0 : i32
      %dma_wait3A_115 = tpu.memref_slice %arg6[%run_scoped3A_91, %dma_wait3A_113, %dma_wait3A_114] : memref<4x80x128xf32, #tpu.memory_space<vmem>> -> memref<1x80x128xf32, #tpu.memory_space<vmem>>
      %dma_wait3A_116 = tpu.memref_squeeze %dma_wait3A_115 : memref<1x80x128xf32, #tpu.memory_space<vmem>> -> memref<80x128xf32, #tpu.memory_space<vmem>>
      tpu.wait_dma2 semaphore(%run_scoped3A_92 : memref<!tpu.dma_semaphore, #tpu.memory_space<semaphore_mem>>) src(%dma_wait3A_116 : memref<80x128xf32, #tpu.memory_space<vmem>>) dst(%dma_wait3A_112 : memref<80x128xf32, #tpu.memory_space<hbm>>)
      tpu.yield
    }) : () -> ()
    return
  }
}

#map = affine_map<(d0, d1) -> (0, 0, 0)>
#map1 = affine_map<(d0, d1) -> (0)>
module attributes {stable_mosaic.version = 14 : i64} {
  func.func @body(%arg0: i32, %arg1: i32, %arg2: memref<32x4x10240xf32, #tpu.memory_space<hbm>>, %arg3: memref<327680xi32, #tpu.memory_space<hbm>>, %arg4: memref<327680xi32, #tpu.memory_space<hbm>>, %arg5: memref<10240xf32, #tpu.memory_space<hbm>>, %arg6: memref<32x4x10240xf32, #tpu.memory_space<hbm>>, %arg7: memref<40960xf32, #tpu.memory_space<vmem>>, %arg8: memref<40960xf32, #tpu.memory_space<vmem>>, %arg9: memref<2048xi32, #tpu.memory_space<vmem>>, %arg10: memref<2048xi32, #tpu.memory_space<vmem>>, %arg11: memref<2048xi32, #tpu.memory_space<vmem>>, %arg12: memref<2048xi32, #tpu.memory_space<vmem>>, %arg13: memref<!tpu.dma_semaphore, #tpu.memory_space<semaphore_mem>>, %arg14: memref<!tpu.dma_semaphore, #tpu.memory_space<semaphore_mem>>) attributes {dimension_semantics = [#tpu.dimension_semantics<core_parallel>, #tpu.dimension_semantics<subcore_parallel>], iteration_bounds = array<i64: 2, 16>, scalar_prefetch = 0 : i64, scratch_operands = 8 : i64, tpu.core_type = #tpu.core_type<sc_vector_subcore>, window_params = [{transform_indices = #map}, {transform_indices = #map1}, {transform_indices = #map1}, {transform_indices = #map1}, {transform_indices = #map}]} {
    %mul3A = arith.constant 16 : i32
    %mul3A_0 = arith.muli %arg0, %mul3A : i32
    %add3A = arith.addi %mul3A_0, %arg1 : i32
    %run_scoped3A = arith.constant 0 : i32
    "tpu.region"() ({
      %run_scoped3A_29 = tpu.sem_alloc : memref<!tpu.dma_semaphore, #tpu.memory_space<semaphore_mem>>
      %dma_start3A_30 = arith.constant 0 : i32
      %dma_start3A_31 = tpu.memref_slice %arg7[%dma_start3A_30] : memref<40960xf32, #tpu.memory_space<vmem>> -> memref<10240xf32, #tpu.memory_space<vmem>>
      %dma_start3A_32 = arith.constant 0 : i32
      %dma_start3A_33 = tpu.memref_slice %arg2[%add3A, %run_scoped3A, %dma_start3A_32] : memref<32x4x10240xf32, #tpu.memory_space<hbm>> -> memref<1x1x10240xf32, #tpu.memory_space<hbm>>
      %dma_start3A_34 = tpu.memref_squeeze %dma_start3A_33 : memref<1x1x10240xf32, #tpu.memory_space<hbm>> -> memref<10240xf32, #tpu.memory_space<hbm>>
      %dma_start3A_35 = arith.constant 0 : i32
      %dma_start3A_36 = tpu.memref_slice %arg7[%dma_start3A_35] : memref<40960xf32, #tpu.memory_space<vmem>> -> memref<10240xf32, #tpu.memory_space<vmem>>
      %dma_start3A_37 = arith.constant 0 : i32
      %dma_start3A_38 = tpu.memref_slice %arg2[%add3A, %run_scoped3A, %dma_start3A_37] : memref<32x4x10240xf32, #tpu.memory_space<hbm>> -> memref<1x1x10240xf32, #tpu.memory_space<hbm>>
      %dma_start3A_39 = tpu.memref_squeeze %dma_start3A_38 : memref<1x1x10240xf32, #tpu.memory_space<hbm>> -> memref<10240xf32, #tpu.memory_space<hbm>>
      tpu.enqueue_dma source(%dma_start3A_39 : memref<10240xf32, #tpu.memory_space<hbm>>) target(%dma_start3A_36 : memref<10240xf32, #tpu.memory_space<vmem>>) target_semaphore(%run_scoped3A_29 : memref<!tpu.dma_semaphore, #tpu.memory_space<semaphore_mem>>)
      %dma_wait3A = arith.constant 0 : i32
      %dma_wait3A_40 = tpu.memref_slice %arg7[%dma_wait3A] : memref<40960xf32, #tpu.memory_space<vmem>> -> memref<10240xf32, #tpu.memory_space<vmem>>
      %dma_wait3A_41 = arith.constant 0 : i32
      %dma_wait3A_42 = tpu.memref_slice %arg2[%add3A, %run_scoped3A, %dma_wait3A_41] : memref<32x4x10240xf32, #tpu.memory_space<hbm>> -> memref<1x1x10240xf32, #tpu.memory_space<hbm>>
      %dma_wait3A_43 = tpu.memref_squeeze %dma_wait3A_42 : memref<1x1x10240xf32, #tpu.memory_space<hbm>> -> memref<10240xf32, #tpu.memory_space<hbm>>
      %dma_wait3A_44 = arith.constant 0 : i32
      %dma_wait3A_45 = tpu.memref_slice %arg7[%dma_wait3A_44] : memref<40960xf32, #tpu.memory_space<vmem>> -> memref<10240xf32, #tpu.memory_space<vmem>>
      %dma_wait3A_46 = arith.constant 0 : i32
      %dma_wait3A_47 = tpu.memref_slice %arg2[%add3A, %run_scoped3A, %dma_wait3A_46] : memref<32x4x10240xf32, #tpu.memory_space<hbm>> -> memref<1x1x10240xf32, #tpu.memory_space<hbm>>
      %dma_wait3A_48 = tpu.memref_squeeze %dma_wait3A_47 : memref<1x1x10240xf32, #tpu.memory_space<hbm>> -> memref<10240xf32, #tpu.memory_space<hbm>>
      tpu.wait_dma2 semaphore(%run_scoped3A_29 : memref<!tpu.dma_semaphore, #tpu.memory_space<semaphore_mem>>) src(%dma_wait3A_48 : memref<10240xf32, #tpu.memory_space<hbm>>) dst(%dma_wait3A_45 : memref<10240xf32, #tpu.memory_space<vmem>>)
      tpu.yield
    }) : () -> ()
    "tpu.region"() ({
      %run_scoped3A_29 = tpu.sem_alloc : memref<!tpu.dma_semaphore, #tpu.memory_space<semaphore_mem>>
      %dma_start3A_30 = arith.constant 0 : i32
      %dma_start3A_31 = tpu.memref_slice %arg8[%dma_start3A_30] : memref<40960xf32, #tpu.memory_space<vmem>> -> memref<10240xf32, #tpu.memory_space<vmem>>
      %dma_start3A_32 = arith.constant 0 : i32
      %dma_start3A_33 = tpu.memref_slice %arg8[%dma_start3A_32] : memref<40960xf32, #tpu.memory_space<vmem>> -> memref<10240xf32, #tpu.memory_space<vmem>>
      tpu.enqueue_dma source(%arg5 : memref<10240xf32, #tpu.memory_space<hbm>>) target(%dma_start3A_33 : memref<10240xf32, #tpu.memory_space<vmem>>) target_semaphore(%run_scoped3A_29 : memref<!tpu.dma_semaphore, #tpu.memory_space<semaphore_mem>>)
      %dma_wait3A = arith.constant 0 : i32
      %dma_wait3A_34 = tpu.memref_slice %arg8[%dma_wait3A] : memref<40960xf32, #tpu.memory_space<vmem>> -> memref<10240xf32, #tpu.memory_space<vmem>>
      %dma_wait3A_35 = arith.constant 0 : i32
      %dma_wait3A_36 = tpu.memref_slice %arg8[%dma_wait3A_35] : memref<40960xf32, #tpu.memory_space<vmem>> -> memref<10240xf32, #tpu.memory_space<vmem>>
      tpu.wait_dma2 semaphore(%run_scoped3A_29 : memref<!tpu.dma_semaphore, #tpu.memory_space<semaphore_mem>>) src(%arg5 : memref<10240xf32, #tpu.memory_space<hbm>>) dst(%dma_wait3A_36 : memref<10240xf32, #tpu.memory_space<vmem>>)
      tpu.yield
    }) : () -> ()
    %run_scoped3A_1 = arith.constant 1 : i32
    "tpu.region"() ({
      %run_scoped3A_29 = tpu.sem_alloc : memref<!tpu.dma_semaphore, #tpu.memory_space<semaphore_mem>>
      %dma_start3A_30 = arith.constant 10240 : i32
      %dma_start3A_31 = tpu.memref_slice %arg7[%dma_start3A_30] : memref<40960xf32, #tpu.memory_space<vmem>> -> memref<10240xf32, #tpu.memory_space<vmem>>
      %dma_start3A_32 = arith.constant 0 : i32
      %dma_start3A_33 = tpu.memref_slice %arg2[%add3A, %run_scoped3A_1, %dma_start3A_32] : memref<32x4x10240xf32, #tpu.memory_space<hbm>> -> memref<1x1x10240xf32, #tpu.memory_space<hbm>>
      %dma_start3A_34 = tpu.memref_squeeze %dma_start3A_33 : memref<1x1x10240xf32, #tpu.memory_space<hbm>> -> memref<10240xf32, #tpu.memory_space<hbm>>
      %dma_start3A_35 = arith.constant 10240 : i32
      %dma_start3A_36 = tpu.memref_slice %arg7[%dma_start3A_35] : memref<40960xf32, #tpu.memory_space<vmem>> -> memref<10240xf32, #tpu.memory_space<vmem>>
      %dma_start3A_37 = arith.constant 0 : i32
      %dma_start3A_38 = tpu.memref_slice %arg2[%add3A, %run_scoped3A_1, %dma_start3A_37] : memref<32x4x10240xf32, #tpu.memory_space<hbm>> -> memref<1x1x10240xf32, #tpu.memory_space<hbm>>
      %dma_start3A_39 = tpu.memref_squeeze %dma_start3A_38 : memref<1x1x10240xf32, #tpu.memory_space<hbm>> -> memref<10240xf32, #tpu.memory_space<hbm>>
      tpu.enqueue_dma source(%dma_start3A_39 : memref<10240xf32, #tpu.memory_space<hbm>>) target(%dma_start3A_36 : memref<10240xf32, #tpu.memory_space<vmem>>) target_semaphore(%run_scoped3A_29 : memref<!tpu.dma_semaphore, #tpu.memory_space<semaphore_mem>>)
      %dma_wait3A = arith.constant 10240 : i32
      %dma_wait3A_40 = tpu.memref_slice %arg7[%dma_wait3A] : memref<40960xf32, #tpu.memory_space<vmem>> -> memref<10240xf32, #tpu.memory_space<vmem>>
      %dma_wait3A_41 = arith.constant 0 : i32
      %dma_wait3A_42 = tpu.memref_slice %arg2[%add3A, %run_scoped3A_1, %dma_wait3A_41] : memref<32x4x10240xf32, #tpu.memory_space<hbm>> -> memref<1x1x10240xf32, #tpu.memory_space<hbm>>
      %dma_wait3A_43 = tpu.memref_squeeze %dma_wait3A_42 : memref<1x1x10240xf32, #tpu.memory_space<hbm>> -> memref<10240xf32, #tpu.memory_space<hbm>>
      %dma_wait3A_44 = arith.constant 10240 : i32
      %dma_wait3A_45 = tpu.memref_slice %arg7[%dma_wait3A_44] : memref<40960xf32, #tpu.memory_space<vmem>> -> memref<10240xf32, #tpu.memory_space<vmem>>
      %dma_wait3A_46 = arith.constant 0 : i32
      %dma_wait3A_47 = tpu.memref_slice %arg2[%add3A, %run_scoped3A_1, %dma_wait3A_46] : memref<32x4x10240xf32, #tpu.memory_space<hbm>> -> memref<1x1x10240xf32, #tpu.memory_space<hbm>>
      %dma_wait3A_48 = tpu.memref_squeeze %dma_wait3A_47 : memref<1x1x10240xf32, #tpu.memory_space<hbm>> -> memref<10240xf32, #tpu.memory_space<hbm>>
      tpu.wait_dma2 semaphore(%run_scoped3A_29 : memref<!tpu.dma_semaphore, #tpu.memory_space<semaphore_mem>>) src(%dma_wait3A_48 : memref<10240xf32, #tpu.memory_space<hbm>>) dst(%dma_wait3A_45 : memref<10240xf32, #tpu.memory_space<vmem>>)
      tpu.yield
    }) : () -> ()
    "tpu.region"() ({
      %run_scoped3A_29 = tpu.sem_alloc : memref<!tpu.dma_semaphore, #tpu.memory_space<semaphore_mem>>
      %dma_start3A_30 = arith.constant 10240 : i32
      %dma_start3A_31 = tpu.memref_slice %arg8[%dma_start3A_30] : memref<40960xf32, #tpu.memory_space<vmem>> -> memref<10240xf32, #tpu.memory_space<vmem>>
      %dma_start3A_32 = arith.constant 10240 : i32
      %dma_start3A_33 = tpu.memref_slice %arg8[%dma_start3A_32] : memref<40960xf32, #tpu.memory_space<vmem>> -> memref<10240xf32, #tpu.memory_space<vmem>>
      tpu.enqueue_dma source(%arg5 : memref<10240xf32, #tpu.memory_space<hbm>>) target(%dma_start3A_33 : memref<10240xf32, #tpu.memory_space<vmem>>) target_semaphore(%run_scoped3A_29 : memref<!tpu.dma_semaphore, #tpu.memory_space<semaphore_mem>>)
      %dma_wait3A = arith.constant 10240 : i32
      %dma_wait3A_34 = tpu.memref_slice %arg8[%dma_wait3A] : memref<40960xf32, #tpu.memory_space<vmem>> -> memref<10240xf32, #tpu.memory_space<vmem>>
      %dma_wait3A_35 = arith.constant 10240 : i32
      %dma_wait3A_36 = tpu.memref_slice %arg8[%dma_wait3A_35] : memref<40960xf32, #tpu.memory_space<vmem>> -> memref<10240xf32, #tpu.memory_space<vmem>>
      tpu.wait_dma2 semaphore(%run_scoped3A_29 : memref<!tpu.dma_semaphore, #tpu.memory_space<semaphore_mem>>) src(%arg5 : memref<10240xf32, #tpu.memory_space<hbm>>) dst(%dma_wait3A_36 : memref<10240xf32, #tpu.memory_space<vmem>>)
      tpu.yield
    }) : () -> ()
    %run_scoped3A_2 = arith.constant 2 : i32
    "tpu.region"() ({
      %run_scoped3A_29 = tpu.sem_alloc : memref<!tpu.dma_semaphore, #tpu.memory_space<semaphore_mem>>
      %dma_start3A_30 = arith.constant 20480 : i32
      %dma_start3A_31 = tpu.memref_slice %arg7[%dma_start3A_30] : memref<40960xf32, #tpu.memory_space<vmem>> -> memref<10240xf32, #tpu.memory_space<vmem>>
      %dma_start3A_32 = arith.constant 0 : i32
      %dma_start3A_33 = tpu.memref_slice %arg2[%add3A, %run_scoped3A_2, %dma_start3A_32] : memref<32x4x10240xf32, #tpu.memory_space<hbm>> -> memref<1x1x10240xf32, #tpu.memory_space<hbm>>
      %dma_start3A_34 = tpu.memref_squeeze %dma_start3A_33 : memref<1x1x10240xf32, #tpu.memory_space<hbm>> -> memref<10240xf32, #tpu.memory_space<hbm>>
      %dma_start3A_35 = arith.constant 20480 : i32
      %dma_start3A_36 = tpu.memref_slice %arg7[%dma_start3A_35] : memref<40960xf32, #tpu.memory_space<vmem>> -> memref<10240xf32, #tpu.memory_space<vmem>>
      %dma_start3A_37 = arith.constant 0 : i32
      %dma_start3A_38 = tpu.memref_slice %arg2[%add3A, %run_scoped3A_2, %dma_start3A_37] : memref<32x4x10240xf32, #tpu.memory_space<hbm>> -> memref<1x1x10240xf32, #tpu.memory_space<hbm>>
      %dma_start3A_39 = tpu.memref_squeeze %dma_start3A_38 : memref<1x1x10240xf32, #tpu.memory_space<hbm>> -> memref<10240xf32, #tpu.memory_space<hbm>>
      tpu.enqueue_dma source(%dma_start3A_39 : memref<10240xf32, #tpu.memory_space<hbm>>) target(%dma_start3A_36 : memref<10240xf32, #tpu.memory_space<vmem>>) target_semaphore(%run_scoped3A_29 : memref<!tpu.dma_semaphore, #tpu.memory_space<semaphore_mem>>)
      %dma_wait3A = arith.constant 20480 : i32
      %dma_wait3A_40 = tpu.memref_slice %arg7[%dma_wait3A] : memref<40960xf32, #tpu.memory_space<vmem>> -> memref<10240xf32, #tpu.memory_space<vmem>>
      %dma_wait3A_41 = arith.constant 0 : i32
      %dma_wait3A_42 = tpu.memref_slice %arg2[%add3A, %run_scoped3A_2, %dma_wait3A_41] : memref<32x4x10240xf32, #tpu.memory_space<hbm>> -> memref<1x1x10240xf32, #tpu.memory_space<hbm>>
      %dma_wait3A_43 = tpu.memref_squeeze %dma_wait3A_42 : memref<1x1x10240xf32, #tpu.memory_space<hbm>> -> memref<10240xf32, #tpu.memory_space<hbm>>
      %dma_wait3A_44 = arith.constant 20480 : i32
      %dma_wait3A_45 = tpu.memref_slice %arg7[%dma_wait3A_44] : memref<40960xf32, #tpu.memory_space<vmem>> -> memref<10240xf32, #tpu.memory_space<vmem>>
      %dma_wait3A_46 = arith.constant 0 : i32
      %dma_wait3A_47 = tpu.memref_slice %arg2[%add3A, %run_scoped3A_2, %dma_wait3A_46] : memref<32x4x10240xf32, #tpu.memory_space<hbm>> -> memref<1x1x10240xf32, #tpu.memory_space<hbm>>
      %dma_wait3A_48 = tpu.memref_squeeze %dma_wait3A_47 : memref<1x1x10240xf32, #tpu.memory_space<hbm>> -> memref<10240xf32, #tpu.memory_space<hbm>>
      tpu.wait_dma2 semaphore(%run_scoped3A_29 : memref<!tpu.dma_semaphore, #tpu.memory_space<semaphore_mem>>) src(%dma_wait3A_48 : memref<10240xf32, #tpu.memory_space<hbm>>) dst(%dma_wait3A_45 : memref<10240xf32, #tpu.memory_space<vmem>>)
      tpu.yield
    }) : () -> ()
    "tpu.region"() ({
      %run_scoped3A_29 = tpu.sem_alloc : memref<!tpu.dma_semaphore, #tpu.memory_space<semaphore_mem>>
      %dma_start3A_30 = arith.constant 20480 : i32
      %dma_start3A_31 = tpu.memref_slice %arg8[%dma_start3A_30] : memref<40960xf32, #tpu.memory_space<vmem>> -> memref<10240xf32, #tpu.memory_space<vmem>>
      %dma_start3A_32 = arith.constant 20480 : i32
      %dma_start3A_33 = tpu.memref_slice %arg8[%dma_start3A_32] : memref<40960xf32, #tpu.memory_space<vmem>> -> memref<10240xf32, #tpu.memory_space<vmem>>
      tpu.enqueue_dma source(%arg5 : memref<10240xf32, #tpu.memory_space<hbm>>) target(%dma_start3A_33 : memref<10240xf32, #tpu.memory_space<vmem>>) target_semaphore(%run_scoped3A_29 : memref<!tpu.dma_semaphore, #tpu.memory_space<semaphore_mem>>)
      %dma_wait3A = arith.constant 20480 : i32
      %dma_wait3A_34 = tpu.memref_slice %arg8[%dma_wait3A] : memref<40960xf32, #tpu.memory_space<vmem>> -> memref<10240xf32, #tpu.memory_space<vmem>>
      %dma_wait3A_35 = arith.constant 20480 : i32
      %dma_wait3A_36 = tpu.memref_slice %arg8[%dma_wait3A_35] : memref<40960xf32, #tpu.memory_space<vmem>> -> memref<10240xf32, #tpu.memory_space<vmem>>
      tpu.wait_dma2 semaphore(%run_scoped3A_29 : memref<!tpu.dma_semaphore, #tpu.memory_space<semaphore_mem>>) src(%arg5 : memref<10240xf32, #tpu.memory_space<hbm>>) dst(%dma_wait3A_36 : memref<10240xf32, #tpu.memory_space<vmem>>)
      tpu.yield
    }) : () -> ()
    %run_scoped3A_3 = arith.constant 3 : i32
    "tpu.region"() ({
      %run_scoped3A_29 = tpu.sem_alloc : memref<!tpu.dma_semaphore, #tpu.memory_space<semaphore_mem>>
      %dma_start3A_30 = arith.constant 30720 : i32
      %dma_start3A_31 = tpu.memref_slice %arg7[%dma_start3A_30] : memref<40960xf32, #tpu.memory_space<vmem>> -> memref<10240xf32, #tpu.memory_space<vmem>>
      %dma_start3A_32 = arith.constant 0 : i32
      %dma_start3A_33 = tpu.memref_slice %arg2[%add3A, %run_scoped3A_3, %dma_start3A_32] : memref<32x4x10240xf32, #tpu.memory_space<hbm>> -> memref<1x1x10240xf32, #tpu.memory_space<hbm>>
      %dma_start3A_34 = tpu.memref_squeeze %dma_start3A_33 : memref<1x1x10240xf32, #tpu.memory_space<hbm>> -> memref<10240xf32, #tpu.memory_space<hbm>>
      %dma_start3A_35 = arith.constant 30720 : i32
      %dma_start3A_36 = tpu.memref_slice %arg7[%dma_start3A_35] : memref<40960xf32, #tpu.memory_space<vmem>> -> memref<10240xf32, #tpu.memory_space<vmem>>
      %dma_start3A_37 = arith.constant 0 : i32
      %dma_start3A_38 = tpu.memref_slice %arg2[%add3A, %run_scoped3A_3, %dma_start3A_37] : memref<32x4x10240xf32, #tpu.memory_space<hbm>> -> memref<1x1x10240xf32, #tpu.memory_space<hbm>>
      %dma_start3A_39 = tpu.memref_squeeze %dma_start3A_38 : memref<1x1x10240xf32, #tpu.memory_space<hbm>> -> memref<10240xf32, #tpu.memory_space<hbm>>
      tpu.enqueue_dma source(%dma_start3A_39 : memref<10240xf32, #tpu.memory_space<hbm>>) target(%dma_start3A_36 : memref<10240xf32, #tpu.memory_space<vmem>>) target_semaphore(%run_scoped3A_29 : memref<!tpu.dma_semaphore, #tpu.memory_space<semaphore_mem>>)
      %dma_wait3A = arith.constant 30720 : i32
      %dma_wait3A_40 = tpu.memref_slice %arg7[%dma_wait3A] : memref<40960xf32, #tpu.memory_space<vmem>> -> memref<10240xf32, #tpu.memory_space<vmem>>
      %dma_wait3A_41 = arith.constant 0 : i32
      %dma_wait3A_42 = tpu.memref_slice %arg2[%add3A, %run_scoped3A_3, %dma_wait3A_41] : memref<32x4x10240xf32, #tpu.memory_space<hbm>> -> memref<1x1x10240xf32, #tpu.memory_space<hbm>>
      %dma_wait3A_43 = tpu.memref_squeeze %dma_wait3A_42 : memref<1x1x10240xf32, #tpu.memory_space<hbm>> -> memref<10240xf32, #tpu.memory_space<hbm>>
      %dma_wait3A_44 = arith.constant 30720 : i32
      %dma_wait3A_45 = tpu.memref_slice %arg7[%dma_wait3A_44] : memref<40960xf32, #tpu.memory_space<vmem>> -> memref<10240xf32, #tpu.memory_space<vmem>>
      %dma_wait3A_46 = arith.constant 0 : i32
      %dma_wait3A_47 = tpu.memref_slice %arg2[%add3A, %run_scoped3A_3, %dma_wait3A_46] : memref<32x4x10240xf32, #tpu.memory_space<hbm>> -> memref<1x1x10240xf32, #tpu.memory_space<hbm>>
      %dma_wait3A_48 = tpu.memref_squeeze %dma_wait3A_47 : memref<1x1x10240xf32, #tpu.memory_space<hbm>> -> memref<10240xf32, #tpu.memory_space<hbm>>
      tpu.wait_dma2 semaphore(%run_scoped3A_29 : memref<!tpu.dma_semaphore, #tpu.memory_space<semaphore_mem>>) src(%dma_wait3A_48 : memref<10240xf32, #tpu.memory_space<hbm>>) dst(%dma_wait3A_45 : memref<10240xf32, #tpu.memory_space<vmem>>)
      tpu.yield
    }) : () -> ()
    "tpu.region"() ({
      %run_scoped3A_29 = tpu.sem_alloc : memref<!tpu.dma_semaphore, #tpu.memory_space<semaphore_mem>>
      %dma_start3A_30 = arith.constant 30720 : i32
      %dma_start3A_31 = tpu.memref_slice %arg8[%dma_start3A_30] : memref<40960xf32, #tpu.memory_space<vmem>> -> memref<10240xf32, #tpu.memory_space<vmem>>
      %dma_start3A_32 = arith.constant 30720 : i32
      %dma_start3A_33 = tpu.memref_slice %arg8[%dma_start3A_32] : memref<40960xf32, #tpu.memory_space<vmem>> -> memref<10240xf32, #tpu.memory_space<vmem>>
      tpu.enqueue_dma source(%arg5 : memref<10240xf32, #tpu.memory_space<hbm>>) target(%dma_start3A_33 : memref<10240xf32, #tpu.memory_space<vmem>>) target_semaphore(%run_scoped3A_29 : memref<!tpu.dma_semaphore, #tpu.memory_space<semaphore_mem>>)
      %dma_wait3A = arith.constant 30720 : i32
      %dma_wait3A_34 = tpu.memref_slice %arg8[%dma_wait3A] : memref<40960xf32, #tpu.memory_space<vmem>> -> memref<10240xf32, #tpu.memory_space<vmem>>
      %dma_wait3A_35 = arith.constant 30720 : i32
      %dma_wait3A_36 = tpu.memref_slice %arg8[%dma_wait3A_35] : memref<40960xf32, #tpu.memory_space<vmem>> -> memref<10240xf32, #tpu.memory_space<vmem>>
      tpu.wait_dma2 semaphore(%run_scoped3A_29 : memref<!tpu.dma_semaphore, #tpu.memory_space<semaphore_mem>>) src(%arg5 : memref<10240xf32, #tpu.memory_space<hbm>>) dst(%dma_wait3A_36 : memref<10240xf32, #tpu.memory_space<vmem>>)
      tpu.yield
    }) : () -> ()
    %broadcast_in_dim3A = arith.constant 1.000000e+00 : f32
    %broadcast_in_dim3A_4 = vector.broadcast %broadcast_in_dim3A : f32 to vector<16xf32>
    %broadcast_in_dim3A_5 = arith.constant 0 : i32
    %broadcast_in_dim3A_6 = vector.broadcast %broadcast_in_dim3A_5 : i32 to vector<16xi32>
    %broadcast_in_dim3A_7 = arith.constant 10240 : i32
    %broadcast_in_dim3A_8 = vector.broadcast %broadcast_in_dim3A_7 : i32 to vector<16xi32>
    %broadcast_in_dim3A_9 = arith.constant 20480 : i32
    %broadcast_in_dim3A_10 = vector.broadcast %broadcast_in_dim3A_9 : i32 to vector<16xi32>
    %broadcast_in_dim3A_11 = arith.constant 30720 : i32
    %broadcast_in_dim3A_12 = vector.broadcast %broadcast_in_dim3A_11 : i32 to vector<16xi32>
    %dma_start3A = arith.constant 0 : i32
    %dma_start3A_13 = tpu.memref_slice %arg4[%dma_start3A] : memref<327680xi32, #tpu.memory_space<hbm>> -> memref<2048xi32, #tpu.memory_space<hbm>>
    %dma_start3A_14 = arith.constant 0 : i32
    %dma_start3A_15 = tpu.memref_slice %arg4[%dma_start3A_14] : memref<327680xi32, #tpu.memory_space<hbm>> -> memref<2048xi32, #tpu.memory_space<hbm>>
    tpu.enqueue_dma source(%dma_start3A_15 : memref<2048xi32, #tpu.memory_space<hbm>>) target(%arg9 : memref<2048xi32, #tpu.memory_space<vmem>>) target_semaphore(%arg13 : memref<!tpu.dma_semaphore, #tpu.memory_space<semaphore_mem>>)
    %dma_start3A_16 = arith.constant 0 : i32
    %dma_start3A_17 = tpu.memref_slice %arg3[%dma_start3A_16] : memref<327680xi32, #tpu.memory_space<hbm>> -> memref<2048xi32, #tpu.memory_space<hbm>>
    %dma_start3A_18 = arith.constant 0 : i32
    %dma_start3A_19 = tpu.memref_slice %arg3[%dma_start3A_18] : memref<327680xi32, #tpu.memory_space<hbm>> -> memref<2048xi32, #tpu.memory_space<hbm>>
    tpu.enqueue_dma source(%dma_start3A_19 : memref<2048xi32, #tpu.memory_space<hbm>>) target(%arg11 : memref<2048xi32, #tpu.memory_space<vmem>>) target_semaphore(%arg13 : memref<!tpu.dma_semaphore, #tpu.memory_space<semaphore_mem>>)
    %scan3A = arith.constant 0 : i32
    %scan3A_20 = arith.constant 0 : i32
    %scan3A_21 = arith.constant 80 : i32
    %scan3A_22 = arith.addi %scan3A_20, %scan3A_21 : i32
    %scan3A_23 = arith.constant 1 : i32
    scf.for %scan3A_29 = %scan3A_20 to %scan3A_22 step %scan3A_23  : i32 {
      %mul3A_30 = arith.constant 2 : i32
      %mul3A_31 = arith.muli %mul3A_30, %scan3A_29 : i32
      %add3A_32 = arith.constant 1 : i32
      %add3A_33 = arith.addi %mul3A_31, %add3A_32 : i32
      %mul3A_34 = arith.constant 2048 : i32
      %mul3A_35 = arith.muli %add3A_33, %mul3A_34 : i32
      %dma_start3A_36 = tpu.memref_slice %arg4[%mul3A_35] : memref<327680xi32, #tpu.memory_space<hbm>> -> memref<2048xi32, #tpu.memory_space<hbm>>
      %dma_start3A_37 = tpu.memref_slice %arg4[%mul3A_35] : memref<327680xi32, #tpu.memory_space<hbm>> -> memref<2048xi32, #tpu.memory_space<hbm>>
      tpu.enqueue_dma source(%dma_start3A_37 : memref<2048xi32, #tpu.memory_space<hbm>>) target(%arg10 : memref<2048xi32, #tpu.memory_space<vmem>>) target_semaphore(%arg14 : memref<!tpu.dma_semaphore, #tpu.memory_space<semaphore_mem>>)
      %mul3A_38 = arith.constant 2048 : i32
      %mul3A_39 = arith.muli %add3A_33, %mul3A_38 : i32
      %dma_start3A_40 = tpu.memref_slice %arg3[%mul3A_39] : memref<327680xi32, #tpu.memory_space<hbm>> -> memref<2048xi32, #tpu.memory_space<hbm>>
      %dma_start3A_41 = tpu.memref_slice %arg3[%mul3A_39] : memref<327680xi32, #tpu.memory_space<hbm>> -> memref<2048xi32, #tpu.memory_space<hbm>>
      tpu.enqueue_dma source(%dma_start3A_41 : memref<2048xi32, #tpu.memory_space<hbm>>) target(%arg12 : memref<2048xi32, #tpu.memory_space<vmem>>) target_semaphore(%arg14 : memref<!tpu.dma_semaphore, #tpu.memory_space<semaphore_mem>>)
      %dma_wait3A = arith.constant 0 : i32
      %dma_wait3A_42 = tpu.memref_slice %arg4[%dma_wait3A] : memref<327680xi32, #tpu.memory_space<hbm>> -> memref<2048xi32, #tpu.memory_space<hbm>>
      %dma_wait3A_43 = arith.constant 0 : i32
      %dma_wait3A_44 = tpu.memref_slice %arg4[%dma_wait3A_43] : memref<327680xi32, #tpu.memory_space<hbm>> -> memref<2048xi32, #tpu.memory_space<hbm>>
      tpu.wait_dma2 semaphore(%arg13 : memref<!tpu.dma_semaphore, #tpu.memory_space<semaphore_mem>>) src(%dma_wait3A_44 : memref<2048xi32, #tpu.memory_space<hbm>>) dst(%arg9 : memref<2048xi32, #tpu.memory_space<vmem>>)
      %dma_wait3A_45 = arith.constant 0 : i32
      %dma_wait3A_46 = tpu.memref_slice %arg3[%dma_wait3A_45] : memref<327680xi32, #tpu.memory_space<hbm>> -> memref<2048xi32, #tpu.memory_space<hbm>>
      %dma_wait3A_47 = arith.constant 0 : i32
      %dma_wait3A_48 = tpu.memref_slice %arg3[%dma_wait3A_47] : memref<327680xi32, #tpu.memory_space<hbm>> -> memref<2048xi32, #tpu.memory_space<hbm>>
      tpu.wait_dma2 semaphore(%arg13 : memref<!tpu.dma_semaphore, #tpu.memory_space<semaphore_mem>>) src(%dma_wait3A_48 : memref<2048xi32, #tpu.memory_space<hbm>>) dst(%arg11 : memref<2048xi32, #tpu.memory_space<vmem>>)
      %scan3A_49 = arith.constant 0 : i32
      %scan3A_50 = arith.constant 0 : i32
      %scan3A_51 = arith.constant 32 : i32
      %scan3A_52 = arith.addi %scan3A_50, %scan3A_51 : i32
      %scan3A_53 = arith.constant 1 : i32
      scf.for %scan3A_71 = %scan3A_50 to %scan3A_52 step %scan3A_53  : i32 {
        %mul3A_72 = arith.constant 4 : i32
        %mul3A_73 = arith.muli %scan3A_71, %mul3A_72 : i32
        %add3A_74 = arith.constant 0 : i32
        %add3A_75 = arith.addi %mul3A_73, %add3A_74 : i32
        %mul3A_76 = arith.constant 16 : i32
        %mul3A_77 = arith.muli %add3A_75, %mul3A_76 : i32
        %get3A = arith.index_cast %mul3A_77 : i32 to index
        %get3A_78 = tpu.vector_load %arg9[%get3A] {strides = array<i32>} : memref<2048xi32, #tpu.memory_space<vmem>>, vector<16xi32>,
        %get3A_79 = arith.index_cast %mul3A_77 : i32 to index
        %get3A_80 = tpu.vector_load %arg11[%get3A_79] {strides = array<i32>} : memref<2048xi32, #tpu.memory_space<vmem>>, vector<16xi32>,
        %add3A_81 = arith.addi %get3A_78, %broadcast_in_dim3A_6 : vector<16xi32>
        %gather3A = tpu.vector_load_idx %arg7[%add3A_81] : memref<40960xf32, #tpu.memory_space<vmem>>[vector<16xi32>], vector<16xf32>,
        %add3A_82 = arith.addi %get3A_80, %broadcast_in_dim3A_6 : vector<16xi32>
        tpu.vector_store_idx %arg8[%add3A_82], %gather3A {add = true} : memref<40960xf32, #tpu.memory_space<vmem>>[vector<16xi32>], vector<16xf32>,
        %add3A_83 = arith.addi %get3A_78, %broadcast_in_dim3A_8 : vector<16xi32>
        %gather3A_84 = tpu.vector_load_idx %arg7[%add3A_83] : memref<40960xf32, #tpu.memory_space<vmem>>[vector<16xi32>], vector<16xf32>,
        %add3A_85 = arith.addi %get3A_80, %broadcast_in_dim3A_8 : vector<16xi32>
        tpu.vector_store_idx %arg8[%add3A_85], %gather3A_84 {add = true} : memref<40960xf32, #tpu.memory_space<vmem>>[vector<16xi32>], vector<16xf32>,
        %add3A_86 = arith.addi %get3A_78, %broadcast_in_dim3A_10 : vector<16xi32>
        %gather3A_87 = tpu.vector_load_idx %arg7[%add3A_86] : memref<40960xf32, #tpu.memory_space<vmem>>[vector<16xi32>], vector<16xf32>,
        %add3A_88 = arith.addi %get3A_80, %broadcast_in_dim3A_10 : vector<16xi32>
        tpu.vector_store_idx %arg8[%add3A_88], %gather3A_87 {add = true} : memref<40960xf32, #tpu.memory_space<vmem>>[vector<16xi32>], vector<16xf32>,
        %add3A_89 = arith.addi %get3A_78, %broadcast_in_dim3A_12 : vector<16xi32>
        %gather3A_90 = tpu.vector_load_idx %arg7[%add3A_89] : memref<40960xf32, #tpu.memory_space<vmem>>[vector<16xi32>], vector<16xf32>,
        %add3A_91 = arith.addi %get3A_80, %broadcast_in_dim3A_12 : vector<16xi32>
        tpu.vector_store_idx %arg8[%add3A_91], %gather3A_90 {add = true} : memref<40960xf32, #tpu.memory_space<vmem>>[vector<16xi32>], vector<16xf32>,
        %mul3A_92 = arith.constant 4 : i32
        %mul3A_93 = arith.muli %scan3A_71, %mul3A_92 : i32
        %add3A_94 = arith.constant 1 : i32
        %add3A_95 = arith.addi %mul3A_93, %add3A_94 : i32
        %mul3A_96 = arith.constant 16 : i32
        %mul3A_97 = arith.muli %add3A_95, %mul3A_96 : i32
        %get3A_98 = arith.index_cast %mul3A_97 : i32 to index
        %get3A_99 = tpu.vector_load %arg9[%get3A_98] {strides = array<i32>} : memref<2048xi32, #tpu.memory_space<vmem>>, vector<16xi32>,
        %get3A_100 = arith.index_cast %mul3A_97 : i32 to index
        %get3A_101 = tpu.vector_load %arg11[%get3A_100] {strides = array<i32>} : memref<2048xi32, #tpu.memory_space<vmem>>, vector<16xi32>,
        %add3A_102 = arith.addi %get3A_99, %broadcast_in_dim3A_6 : vector<16xi32>
        %gather3A_103 = tpu.vector_load_idx %arg7[%add3A_102] : memref<40960xf32, #tpu.memory_space<vmem>>[vector<16xi32>], vector<16xf32>,
        %add3A_104 = arith.addi %get3A_101, %broadcast_in_dim3A_6 : vector<16xi32>
        tpu.vector_store_idx %arg8[%add3A_104], %gather3A_103 {add = true} : memref<40960xf32, #tpu.memory_space<vmem>>[vector<16xi32>], vector<16xf32>,
        %add3A_105 = arith.addi %get3A_99, %broadcast_in_dim3A_8 : vector<16xi32>
        %gather3A_106 = tpu.vector_load_idx %arg7[%add3A_105] : memref<40960xf32, #tpu.memory_space<vmem>>[vector<16xi32>], vector<16xf32>,
        %add3A_107 = arith.addi %get3A_101, %broadcast_in_dim3A_8 : vector<16xi32>
        tpu.vector_store_idx %arg8[%add3A_107], %gather3A_106 {add = true} : memref<40960xf32, #tpu.memory_space<vmem>>[vector<16xi32>], vector<16xf32>,
        %add3A_108 = arith.addi %get3A_99, %broadcast_in_dim3A_10 : vector<16xi32>
        %gather3A_109 = tpu.vector_load_idx %arg7[%add3A_108] : memref<40960xf32, #tpu.memory_space<vmem>>[vector<16xi32>], vector<16xf32>,
        %add3A_110 = arith.addi %get3A_101, %broadcast_in_dim3A_10 : vector<16xi32>
        tpu.vector_store_idx %arg8[%add3A_110], %gather3A_109 {add = true} : memref<40960xf32, #tpu.memory_space<vmem>>[vector<16xi32>], vector<16xf32>,
        %add3A_111 = arith.addi %get3A_99, %broadcast_in_dim3A_12 : vector<16xi32>
        %gather3A_112 = tpu.vector_load_idx %arg7[%add3A_111] : memref<40960xf32, #tpu.memory_space<vmem>>[vector<16xi32>], vector<16xf32>,
        %add3A_113 = arith.addi %get3A_101, %broadcast_in_dim3A_12 : vector<16xi32>
        tpu.vector_store_idx %arg8[%add3A_113], %gather3A_112 {add = true} : memref<40960xf32, #tpu.memory_space<vmem>>[vector<16xi32>], vector<16xf32>,
        %mul3A_114 = arith.constant 4 : i32
        %mul3A_115 = arith.muli %scan3A_71, %mul3A_114 : i32
        %add3A_116 = arith.constant 2 : i32
        %add3A_117 = arith.addi %mul3A_115, %add3A_116 : i32
        %mul3A_118 = arith.constant 16 : i32
        %mul3A_119 = arith.muli %add3A_117, %mul3A_118 : i32
        %get3A_120 = arith.index_cast %mul3A_119 : i32 to index
        %get3A_121 = tpu.vector_load %arg9[%get3A_120] {strides = array<i32>} : memref<2048xi32, #tpu.memory_space<vmem>>, vector<16xi32>,
        %get3A_122 = arith.index_cast %mul3A_119 : i32 to index
        %get3A_123 = tpu.vector_load %arg11[%get3A_122] {strides = array<i32>} : memref<2048xi32, #tpu.memory_space<vmem>>, vector<16xi32>,
        %add3A_124 = arith.addi %get3A_121, %broadcast_in_dim3A_6 : vector<16xi32>
        %gather3A_125 = tpu.vector_load_idx %arg7[%add3A_124] : memref<40960xf32, #tpu.memory_space<vmem>>[vector<16xi32>], vector<16xf32>,
        %add3A_126 = arith.addi %get3A_123, %broadcast_in_dim3A_6 : vector<16xi32>
        tpu.vector_store_idx %arg8[%add3A_126], %gather3A_125 {add = true} : memref<40960xf32, #tpu.memory_space<vmem>>[vector<16xi32>], vector<16xf32>,
        %add3A_127 = arith.addi %get3A_121, %broadcast_in_dim3A_8 : vector<16xi32>
        %gather3A_128 = tpu.vector_load_idx %arg7[%add3A_127] : memref<40960xf32, #tpu.memory_space<vmem>>[vector<16xi32>], vector<16xf32>,
        %add3A_129 = arith.addi %get3A_123, %broadcast_in_dim3A_8 : vector<16xi32>
        tpu.vector_store_idx %arg8[%add3A_129], %gather3A_128 {add = true} : memref<40960xf32, #tpu.memory_space<vmem>>[vector<16xi32>], vector<16xf32>,
        %add3A_130 = arith.addi %get3A_121, %broadcast_in_dim3A_10 : vector<16xi32>
        %gather3A_131 = tpu.vector_load_idx %arg7[%add3A_130] : memref<40960xf32, #tpu.memory_space<vmem>>[vector<16xi32>], vector<16xf32>,
        %add3A_132 = arith.addi %get3A_123, %broadcast_in_dim3A_10 : vector<16xi32>
        tpu.vector_store_idx %arg8[%add3A_132], %gather3A_131 {add = true} : memref<40960xf32, #tpu.memory_space<vmem>>[vector<16xi32>], vector<16xf32>,
        %add3A_133 = arith.addi %get3A_121, %broadcast_in_dim3A_12 : vector<16xi32>
        %gather3A_134 = tpu.vector_load_idx %arg7[%add3A_133] : memref<40960xf32, #tpu.memory_space<vmem>>[vector<16xi32>], vector<16xf32>,
        %add3A_135 = arith.addi %get3A_123, %broadcast_in_dim3A_12 : vector<16xi32>
        tpu.vector_store_idx %arg8[%add3A_135], %gather3A_134 {add = true} : memref<40960xf32, #tpu.memory_space<vmem>>[vector<16xi32>], vector<16xf32>,
        %mul3A_136 = arith.constant 4 : i32
        %mul3A_137 = arith.muli %scan3A_71, %mul3A_136 : i32
        %add3A_138 = arith.constant 3 : i32
        %add3A_139 = arith.addi %mul3A_137, %add3A_138 : i32
        %mul3A_140 = arith.constant 16 : i32
        %mul3A_141 = arith.muli %add3A_139, %mul3A_140 : i32
        %get3A_142 = arith.index_cast %mul3A_141 : i32 to index
        %get3A_143 = tpu.vector_load %arg9[%get3A_142] {strides = array<i32>} : memref<2048xi32, #tpu.memory_space<vmem>>, vector<16xi32>,
        %get3A_144 = arith.index_cast %mul3A_141 : i32 to index
        %get3A_145 = tpu.vector_load %arg11[%get3A_144] {strides = array<i32>} : memref<2048xi32, #tpu.memory_space<vmem>>, vector<16xi32>,
        %add3A_146 = arith.addi %get3A_143, %broadcast_in_dim3A_6 : vector<16xi32>
        %gather3A_147 = tpu.vector_load_idx %arg7[%add3A_146] : memref<40960xf32, #tpu.memory_space<vmem>>[vector<16xi32>], vector<16xf32>,
        %add3A_148 = arith.addi %get3A_145, %broadcast_in_dim3A_6 : vector<16xi32>
        tpu.vector_store_idx %arg8[%add3A_148], %gather3A_147 {add = true} : memref<40960xf32, #tpu.memory_space<vmem>>[vector<16xi32>], vector<16xf32>,
        %add3A_149 = arith.addi %get3A_143, %broadcast_in_dim3A_8 : vector<16xi32>
        %gather3A_150 = tpu.vector_load_idx %arg7[%add3A_149] : memref<40960xf32, #tpu.memory_space<vmem>>[vector<16xi32>], vector<16xf32>,
        %add3A_151 = arith.addi %get3A_145, %broadcast_in_dim3A_8 : vector<16xi32>
        tpu.vector_store_idx %arg8[%add3A_151], %gather3A_150 {add = true} : memref<40960xf32, #tpu.memory_space<vmem>>[vector<16xi32>], vector<16xf32>,
        %add3A_152 = arith.addi %get3A_143, %broadcast_in_dim3A_10 : vector<16xi32>
        %gather3A_153 = tpu.vector_load_idx %arg7[%add3A_152] : memref<40960xf32, #tpu.memory_space<vmem>>[vector<16xi32>], vector<16xf32>,
        %add3A_154 = arith.addi %get3A_145, %broadcast_in_dim3A_10 : vector<16xi32>
        tpu.vector_store_idx %arg8[%add3A_154], %gather3A_153 {add = true} : memref<40960xf32, #tpu.memory_space<vmem>>[vector<16xi32>], vector<16xf32>,
        %add3A_155 = arith.addi %get3A_143, %broadcast_in_dim3A_12 : vector<16xi32>
        %gather3A_156 = tpu.vector_load_idx %arg7[%add3A_155] : memref<40960xf32, #tpu.memory_space<vmem>>[vector<16xi32>], vector<16xf32>,
        %add3A_157 = arith.addi %get3A_145, %broadcast_in_dim3A_12 : vector<16xi32>
        tpu.vector_store_idx %arg8[%add3A_157], %gather3A_156 {add = true} : memref<40960xf32, #tpu.memory_space<vmem>>[vector<16xi32>], vector<16xf32>,
      }
      %scan3A_54 = arith.constant 32 : i32
      %lt3A = arith.constant 79 : i32
      %lt3A_55 = arith.cmpi slt, %scan3A_29, %lt3A : i32
      %convert_element_type3A = arith.extui %lt3A_55 : i1 to i32
      %cond3A = arith.constant 0 : i32
      %cond3A_56 = arith.cmpi ne, %convert_element_type3A, %cond3A : i32
      scf.if %cond3A_56 {
        %add3A_71 = arith.constant 2 : i32
        %add3A_72 = arith.addi %mul3A_31, %add3A_71 : i32
        %mul3A_73 = arith.constant 2048 : i32
        %mul3A_74 = arith.muli %add3A_72, %mul3A_73 : i32
        %dma_start3A_75 = tpu.memref_slice %arg4[%mul3A_74] : memref<327680xi32, #tpu.memory_space<hbm>> -> memref<2048xi32, #tpu.memory_space<hbm>>
        %dma_start3A_76 = tpu.memref_slice %arg4[%mul3A_74] : memref<327680xi32, #tpu.memory_space<hbm>> -> memref<2048xi32, #tpu.memory_space<hbm>>
        tpu.enqueue_dma source(%dma_start3A_76 : memref<2048xi32, #tpu.memory_space<hbm>>) target(%arg9 : memref<2048xi32, #tpu.memory_space<vmem>>) target_semaphore(%arg13 : memref<!tpu.dma_semaphore, #tpu.memory_space<semaphore_mem>>)
        %mul3A_77 = arith.constant 2048 : i32
        %mul3A_78 = arith.muli %add3A_72, %mul3A_77 : i32
        %dma_start3A_79 = tpu.memref_slice %arg3[%mul3A_78] : memref<327680xi32, #tpu.memory_space<hbm>> -> memref<2048xi32, #tpu.memory_space<hbm>>
        %dma_start3A_80 = tpu.memref_slice %arg3[%mul3A_78] : memref<327680xi32, #tpu.memory_space<hbm>> -> memref<2048xi32, #tpu.memory_space<hbm>>
        tpu.enqueue_dma source(%dma_start3A_80 : memref<2048xi32, #tpu.memory_space<hbm>>) target(%arg11 : memref<2048xi32, #tpu.memory_space<vmem>>) target_semaphore(%arg13 : memref<!tpu.dma_semaphore, #tpu.memory_space<semaphore_mem>>)
      } else {
      }
      %dma_wait3A_57 = arith.constant 0 : i32
      %dma_wait3A_58 = tpu.memref_slice %arg4[%dma_wait3A_57] : memref<327680xi32, #tpu.memory_space<hbm>> -> memref<2048xi32, #tpu.memory_space<hbm>>
      %dma_wait3A_59 = arith.constant 0 : i32
      %dma_wait3A_60 = tpu.memref_slice %arg4[%dma_wait3A_59] : memref<327680xi32, #tpu.memory_space<hbm>> -> memref<2048xi32, #tpu.memory_space<hbm>>
      tpu.wait_dma2 semaphore(%arg14 : memref<!tpu.dma_semaphore, #tpu.memory_space<semaphore_mem>>) src(%dma_wait3A_60 : memref<2048xi32, #tpu.memory_space<hbm>>) dst(%arg10 : memref<2048xi32, #tpu.memory_space<vmem>>)
      %dma_wait3A_61 = arith.constant 0 : i32
      %dma_wait3A_62 = tpu.memref_slice %arg3[%dma_wait3A_61] : memref<327680xi32, #tpu.memory_space<hbm>> -> memref<2048xi32, #tpu.memory_space<hbm>>
      %dma_wait3A_63 = arith.constant 0 : i32
      %dma_wait3A_64 = tpu.memref_slice %arg3[%dma_wait3A_63] : memref<327680xi32, #tpu.memory_space<hbm>> -> memref<2048xi32, #tpu.memory_space<hbm>>
      tpu.wait_dma2 semaphore(%arg14 : memref<!tpu.dma_semaphore, #tpu.memory_space<semaphore_mem>>) src(%dma_wait3A_64 : memref<2048xi32, #tpu.memory_space<hbm>>) dst(%arg12 : memref<2048xi32, #tpu.memory_space<vmem>>)
      %scan3A_65 = arith.constant 0 : i32
      %scan3A_66 = arith.constant 0 : i32
      %scan3A_67 = arith.constant 32 : i32
      %scan3A_68 = arith.addi %scan3A_66, %scan3A_67 : i32
      %scan3A_69 = arith.constant 1 : i32
      scf.for %scan3A_71 = %scan3A_66 to %scan3A_68 step %scan3A_69  : i32 {
        %mul3A_72 = arith.constant 4 : i32
        %mul3A_73 = arith.muli %scan3A_71, %mul3A_72 : i32
        %add3A_74 = arith.constant 0 : i32
        %add3A_75 = arith.addi %mul3A_73, %add3A_74 : i32
        %mul3A_76 = arith.constant 16 : i32
        %mul3A_77 = arith.muli %add3A_75, %mul3A_76 : i32
        %get3A = arith.index_cast %mul3A_77 : i32 to index
        %get3A_78 = tpu.vector_load %arg10[%get3A] {strides = array<i32>} : memref<2048xi32, #tpu.memory_space<vmem>>, vector<16xi32>,
        %get3A_79 = arith.index_cast %mul3A_77 : i32 to index
        %get3A_80 = tpu.vector_load %arg12[%get3A_79] {strides = array<i32>} : memref<2048xi32, #tpu.memory_space<vmem>>, vector<16xi32>,
        %add3A_81 = arith.addi %get3A_78, %broadcast_in_dim3A_6 : vector<16xi32>
        %gather3A = tpu.vector_load_idx %arg7[%add3A_81] : memref<40960xf32, #tpu.memory_space<vmem>>[vector<16xi32>], vector<16xf32>,
        %add3A_82 = arith.addi %get3A_80, %broadcast_in_dim3A_6 : vector<16xi32>
        tpu.vector_store_idx %arg8[%add3A_82], %gather3A {add = true} : memref<40960xf32, #tpu.memory_space<vmem>>[vector<16xi32>], vector<16xf32>,
        %add3A_83 = arith.addi %get3A_78, %broadcast_in_dim3A_8 : vector<16xi32>
        %gather3A_84 = tpu.vector_load_idx %arg7[%add3A_83] : memref<40960xf32, #tpu.memory_space<vmem>>[vector<16xi32>], vector<16xf32>,
        %add3A_85 = arith.addi %get3A_80, %broadcast_in_dim3A_8 : vector<16xi32>
        tpu.vector_store_idx %arg8[%add3A_85], %gather3A_84 {add = true} : memref<40960xf32, #tpu.memory_space<vmem>>[vector<16xi32>], vector<16xf32>,
        %add3A_86 = arith.addi %get3A_78, %broadcast_in_dim3A_10 : vector<16xi32>
        %gather3A_87 = tpu.vector_load_idx %arg7[%add3A_86] : memref<40960xf32, #tpu.memory_space<vmem>>[vector<16xi32>], vector<16xf32>,
        %add3A_88 = arith.addi %get3A_80, %broadcast_in_dim3A_10 : vector<16xi32>
        tpu.vector_store_idx %arg8[%add3A_88], %gather3A_87 {add = true} : memref<40960xf32, #tpu.memory_space<vmem>>[vector<16xi32>], vector<16xf32>,
        %add3A_89 = arith.addi %get3A_78, %broadcast_in_dim3A_12 : vector<16xi32>
        %gather3A_90 = tpu.vector_load_idx %arg7[%add3A_89] : memref<40960xf32, #tpu.memory_space<vmem>>[vector<16xi32>], vector<16xf32>,
        %add3A_91 = arith.addi %get3A_80, %broadcast_in_dim3A_12 : vector<16xi32>
        tpu.vector_store_idx %arg8[%add3A_91], %gather3A_90 {add = true} : memref<40960xf32, #tpu.memory_space<vmem>>[vector<16xi32>], vector<16xf32>,
        %mul3A_92 = arith.constant 4 : i32
        %mul3A_93 = arith.muli %scan3A_71, %mul3A_92 : i32
        %add3A_94 = arith.constant 1 : i32
        %add3A_95 = arith.addi %mul3A_93, %add3A_94 : i32
        %mul3A_96 = arith.constant 16 : i32
        %mul3A_97 = arith.muli %add3A_95, %mul3A_96 : i32
        %get3A_98 = arith.index_cast %mul3A_97 : i32 to index
        %get3A_99 = tpu.vector_load %arg10[%get3A_98] {strides = array<i32>} : memref<2048xi32, #tpu.memory_space<vmem>>, vector<16xi32>,
        %get3A_100 = arith.index_cast %mul3A_97 : i32 to index
        %get3A_101 = tpu.vector_load %arg12[%get3A_100] {strides = array<i32>} : memref<2048xi32, #tpu.memory_space<vmem>>, vector<16xi32>,
        %add3A_102 = arith.addi %get3A_99, %broadcast_in_dim3A_6 : vector<16xi32>
        %gather3A_103 = tpu.vector_load_idx %arg7[%add3A_102] : memref<40960xf32, #tpu.memory_space<vmem>>[vector<16xi32>], vector<16xf32>,
        %add3A_104 = arith.addi %get3A_101, %broadcast_in_dim3A_6 : vector<16xi32>
        tpu.vector_store_idx %arg8[%add3A_104], %gather3A_103 {add = true} : memref<40960xf32, #tpu.memory_space<vmem>>[vector<16xi32>], vector<16xf32>,
        %add3A_105 = arith.addi %get3A_99, %broadcast_in_dim3A_8 : vector<16xi32>
        %gather3A_106 = tpu.vector_load_idx %arg7[%add3A_105] : memref<40960xf32, #tpu.memory_space<vmem>>[vector<16xi32>], vector<16xf32>,
        %add3A_107 = arith.addi %get3A_101, %broadcast_in_dim3A_8 : vector<16xi32>
        tpu.vector_store_idx %arg8[%add3A_107], %gather3A_106 {add = true} : memref<40960xf32, #tpu.memory_space<vmem>>[vector<16xi32>], vector<16xf32>,
        %add3A_108 = arith.addi %get3A_99, %broadcast_in_dim3A_10 : vector<16xi32>
        %gather3A_109 = tpu.vector_load_idx %arg7[%add3A_108] : memref<40960xf32, #tpu.memory_space<vmem>>[vector<16xi32>], vector<16xf32>,
        %add3A_110 = arith.addi %get3A_101, %broadcast_in_dim3A_10 : vector<16xi32>
        tpu.vector_store_idx %arg8[%add3A_110], %gather3A_109 {add = true} : memref<40960xf32, #tpu.memory_space<vmem>>[vector<16xi32>], vector<16xf32>,
        %add3A_111 = arith.addi %get3A_99, %broadcast_in_dim3A_12 : vector<16xi32>
        %gather3A_112 = tpu.vector_load_idx %arg7[%add3A_111] : memref<40960xf32, #tpu.memory_space<vmem>>[vector<16xi32>], vector<16xf32>,
        %add3A_113 = arith.addi %get3A_101, %broadcast_in_dim3A_12 : vector<16xi32>
        tpu.vector_store_idx %arg8[%add3A_113], %gather3A_112 {add = true} : memref<40960xf32, #tpu.memory_space<vmem>>[vector<16xi32>], vector<16xf32>,
        %mul3A_114 = arith.constant 4 : i32
        %mul3A_115 = arith.muli %scan3A_71, %mul3A_114 : i32
        %add3A_116 = arith.constant 2 : i32
        %add3A_117 = arith.addi %mul3A_115, %add3A_116 : i32
        %mul3A_118 = arith.constant 16 : i32
        %mul3A_119 = arith.muli %add3A_117, %mul3A_118 : i32
        %get3A_120 = arith.index_cast %mul3A_119 : i32 to index
        %get3A_121 = tpu.vector_load %arg10[%get3A_120] {strides = array<i32>} : memref<2048xi32, #tpu.memory_space<vmem>>, vector<16xi32>,
        %get3A_122 = arith.index_cast %mul3A_119 : i32 to index
        %get3A_123 = tpu.vector_load %arg12[%get3A_122] {strides = array<i32>} : memref<2048xi32, #tpu.memory_space<vmem>>, vector<16xi32>,
        %add3A_124 = arith.addi %get3A_121, %broadcast_in_dim3A_6 : vector<16xi32>
        %gather3A_125 = tpu.vector_load_idx %arg7[%add3A_124] : memref<40960xf32, #tpu.memory_space<vmem>>[vector<16xi32>], vector<16xf32>,
        %add3A_126 = arith.addi %get3A_123, %broadcast_in_dim3A_6 : vector<16xi32>
        tpu.vector_store_idx %arg8[%add3A_126], %gather3A_125 {add = true} : memref<40960xf32, #tpu.memory_space<vmem>>[vector<16xi32>], vector<16xf32>,
        %add3A_127 = arith.addi %get3A_121, %broadcast_in_dim3A_8 : vector<16xi32>
        %gather3A_128 = tpu.vector_load_idx %arg7[%add3A_127] : memref<40960xf32, #tpu.memory_space<vmem>>[vector<16xi32>], vector<16xf32>,
        %add3A_129 = arith.addi %get3A_123, %broadcast_in_dim3A_8 : vector<16xi32>
        tpu.vector_store_idx %arg8[%add3A_129], %gather3A_128 {add = true} : memref<40960xf32, #tpu.memory_space<vmem>>[vector<16xi32>], vector<16xf32>,
        %add3A_130 = arith.addi %get3A_121, %broadcast_in_dim3A_10 : vector<16xi32>
        %gather3A_131 = tpu.vector_load_idx %arg7[%add3A_130] : memref<40960xf32, #tpu.memory_space<vmem>>[vector<16xi32>], vector<16xf32>,
        %add3A_132 = arith.addi %get3A_123, %broadcast_in_dim3A_10 : vector<16xi32>
        tpu.vector_store_idx %arg8[%add3A_132], %gather3A_131 {add = true} : memref<40960xf32, #tpu.memory_space<vmem>>[vector<16xi32>], vector<16xf32>,
        %add3A_133 = arith.addi %get3A_121, %broadcast_in_dim3A_12 : vector<16xi32>
        %gather3A_134 = tpu.vector_load_idx %arg7[%add3A_133] : memref<40960xf32, #tpu.memory_space<vmem>>[vector<16xi32>], vector<16xf32>,
        %add3A_135 = arith.addi %get3A_123, %broadcast_in_dim3A_12 : vector<16xi32>
        tpu.vector_store_idx %arg8[%add3A_135], %gather3A_134 {add = true} : memref<40960xf32, #tpu.memory_space<vmem>>[vector<16xi32>], vector<16xf32>,
        %mul3A_136 = arith.constant 4 : i32
        %mul3A_137 = arith.muli %scan3A_71, %mul3A_136 : i32
        %add3A_138 = arith.constant 3 : i32
        %add3A_139 = arith.addi %mul3A_137, %add3A_138 : i32
        %mul3A_140 = arith.constant 16 : i32
        %mul3A_141 = arith.muli %add3A_139, %mul3A_140 : i32
        %get3A_142 = arith.index_cast %mul3A_141 : i32 to index
        %get3A_143 = tpu.vector_load %arg10[%get3A_142] {strides = array<i32>} : memref<2048xi32, #tpu.memory_space<vmem>>, vector<16xi32>,
        %get3A_144 = arith.index_cast %mul3A_141 : i32 to index
        %get3A_145 = tpu.vector_load %arg12[%get3A_144] {strides = array<i32>} : memref<2048xi32, #tpu.memory_space<vmem>>, vector<16xi32>,
        %add3A_146 = arith.addi %get3A_143, %broadcast_in_dim3A_6 : vector<16xi32>
        %gather3A_147 = tpu.vector_load_idx %arg7[%add3A_146] : memref<40960xf32, #tpu.memory_space<vmem>>[vector<16xi32>], vector<16xf32>,
        %add3A_148 = arith.addi %get3A_145, %broadcast_in_dim3A_6 : vector<16xi32>
        tpu.vector_store_idx %arg8[%add3A_148], %gather3A_147 {add = true} : memref<40960xf32, #tpu.memory_space<vmem>>[vector<16xi32>], vector<16xf32>,
        %add3A_149 = arith.addi %get3A_143, %broadcast_in_dim3A_8 : vector<16xi32>
        %gather3A_150 = tpu.vector_load_idx %arg7[%add3A_149] : memref<40960xf32, #tpu.memory_space<vmem>>[vector<16xi32>], vector<16xf32>,
        %add3A_151 = arith.addi %get3A_145, %broadcast_in_dim3A_8 : vector<16xi32>
        tpu.vector_store_idx %arg8[%add3A_151], %gather3A_150 {add = true} : memref<40960xf32, #tpu.memory_space<vmem>>[vector<16xi32>], vector<16xf32>,
        %add3A_152 = arith.addi %get3A_143, %broadcast_in_dim3A_10 : vector<16xi32>
        %gather3A_153 = tpu.vector_load_idx %arg7[%add3A_152] : memref<40960xf32, #tpu.memory_space<vmem>>[vector<16xi32>], vector<16xf32>,
        %add3A_154 = arith.addi %get3A_145, %broadcast_in_dim3A_10 : vector<16xi32>
        tpu.vector_store_idx %arg8[%add3A_154], %gather3A_153 {add = true} : memref<40960xf32, #tpu.memory_space<vmem>>[vector<16xi32>], vector<16xf32>,
        %add3A_155 = arith.addi %get3A_143, %broadcast_in_dim3A_12 : vector<16xi32>
        %gather3A_156 = tpu.vector_load_idx %arg7[%add3A_155] : memref<40960xf32, #tpu.memory_space<vmem>>[vector<16xi32>], vector<16xf32>,
        %add3A_157 = arith.addi %get3A_145, %broadcast_in_dim3A_12 : vector<16xi32>
        tpu.vector_store_idx %arg8[%add3A_157], %gather3A_156 {add = true} : memref<40960xf32, #tpu.memory_space<vmem>>[vector<16xi32>], vector<16xf32>,
      }
      %scan3A_70 = arith.constant 32 : i32
    }
    %scan3A_24 = arith.constant 80 : i32
    %run_scoped3A_25 = arith.constant 0 : i32
    "tpu.region"() ({
      %run_scoped3A_29 = tpu.sem_alloc : memref<!tpu.dma_semaphore, #tpu.memory_space<semaphore_mem>>
      %dma_start3A_30 = arith.constant 0 : i32
      %dma_start3A_31 = tpu.memref_slice %arg8[%dma_start3A_30] : memref<40960xf32, #tpu.memory_space<vmem>> -> memref<10240xf32, #tpu.memory_space<vmem>>
      %dma_start3A_32 = arith.constant 0 : i32
      %dma_start3A_33 = tpu.memref_slice %arg6[%add3A, %run_scoped3A_25, %dma_start3A_32] : memref<32x4x10240xf32, #tpu.memory_space<hbm>> -> memref<1x1x10240xf32, #tpu.memory_space<hbm>>
      %dma_start3A_34 = tpu.memref_squeeze %dma_start3A_33 : memref<1x1x10240xf32, #tpu.memory_space<hbm>> -> memref<10240xf32, #tpu.memory_space<hbm>>
      %dma_start3A_35 = arith.constant 0 : i32
      %dma_start3A_36 = tpu.memref_slice %arg6[%add3A, %run_scoped3A_25, %dma_start3A_35] : memref<32x4x10240xf32, #tpu.memory_space<hbm>> -> memref<1x1x10240xf32, #tpu.memory_space<hbm>>
      %dma_start3A_37 = tpu.memref_squeeze %dma_start3A_36 : memref<1x1x10240xf32, #tpu.memory_space<hbm>> -> memref<10240xf32, #tpu.memory_space<hbm>>
      %dma_start3A_38 = arith.constant 0 : i32
      %dma_start3A_39 = tpu.memref_slice %arg8[%dma_start3A_38] : memref<40960xf32, #tpu.memory_space<vmem>> -> memref<10240xf32, #tpu.memory_space<vmem>>
      tpu.enqueue_dma source(%dma_start3A_39 : memref<10240xf32, #tpu.memory_space<vmem>>) target(%dma_start3A_37 : memref<10240xf32, #tpu.memory_space<hbm>>) target_semaphore(%run_scoped3A_29 : memref<!tpu.dma_semaphore, #tpu.memory_space<semaphore_mem>>)
      %dma_wait3A = arith.constant 0 : i32
      %dma_wait3A_40 = tpu.memref_slice %arg8[%dma_wait3A] : memref<40960xf32, #tpu.memory_space<vmem>> -> memref<10240xf32, #tpu.memory_space<vmem>>
      %dma_wait3A_41 = arith.constant 0 : i32
      %dma_wait3A_42 = tpu.memref_slice %arg6[%add3A, %run_scoped3A_25, %dma_wait3A_41] : memref<32x4x10240xf32, #tpu.memory_space<hbm>> -> memref<1x1x10240xf32, #tpu.memory_space<hbm>>
      %dma_wait3A_43 = tpu.memref_squeeze %dma_wait3A_42 : memref<1x1x10240xf32, #tpu.memory_space<hbm>> -> memref<10240xf32, #tpu.memory_space<hbm>>
      %dma_wait3A_44 = arith.constant 0 : i32
      %dma_wait3A_45 = tpu.memref_slice %arg6[%add3A, %run_scoped3A_25, %dma_wait3A_44] : memref<32x4x10240xf32, #tpu.memory_space<hbm>> -> memref<1x1x10240xf32, #tpu.memory_space<hbm>>
      %dma_wait3A_46 = tpu.memref_squeeze %dma_wait3A_45 : memref<1x1x10240xf32, #tpu.memory_space<hbm>> -> memref<10240xf32, #tpu.memory_space<hbm>>
      %dma_wait3A_47 = arith.constant 0 : i32
      %dma_wait3A_48 = tpu.memref_slice %arg8[%dma_wait3A_47] : memref<40960xf32, #tpu.memory_space<vmem>> -> memref<10240xf32, #tpu.memory_space<vmem>>
      tpu.wait_dma2 semaphore(%run_scoped3A_29 : memref<!tpu.dma_semaphore, #tpu.memory_space<semaphore_mem>>) src(%dma_wait3A_48 : memref<10240xf32, #tpu.memory_space<vmem>>) dst(%dma_wait3A_46 : memref<10240xf32, #tpu.memory_space<hbm>>)
      tpu.yield
    }) : () -> ()
    %run_scoped3A_26 = arith.constant 1 : i32
    "tpu.region"() ({
      %run_scoped3A_29 = tpu.sem_alloc : memref<!tpu.dma_semaphore, #tpu.memory_space<semaphore_mem>>
      %dma_start3A_30 = arith.constant 10240 : i32
      %dma_start3A_31 = tpu.memref_slice %arg8[%dma_start3A_30] : memref<40960xf32, #tpu.memory_space<vmem>> -> memref<10240xf32, #tpu.memory_space<vmem>>
      %dma_start3A_32 = arith.constant 0 : i32
      %dma_start3A_33 = tpu.memref_slice %arg6[%add3A, %run_scoped3A_26, %dma_start3A_32] : memref<32x4x10240xf32, #tpu.memory_space<hbm>> -> memref<1x1x10240xf32, #tpu.memory_space<hbm>>
      %dma_start3A_34 = tpu.memref_squeeze %dma_start3A_33 : memref<1x1x10240xf32, #tpu.memory_space<hbm>> -> memref<10240xf32, #tpu.memory_space<hbm>>
      %dma_start3A_35 = arith.constant 0 : i32
      %dma_start3A_36 = tpu.memref_slice %arg6[%add3A, %run_scoped3A_26, %dma_start3A_35] : memref<32x4x10240xf32, #tpu.memory_space<hbm>> -> memref<1x1x10240xf32, #tpu.memory_space<hbm>>
      %dma_start3A_37 = tpu.memref_squeeze %dma_start3A_36 : memref<1x1x10240xf32, #tpu.memory_space<hbm>> -> memref<10240xf32, #tpu.memory_space<hbm>>
      %dma_start3A_38 = arith.constant 10240 : i32
      %dma_start3A_39 = tpu.memref_slice %arg8[%dma_start3A_38] : memref<40960xf32, #tpu.memory_space<vmem>> -> memref<10240xf32, #tpu.memory_space<vmem>>
      tpu.enqueue_dma source(%dma_start3A_39 : memref<10240xf32, #tpu.memory_space<vmem>>) target(%dma_start3A_37 : memref<10240xf32, #tpu.memory_space<hbm>>) target_semaphore(%run_scoped3A_29 : memref<!tpu.dma_semaphore, #tpu.memory_space<semaphore_mem>>)
      %dma_wait3A = arith.constant 10240 : i32
      %dma_wait3A_40 = tpu.memref_slice %arg8[%dma_wait3A] : memref<40960xf32, #tpu.memory_space<vmem>> -> memref<10240xf32, #tpu.memory_space<vmem>>
      %dma_wait3A_41 = arith.constant 0 : i32
      %dma_wait3A_42 = tpu.memref_slice %arg6[%add3A, %run_scoped3A_26, %dma_wait3A_41] : memref<32x4x10240xf32, #tpu.memory_space<hbm>> -> memref<1x1x10240xf32, #tpu.memory_space<hbm>>
      %dma_wait3A_43 = tpu.memref_squeeze %dma_wait3A_42 : memref<1x1x10240xf32, #tpu.memory_space<hbm>> -> memref<10240xf32, #tpu.memory_space<hbm>>
      %dma_wait3A_44 = arith.constant 0 : i32
      %dma_wait3A_45 = tpu.memref_slice %arg6[%add3A, %run_scoped3A_26, %dma_wait3A_44] : memref<32x4x10240xf32, #tpu.memory_space<hbm>> -> memref<1x1x10240xf32, #tpu.memory_space<hbm>>
      %dma_wait3A_46 = tpu.memref_squeeze %dma_wait3A_45 : memref<1x1x10240xf32, #tpu.memory_space<hbm>> -> memref<10240xf32, #tpu.memory_space<hbm>>
      %dma_wait3A_47 = arith.constant 10240 : i32
      %dma_wait3A_48 = tpu.memref_slice %arg8[%dma_wait3A_47] : memref<40960xf32, #tpu.memory_space<vmem>> -> memref<10240xf32, #tpu.memory_space<vmem>>
      tpu.wait_dma2 semaphore(%run_scoped3A_29 : memref<!tpu.dma_semaphore, #tpu.memory_space<semaphore_mem>>) src(%dma_wait3A_48 : memref<10240xf32, #tpu.memory_space<vmem>>) dst(%dma_wait3A_46 : memref<10240xf32, #tpu.memory_space<hbm>>)
      tpu.yield
    }) : () -> ()
    %run_scoped3A_27 = arith.constant 2 : i32
    "tpu.region"() ({
      %run_scoped3A_29 = tpu.sem_alloc : memref<!tpu.dma_semaphore, #tpu.memory_space<semaphore_mem>>
      %dma_start3A_30 = arith.constant 20480 : i32
      %dma_start3A_31 = tpu.memref_slice %arg8[%dma_start3A_30] : memref<40960xf32, #tpu.memory_space<vmem>> -> memref<10240xf32, #tpu.memory_space<vmem>>
      %dma_start3A_32 = arith.constant 0 : i32
      %dma_start3A_33 = tpu.memref_slice %arg6[%add3A, %run_scoped3A_27, %dma_start3A_32] : memref<32x4x10240xf32, #tpu.memory_space<hbm>> -> memref<1x1x10240xf32, #tpu.memory_space<hbm>>
      %dma_start3A_34 = tpu.memref_squeeze %dma_start3A_33 : memref<1x1x10240xf32, #tpu.memory_space<hbm>> -> memref<10240xf32, #tpu.memory_space<hbm>>
      %dma_start3A_35 = arith.constant 0 : i32
      %dma_start3A_36 = tpu.memref_slice %arg6[%add3A, %run_scoped3A_27, %dma_start3A_35] : memref<32x4x10240xf32, #tpu.memory_space<hbm>> -> memref<1x1x10240xf32, #tpu.memory_space<hbm>>
      %dma_start3A_37 = tpu.memref_squeeze %dma_start3A_36 : memref<1x1x10240xf32, #tpu.memory_space<hbm>> -> memref<10240xf32, #tpu.memory_space<hbm>>
      %dma_start3A_38 = arith.constant 20480 : i32
      %dma_start3A_39 = tpu.memref_slice %arg8[%dma_start3A_38] : memref<40960xf32, #tpu.memory_space<vmem>> -> memref<10240xf32, #tpu.memory_space<vmem>>
      tpu.enqueue_dma source(%dma_start3A_39 : memref<10240xf32, #tpu.memory_space<vmem>>) target(%dma_start3A_37 : memref<10240xf32, #tpu.memory_space<hbm>>) target_semaphore(%run_scoped3A_29 : memref<!tpu.dma_semaphore, #tpu.memory_space<semaphore_mem>>)
      %dma_wait3A = arith.constant 20480 : i32
      %dma_wait3A_40 = tpu.memref_slice %arg8[%dma_wait3A] : memref<40960xf32, #tpu.memory_space<vmem>> -> memref<10240xf32, #tpu.memory_space<vmem>>
      %dma_wait3A_41 = arith.constant 0 : i32
      %dma_wait3A_42 = tpu.memref_slice %arg6[%add3A, %run_scoped3A_27, %dma_wait3A_41] : memref<32x4x10240xf32, #tpu.memory_space<hbm>> -> memref<1x1x10240xf32, #tpu.memory_space<hbm>>
      %dma_wait3A_43 = tpu.memref_squeeze %dma_wait3A_42 : memref<1x1x10240xf32, #tpu.memory_space<hbm>> -> memref<10240xf32, #tpu.memory_space<hbm>>
      %dma_wait3A_44 = arith.constant 0 : i32
      %dma_wait3A_45 = tpu.memref_slice %arg6[%add3A, %run_scoped3A_27, %dma_wait3A_44] : memref<32x4x10240xf32, #tpu.memory_space<hbm>> -> memref<1x1x10240xf32, #tpu.memory_space<hbm>>
      %dma_wait3A_46 = tpu.memref_squeeze %dma_wait3A_45 : memref<1x1x10240xf32, #tpu.memory_space<hbm>> -> memref<10240xf32, #tpu.memory_space<hbm>>
      %dma_wait3A_47 = arith.constant 20480 : i32
      %dma_wait3A_48 = tpu.memref_slice %arg8[%dma_wait3A_47] : memref<40960xf32, #tpu.memory_space<vmem>> -> memref<10240xf32, #tpu.memory_space<vmem>>
      tpu.wait_dma2 semaphore(%run_scoped3A_29 : memref<!tpu.dma_semaphore, #tpu.memory_space<semaphore_mem>>) src(%dma_wait3A_48 : memref<10240xf32, #tpu.memory_space<vmem>>) dst(%dma_wait3A_46 : memref<10240xf32, #tpu.memory_space<hbm>>)
      tpu.yield
    }) : () -> ()
    %run_scoped3A_28 = arith.constant 3 : i32
    "tpu.region"() ({
      %run_scoped3A_29 = tpu.sem_alloc : memref<!tpu.dma_semaphore, #tpu.memory_space<semaphore_mem>>
      %dma_start3A_30 = arith.constant 30720 : i32
      %dma_start3A_31 = tpu.memref_slice %arg8[%dma_start3A_30] : memref<40960xf32, #tpu.memory_space<vmem>> -> memref<10240xf32, #tpu.memory_space<vmem>>
      %dma_start3A_32 = arith.constant 0 : i32
      %dma_start3A_33 = tpu.memref_slice %arg6[%add3A, %run_scoped3A_28, %dma_start3A_32] : memref<32x4x10240xf32, #tpu.memory_space<hbm>> -> memref<1x1x10240xf32, #tpu.memory_space<hbm>>
      %dma_start3A_34 = tpu.memref_squeeze %dma_start3A_33 : memref<1x1x10240xf32, #tpu.memory_space<hbm>> -> memref<10240xf32, #tpu.memory_space<hbm>>
      %dma_start3A_35 = arith.constant 0 : i32
      %dma_start3A_36 = tpu.memref_slice %arg6[%add3A, %run_scoped3A_28, %dma_start3A_35] : memref<32x4x10240xf32, #tpu.memory_space<hbm>> -> memref<1x1x10240xf32, #tpu.memory_space<hbm>>
      %dma_start3A_37 = tpu.memref_squeeze %dma_start3A_36 : memref<1x1x10240xf32, #tpu.memory_space<hbm>> -> memref<10240xf32, #tpu.memory_space<hbm>>
      %dma_start3A_38 = arith.constant 30720 : i32
      %dma_start3A_39 = tpu.memref_slice %arg8[%dma_start3A_38] : memref<40960xf32, #tpu.memory_space<vmem>> -> memref<10240xf32, #tpu.memory_space<vmem>>
      tpu.enqueue_dma source(%dma_start3A_39 : memref<10240xf32, #tpu.memory_space<vmem>>) target(%dma_start3A_37 : memref<10240xf32, #tpu.memory_space<hbm>>) target_semaphore(%run_scoped3A_29 : memref<!tpu.dma_semaphore, #tpu.memory_space<semaphore_mem>>)
      %dma_wait3A = arith.constant 30720 : i32
      %dma_wait3A_40 = tpu.memref_slice %arg8[%dma_wait3A] : memref<40960xf32, #tpu.memory_space<vmem>> -> memref<10240xf32, #tpu.memory_space<vmem>>
      %dma_wait3A_41 = arith.constant 0 : i32
      %dma_wait3A_42 = tpu.memref_slice %arg6[%add3A, %run_scoped3A_28, %dma_wait3A_41] : memref<32x4x10240xf32, #tpu.memory_space<hbm>> -> memref<1x1x10240xf32, #tpu.memory_space<hbm>>
      %dma_wait3A_43 = tpu.memref_squeeze %dma_wait3A_42 : memref<1x1x10240xf32, #tpu.memory_space<hbm>> -> memref<10240xf32, #tpu.memory_space<hbm>>
      %dma_wait3A_44 = arith.constant 0 : i32
      %dma_wait3A_45 = tpu.memref_slice %arg6[%add3A, %run_scoped3A_28, %dma_wait3A_44] : memref<32x4x10240xf32, #tpu.memory_space<hbm>> -> memref<1x1x10240xf32, #tpu.memory_space<hbm>>
      %dma_wait3A_46 = tpu.memref_squeeze %dma_wait3A_45 : memref<1x1x10240xf32, #tpu.memory_space<hbm>> -> memref<10240xf32, #tpu.memory_space<hbm>>
      %dma_wait3A_47 = arith.constant 30720 : i32
      %dma_wait3A_48 = tpu.memref_slice %arg8[%dma_wait3A_47] : memref<40960xf32, #tpu.memory_space<vmem>> -> memref<10240xf32, #tpu.memory_space<vmem>>
      tpu.wait_dma2 semaphore(%run_scoped3A_29 : memref<!tpu.dma_semaphore, #tpu.memory_space<semaphore_mem>>) src(%dma_wait3A_48 : memref<10240xf32, #tpu.memory_space<vmem>>) dst(%dma_wait3A_46 : memref<10240xf32, #tpu.memory_space<hbm>>)
      tpu.yield
    }) : () -> ()
    return
  }
}

module attributes {stable_mosaic.version = 14 : i64} {
  func.func @_tc_pre_body(%arg0: i32, %arg1: memref<1024x128xf32, #tpu.memory_space<vmem>>, %arg2: memref<128xf32, #tpu.memory_space<vmem>>, %arg3: memref<128xf32, #tpu.memory_space<vmem>>, %arg4: memref<128x128xf32, #tpu.memory_space<vmem>>, %arg5: memref<128xf32, #tpu.memory_space<vmem>>, %arg6: memref<128xf32, #tpu.memory_space<vmem>>, %arg7: memref<128xf32, #tpu.memory_space<vmem>>, %arg8: memref<128x128xf32, #tpu.memory_space<vmem>>, %arg9: memref<128xf32, #tpu.memory_space<vmem>>, %arg10: memref<1024x128xf32, #tpu.memory_space<vmem>>, %arg11: memref<32x4x1024xf32, #tpu.memory_space<vmem>>) attributes {dimension_semantics = [#tpu.dimension_semantics<arbitrary>], iteration_bounds = array<i64: 10>, scalar_prefetch = 0 : i64, scratch_operands = 0 : i64, tpu.core_type = #tpu.core_type<tc>, window_params = [{transform_indices = @transform_0, window_bounds = array<i64: 1024, 128>}, {pipeline_mode = #tpu.pipeline_mode<synchronous>, transform_indices = @transform_1, window_bounds = array<i64: 128>}, {pipeline_mode = #tpu.pipeline_mode<synchronous>, transform_indices = @transform_2, window_bounds = array<i64: 128>}, {pipeline_mode = #tpu.pipeline_mode<synchronous>, transform_indices = @transform_3, window_bounds = array<i64: 128, 128>}, {pipeline_mode = #tpu.pipeline_mode<synchronous>, transform_indices = @transform_4, window_bounds = array<i64: 128>}, {pipeline_mode = #tpu.pipeline_mode<synchronous>, transform_indices = @transform_5, window_bounds = array<i64: 128>}, {pipeline_mode = #tpu.pipeline_mode<synchronous>, transform_indices = @transform_6, window_bounds = array<i64: 128>}, {pipeline_mode = #tpu.pipeline_mode<synchronous>, transform_indices = @transform_7, window_bounds = array<i64: 128, 128>}, {pipeline_mode = #tpu.pipeline_mode<synchronous>, transform_indices = @transform_8, window_bounds = array<i64: 128>}, {transform_indices = @transform_9, window_bounds = array<i64: 1024, 128>}, {transform_indices = @transform_10, window_bounds = array<i64: 32, 4, 1024>}]} {
    %get3A = arith.constant 0 : index
    %get3A_0 = arith.constant 0 : index
    %get3A_1 = vector.load %arg1[%get3A, %get3A_0] : memref<1024x128xf32, #tpu.memory_space<vmem>>, vector<1024x128xf32>
    %get3A_2 = arith.constant 0 : index
    %get3A_3 = vector.load %arg2[%get3A_2] : memref<128xf32, #tpu.memory_space<vmem>>, vector<128xf32>
    %broadcast_in_dim3A = vector.shape_cast %get3A_3 : vector<128xf32> to vector<1x128xf32>
    %mul3A = vector.broadcast %broadcast_in_dim3A : vector<1x128xf32> to vector<1024x128xf32>
    %mul3A_4 = arith.mulf %get3A_1, %mul3A : vector<1024x128xf32>
    %get3A_5 = arith.constant 0 : index
    %get3A_6 = vector.load %arg3[%get3A_5] : memref<128xf32, #tpu.memory_space<vmem>>, vector<128xf32>
    %broadcast_in_dim3A_7 = vector.shape_cast %get3A_6 : vector<128xf32> to vector<1x128xf32>
    %add3A = vector.broadcast %broadcast_in_dim3A_7 : vector<1x128xf32> to vector<1024x128xf32>
    %add3A_8 = arith.addf %mul3A_4, %add3A : vector<1024x128xf32>
    %get3A_9 = arith.constant 0 : index
    %get3A_10 = arith.constant 0 : index
    %get3A_11 = vector.load %arg4[%get3A_9, %get3A_10] : memref<128x128xf32, #tpu.memory_space<vmem>>, vector<128x128xf32>
    %dot_general3A = arith.constant dense<0.000000e+00> : vector<1024x128xf32>
    %dot_general3A_12 = tpu.matmul %add3A_8, %get3A_11, %dot_general3A {dimension_numbers = #tpu.dot_dimension_numbers<[1], [0], [0], [1], [0, 0, 1, 1], [], []>, precision = #tpu.contract_precision<fp32>, transpose_lhs_hint = false} : vector<1024x128xf32>, vector<128x128xf32>, vector<1024x128xf32> -> vector<1024x128xf32>
    %get3A_13 = arith.constant 0 : index
    %get3A_14 = vector.load %arg5[%get3A_13] : memref<128xf32, #tpu.memory_space<vmem>>, vector<128xf32>
    %broadcast_in_dim3A_15 = vector.shape_cast %get3A_14 : vector<128xf32> to vector<1x128xf32>
    %add3A_16 = vector.broadcast %broadcast_in_dim3A_15 : vector<1x128xf32> to vector<1024x128xf32>
    %add3A_17 = arith.addf %dot_general3A_12, %add3A_16 : vector<1024x128xf32>
    %mul3A_18 = arith.constant 5.000000e-01 : f32
    %mul3A_19 = vector.broadcast %mul3A_18 : f32 to vector<1024x128xf32>
    %mul3A_20 = arith.mulf %add3A_17, %mul3A_19 : vector<1024x128xf32>
    %mul3A_21 = arith.constant 0.707106769 : f32
    %mul3A_22 = vector.broadcast %mul3A_21 : f32 to vector<1024x128xf32>
    %mul3A_23 = arith.mulf %add3A_17, %mul3A_22 : vector<1024x128xf32>
    %erf3A = math.erf %mul3A_23 : vector<1024x128xf32>
    %add3A_24 = arith.constant 1.000000e+00 : f32
    %add3A_25 = vector.broadcast %add3A_24 : f32 to vector<1024x128xf32>
    %add3A_26 = arith.addf %add3A_25, %erf3A : vector<1024x128xf32>
    %mul3A_27 = arith.mulf %mul3A_20, %add3A_26 : vector<1024x128xf32>
    %swap3A = arith.constant 0 : index
    %swap3A_28 = arith.constant 0 : index
    %swap3A_29 = vector.load %arg10[%swap3A, %swap3A_28] : memref<1024x128xf32, #tpu.memory_space<vmem>>, vector<1024x128xf32>
    tpu.vector_store %arg10[%swap3A, %swap3A_28], %mul3A_27 {strides = array<i32>} : memref<1024x128xf32, #tpu.memory_space<vmem>>, vector<1024x128xf32>,
    %get3A_30 = arith.constant 0 : index
    %get3A_31 = vector.load %arg6[%get3A_30] : memref<128xf32, #tpu.memory_space<vmem>>, vector<128xf32>
    %broadcast_in_dim3A_32 = vector.shape_cast %get3A_31 : vector<128xf32> to vector<1x128xf32>
    %mul3A_33 = vector.broadcast %broadcast_in_dim3A_32 : vector<1x128xf32> to vector<1024x128xf32>
    %mul3A_34 = arith.mulf %mul3A_27, %mul3A_33 : vector<1024x128xf32>
    %get3A_35 = arith.constant 0 : index
    %get3A_36 = vector.load %arg7[%get3A_35] : memref<128xf32, #tpu.memory_space<vmem>>, vector<128xf32>
    %broadcast_in_dim3A_37 = vector.shape_cast %get3A_36 : vector<128xf32> to vector<1x128xf32>
    %add3A_38 = vector.broadcast %broadcast_in_dim3A_37 : vector<1x128xf32> to vector<1024x128xf32>
    %add3A_39 = arith.addf %mul3A_34, %add3A_38 : vector<1024x128xf32>
    %get3A_40 = arith.constant 0 : index
    %get3A_41 = arith.constant 0 : index
    %get3A_42 = vector.load %arg8[%get3A_40, %get3A_41] : memref<128x128xf32, #tpu.memory_space<vmem>>, vector<128x128xf32>
    %dot_general3A_43 = arith.constant dense<0.000000e+00> : vector<1024x128xf32>
    %dot_general3A_44 = tpu.matmul %add3A_39, %get3A_42, %dot_general3A_43 {dimension_numbers = #tpu.dot_dimension_numbers<[1], [0], [0], [1], [0, 0, 1, 1], [], []>, precision = #tpu.contract_precision<fp32>, transpose_lhs_hint = false} : vector<1024x128xf32>, vector<128x128xf32>, vector<1024x128xf32> -> vector<1024x128xf32>
    %get3A_45 = arith.constant 0 : index
    %get3A_46 = vector.load %arg9[%get3A_45] : memref<128xf32, #tpu.memory_space<vmem>>, vector<128xf32>
    %broadcast_in_dim3A_47 = vector.shape_cast %get3A_46 : vector<128xf32> to vector<1x128xf32>
    %add3A_48 = vector.broadcast %broadcast_in_dim3A_47 : vector<1x128xf32> to vector<1024x128xf32>
    %add3A_49 = arith.addf %dot_general3A_44, %add3A_48 : vector<1024x128xf32>
    %mul3A_50 = arith.constant 5.000000e-01 : f32
    %mul3A_51 = vector.broadcast %mul3A_50 : f32 to vector<1024x128xf32>
    %mul3A_52 = arith.mulf %add3A_49, %mul3A_51 : vector<1024x128xf32>
    %mul3A_53 = arith.constant 0.707106769 : f32
    %mul3A_54 = vector.broadcast %mul3A_53 : f32 to vector<1024x128xf32>
    %mul3A_55 = arith.mulf %add3A_49, %mul3A_54 : vector<1024x128xf32>
    %erf3A_56 = math.erf %mul3A_55 : vector<1024x128xf32>
    %add3A_57 = arith.constant 1.000000e+00 : f32
    %add3A_58 = vector.broadcast %add3A_57 : f32 to vector<1024x128xf32>
    %add3A_59 = arith.addf %add3A_58, %erf3A_56 : vector<1024x128xf32>
    %mul3A_60 = arith.mulf %mul3A_52, %add3A_59 : vector<1024x128xf32>
    %transpose3A = tpu.transpose %mul3A_60, [1, 0] : vector<1024x128xf32> -> vector<128x1024xf32>
    %reshape3A = vector.shape_cast %transpose3A : vector<128x1024xf32> to vector<32x4x1024xf32>
    %swap3A_61 = arith.constant 0 : index
    %swap3A_62 = arith.constant 0 : index
    %swap3A_63 = arith.constant 0 : index
    %swap3A_64 = vector.load %arg11[%swap3A_61, %swap3A_62, %swap3A_63] : memref<32x4x1024xf32, #tpu.memory_space<vmem>>, vector<32x4x1024xf32>
    tpu.vector_store %arg11[%swap3A_61, %swap3A_62, %swap3A_63], %reshape3A {strides = array<i32>} : memref<32x4x1024xf32, #tpu.memory_space<vmem>>, vector<32x4x1024xf32>,
    return
  }
  func.func @transform_0(%arg0: i32) -> (i32, i32) {
    %c0_i32 = arith.constant 0 : i32
    %c0_i32_0 = arith.constant 0 : i32
    return %arg0, %c0_i32 : i32, i32
  }
  func.func @transform_1(%arg0: i32) -> i32 {
    %c0_i32 = arith.constant 0 : i32
    %c0_i32_0 = arith.constant 0 : i32
    return %c0_i32 : i32
  }
  func.func @transform_2(%arg0: i32) -> i32 {
    %c0_i32 = arith.constant 0 : i32
    %c0_i32_0 = arith.constant 0 : i32
    return %c0_i32 : i32
  }
  func.func @transform_3(%arg0: i32) -> (i32, i32) {
    %c0_i32 = arith.constant 0 : i32
    %c0_i32_0 = arith.constant 0 : i32
    %c0_i32_1 = arith.constant 0 : i32
    return %c0_i32, %c0_i32_0 : i32, i32
  }
  func.func @transform_4(%arg0: i32) -> i32 {
    %c0_i32 = arith.constant 0 : i32
    %c0_i32_0 = arith.constant 0 : i32
    return %c0_i32 : i32
  }
  func.func @transform_5(%arg0: i32) -> i32 {
    %c0_i32 = arith.constant 0 : i32
    %c0_i32_0 = arith.constant 0 : i32
    return %c0_i32 : i32
  }
  func.func @transform_6(%arg0: i32) -> i32 {
    %c0_i32 = arith.constant 0 : i32
    %c0_i32_0 = arith.constant 0 : i32
    return %c0_i32 : i32
  }
  func.func @transform_7(%arg0: i32) -> (i32, i32) {
    %c0_i32 = arith.constant 0 : i32
    %c0_i32_0 = arith.constant 0 : i32
    %c0_i32_1 = arith.constant 0 : i32
    return %c0_i32, %c0_i32_0 : i32, i32
  }
  func.func @transform_8(%arg0: i32) -> i32 {
    %c0_i32 = arith.constant 0 : i32
    %c0_i32_0 = arith.constant 0 : i32
    return %c0_i32 : i32
  }
  func.func @transform_9(%arg0: i32) -> (i32, i32) {
    %c0_i32 = arith.constant 0 : i32
    %c0_i32_0 = arith.constant 0 : i32
    return %arg0, %c0_i32 : i32, i32
  }
  func.func @transform_10(%arg0: i32) -> (i32, i32, i32) {
    %c0_i32 = arith.constant 0 : i32
    %c0_i32_0 = arith.constant 0 : i32
    %c0_i32_1 = arith.constant 0 : i32
    return %c0_i32, %c0_i32_0, %arg0 : i32, i32, i32
  }
}

module attributes {stable_mosaic.version = 14 : i64} {
  func.func @_tc_upd_body(%arg0: i32, %arg1: memref<1024x128xf32, #tpu.memory_space<vmem>>, %arg2: memref<128x1024xf32, #tpu.memory_space<vmem>>, %arg3: memref<1024x1xf32, #tpu.memory_space<vmem>>, %arg4: memref<128xf32, #tpu.memory_space<vmem>>, %arg5: memref<128xf32, #tpu.memory_space<vmem>>, %arg6: memref<128xf32, #tpu.memory_space<vmem>>, %arg7: memref<128xf32, #tpu.memory_space<vmem>>, %arg8: memref<128x128xf32, #tpu.memory_space<vmem>>, %arg9: memref<128x128xf32, #tpu.memory_space<vmem>>, %arg10: memref<128xf32, #tpu.memory_space<vmem>>, %arg11: memref<128xf32, #tpu.memory_space<vmem>>, %arg12: memref<128xf32, #tpu.memory_space<vmem>>, %arg13: memref<128x128xf32, #tpu.memory_space<vmem>>, %arg14: memref<128xf32, #tpu.memory_space<vmem>>, %arg15: memref<1024x128xf32, #tpu.memory_space<vmem>>, %arg16: memref<32x4x1024xf32, #tpu.memory_space<vmem>>) attributes {dimension_semantics = [#tpu.dimension_semantics<arbitrary>], iteration_bounds = array<i64: 10>, scalar_prefetch = 0 : i64, scratch_operands = 0 : i64, tpu.core_type = #tpu.core_type<tc>, window_params = [{transform_indices = @transform_0, window_bounds = array<i64: 1024, 128>}, {transform_indices = @transform_1, window_bounds = array<i64: 128, 1024>}, {transform_indices = @transform_2, window_bounds = array<i64: 1024, 1>}, {pipeline_mode = #tpu.pipeline_mode<synchronous>, transform_indices = @transform_3, window_bounds = array<i64: 128>}, {pipeline_mode = #tpu.pipeline_mode<synchronous>, transform_indices = @transform_4, window_bounds = array<i64: 128>}, {pipeline_mode = #tpu.pipeline_mode<synchronous>, transform_indices = @transform_5, window_bounds = array<i64: 128>}, {pipeline_mode = #tpu.pipeline_mode<synchronous>, transform_indices = @transform_6, window_bounds = array<i64: 128>}, {pipeline_mode = #tpu.pipeline_mode<synchronous>, transform_indices = @transform_7, window_bounds = array<i64: 128, 128>}, {pipeline_mode = #tpu.pipeline_mode<synchronous>, transform_indices = @transform_8, window_bounds = array<i64: 128, 128>}, {pipeline_mode = #tpu.pipeline_mode<synchronous>, transform_indices = @transform_9, window_bounds = array<i64: 128>}, {pipeline_mode = #tpu.pipeline_mode<synchronous>, transform_indices = @transform_10, window_bounds = array<i64: 128>}, {pipeline_mode = #tpu.pipeline_mode<synchronous>, transform_indices = @transform_11, window_bounds = array<i64: 128>}, {pipeline_mode = #tpu.pipeline_mode<synchronous>, transform_indices = @transform_12, window_bounds = array<i64: 128, 128>}, {pipeline_mode = #tpu.pipeline_mode<synchronous>, transform_indices = @transform_13, window_bounds = array<i64: 128>}, {transform_indices = @transform_14, window_bounds = array<i64: 1024, 128>}, {transform_indices = @transform_15, window_bounds = array<i64: 32, 4, 1024>}]} {
    %get3A = arith.constant 0 : index
    %get3A_0 = arith.constant 0 : index
    %get3A_1 = vector.load %arg2[%get3A, %get3A_0] : memref<128x1024xf32, #tpu.memory_space<vmem>>, vector<128x1024xf32>
    %transpose3A = tpu.transpose %get3A_1, [1, 0] : vector<128x1024xf32> -> vector<1024x128xf32>
    %get3A_2 = arith.constant 0 : index
    %get3A_3 = arith.constant 0 : index
    %get3A_4 = vector.load %arg3[%get3A_2, %get3A_3] : memref<1024x1xf32, #tpu.memory_space<vmem>>, vector<1024x1xf32>
    %max3A = arith.constant 1.000000e+00 : f32
    %max3A_5 = vector.broadcast %max3A : f32 to vector<1024x1xf32>
    %max3A_6 = arith.maximumf %get3A_4, %max3A_5 : vector<1024x1xf32>
    %div3A = vector.broadcast %max3A_6 : vector<1024x1xf32> to vector<1024x128xf32>
    %div3A_7 = arith.divf %transpose3A, %div3A : vector<1024x128xf32>
    %get3A_8 = arith.constant 0 : index
    %get3A_9 = arith.constant 0 : index
    %get3A_10 = vector.load %arg1[%get3A_8, %get3A_9] : memref<1024x128xf32, #tpu.memory_space<vmem>>, vector<1024x128xf32>
    %get3A_11 = arith.constant 0 : index
    %get3A_12 = vector.load %arg4[%get3A_11] : memref<128xf32, #tpu.memory_space<vmem>>, vector<128xf32>
    %broadcast_in_dim3A = vector.shape_cast %get3A_12 : vector<128xf32> to vector<1x128xf32>
    %mul3A = vector.broadcast %broadcast_in_dim3A : vector<1x128xf32> to vector<1024x128xf32>
    %mul3A_13 = arith.mulf %get3A_10, %mul3A : vector<1024x128xf32>
    %get3A_14 = arith.constant 0 : index
    %get3A_15 = vector.load %arg5[%get3A_14] : memref<128xf32, #tpu.memory_space<vmem>>, vector<128xf32>
    %broadcast_in_dim3A_16 = vector.shape_cast %get3A_15 : vector<128xf32> to vector<1x128xf32>
    %add3A = vector.broadcast %broadcast_in_dim3A_16 : vector<1x128xf32> to vector<1024x128xf32>
    %add3A_17 = arith.addf %mul3A_13, %add3A : vector<1024x128xf32>
    %get3A_18 = arith.constant 0 : index
    %get3A_19 = arith.constant 0 : index
    %get3A_20 = vector.load %arg8[%get3A_18, %get3A_19] : memref<128x128xf32, #tpu.memory_space<vmem>>, vector<128x128xf32>
    %dot_general3A = arith.constant dense<0.000000e+00> : vector<1024x128xf32>
    %dot_general3A_21 = tpu.matmul %add3A_17, %get3A_20, %dot_general3A {dimension_numbers = #tpu.dot_dimension_numbers<[1], [0], [0], [1], [0, 0, 1, 1], [], []>, precision = #tpu.contract_precision<fp32>, transpose_lhs_hint = false} : vector<1024x128xf32>, vector<128x128xf32>, vector<1024x128xf32> -> vector<1024x128xf32>
    %get3A_22 = arith.constant 0 : index
    %get3A_23 = vector.load %arg6[%get3A_22] : memref<128xf32, #tpu.memory_space<vmem>>, vector<128xf32>
    %broadcast_in_dim3A_24 = vector.shape_cast %get3A_23 : vector<128xf32> to vector<1x128xf32>
    %mul3A_25 = vector.broadcast %broadcast_in_dim3A_24 : vector<1x128xf32> to vector<1024x128xf32>
    %mul3A_26 = arith.mulf %div3A_7, %mul3A_25 : vector<1024x128xf32>
    %get3A_27 = arith.constant 0 : index
    %get3A_28 = vector.load %arg7[%get3A_27] : memref<128xf32, #tpu.memory_space<vmem>>, vector<128xf32>
    %broadcast_in_dim3A_29 = vector.shape_cast %get3A_28 : vector<128xf32> to vector<1x128xf32>
    %add3A_30 = vector.broadcast %broadcast_in_dim3A_29 : vector<1x128xf32> to vector<1024x128xf32>
    %add3A_31 = arith.addf %mul3A_26, %add3A_30 : vector<1024x128xf32>
    %get3A_32 = arith.constant 0 : index
    %get3A_33 = arith.constant 0 : index
    %get3A_34 = vector.load %arg9[%get3A_32, %get3A_33] : memref<128x128xf32, #tpu.memory_space<vmem>>, vector<128x128xf32>
    %dot_general3A_35 = arith.constant dense<0.000000e+00> : vector<1024x128xf32>
    %dot_general3A_36 = tpu.matmul %add3A_31, %get3A_34, %dot_general3A_35 {dimension_numbers = #tpu.dot_dimension_numbers<[1], [0], [0], [1], [0, 0, 1, 1], [], []>, precision = #tpu.contract_precision<fp32>, transpose_lhs_hint = false} : vector<1024x128xf32>, vector<128x128xf32>, vector<1024x128xf32> -> vector<1024x128xf32>
    %add3A_37 = arith.addf %dot_general3A_21, %dot_general3A_36 : vector<1024x128xf32>
    %get3A_38 = arith.constant 0 : index
    %get3A_39 = vector.load %arg10[%get3A_38] : memref<128xf32, #tpu.memory_space<vmem>>, vector<128xf32>
    %broadcast_in_dim3A_40 = vector.shape_cast %get3A_39 : vector<128xf32> to vector<1x128xf32>
    %add3A_41 = vector.broadcast %broadcast_in_dim3A_40 : vector<1x128xf32> to vector<1024x128xf32>
    %add3A_42 = arith.addf %add3A_37, %add3A_41 : vector<1024x128xf32>
    %mul3A_43 = arith.constant 5.000000e-01 : f32
    %mul3A_44 = vector.broadcast %mul3A_43 : f32 to vector<1024x128xf32>
    %mul3A_45 = arith.mulf %add3A_42, %mul3A_44 : vector<1024x128xf32>
    %mul3A_46 = arith.constant 0.707106769 : f32
    %mul3A_47 = vector.broadcast %mul3A_46 : f32 to vector<1024x128xf32>
    %mul3A_48 = arith.mulf %add3A_42, %mul3A_47 : vector<1024x128xf32>
    %erf3A = math.erf %mul3A_48 : vector<1024x128xf32>
    %add3A_49 = arith.constant 1.000000e+00 : f32
    %add3A_50 = vector.broadcast %add3A_49 : f32 to vector<1024x128xf32>
    %add3A_51 = arith.addf %add3A_50, %erf3A : vector<1024x128xf32>
    %mul3A_52 = arith.mulf %mul3A_45, %add3A_51 : vector<1024x128xf32>
    %swap3A = arith.constant 0 : index
    %swap3A_53 = arith.constant 0 : index
    %swap3A_54 = vector.load %arg15[%swap3A, %swap3A_53] : memref<1024x128xf32, #tpu.memory_space<vmem>>, vector<1024x128xf32>
    tpu.vector_store %arg15[%swap3A, %swap3A_53], %mul3A_52 {strides = array<i32>} : memref<1024x128xf32, #tpu.memory_space<vmem>>, vector<1024x128xf32>,
    %get3A_55 = arith.constant 0 : index
    %get3A_56 = vector.load %arg11[%get3A_55] : memref<128xf32, #tpu.memory_space<vmem>>, vector<128xf32>
    %broadcast_in_dim3A_57 = vector.shape_cast %get3A_56 : vector<128xf32> to vector<1x128xf32>
    %mul3A_58 = vector.broadcast %broadcast_in_dim3A_57 : vector<1x128xf32> to vector<1024x128xf32>
    %mul3A_59 = arith.mulf %mul3A_52, %mul3A_58 : vector<1024x128xf32>
    %get3A_60 = arith.constant 0 : index
    %get3A_61 = vector.load %arg12[%get3A_60] : memref<128xf32, #tpu.memory_space<vmem>>, vector<128xf32>
    %broadcast_in_dim3A_62 = vector.shape_cast %get3A_61 : vector<128xf32> to vector<1x128xf32>
    %add3A_63 = vector.broadcast %broadcast_in_dim3A_62 : vector<1x128xf32> to vector<1024x128xf32>
    %add3A_64 = arith.addf %mul3A_59, %add3A_63 : vector<1024x128xf32>
    %get3A_65 = arith.constant 0 : index
    %get3A_66 = arith.constant 0 : index
    %get3A_67 = vector.load %arg13[%get3A_65, %get3A_66] : memref<128x128xf32, #tpu.memory_space<vmem>>, vector<128x128xf32>
    %dot_general3A_68 = arith.constant dense<0.000000e+00> : vector<1024x128xf32>
    %dot_general3A_69 = tpu.matmul %add3A_64, %get3A_67, %dot_general3A_68 {dimension_numbers = #tpu.dot_dimension_numbers<[1], [0], [0], [1], [0, 0, 1, 1], [], []>, precision = #tpu.contract_precision<fp32>, transpose_lhs_hint = false} : vector<1024x128xf32>, vector<128x128xf32>, vector<1024x128xf32> -> vector<1024x128xf32>
    %get3A_70 = arith.constant 0 : index
    %get3A_71 = vector.load %arg14[%get3A_70] : memref<128xf32, #tpu.memory_space<vmem>>, vector<128xf32>
    %broadcast_in_dim3A_72 = vector.shape_cast %get3A_71 : vector<128xf32> to vector<1x128xf32>
    %add3A_73 = vector.broadcast %broadcast_in_dim3A_72 : vector<1x128xf32> to vector<1024x128xf32>
    %add3A_74 = arith.addf %dot_general3A_69, %add3A_73 : vector<1024x128xf32>
    %mul3A_75 = arith.constant 5.000000e-01 : f32
    %mul3A_76 = vector.broadcast %mul3A_75 : f32 to vector<1024x128xf32>
    %mul3A_77 = arith.mulf %add3A_74, %mul3A_76 : vector<1024x128xf32>
    %mul3A_78 = arith.constant 0.707106769 : f32
    %mul3A_79 = vector.broadcast %mul3A_78 : f32 to vector<1024x128xf32>
    %mul3A_80 = arith.mulf %add3A_74, %mul3A_79 : vector<1024x128xf32>
    %erf3A_81 = math.erf %mul3A_80 : vector<1024x128xf32>
    %add3A_82 = arith.constant 1.000000e+00 : f32
    %add3A_83 = vector.broadcast %add3A_82 : f32 to vector<1024x128xf32>
    %add3A_84 = arith.addf %add3A_83, %erf3A_81 : vector<1024x128xf32>
    %mul3A_85 = arith.mulf %mul3A_77, %add3A_84 : vector<1024x128xf32>
    %transpose3A_86 = tpu.transpose %mul3A_85, [1, 0] : vector<1024x128xf32> -> vector<128x1024xf32>
    %reshape3A = vector.shape_cast %transpose3A_86 : vector<128x1024xf32> to vector<32x4x1024xf32>
    %swap3A_87 = arith.constant 0 : index
    %swap3A_88 = arith.constant 0 : index
    %swap3A_89 = arith.constant 0 : index
    %swap3A_90 = vector.load %arg16[%swap3A_87, %swap3A_88, %swap3A_89] : memref<32x4x1024xf32, #tpu.memory_space<vmem>>, vector<32x4x1024xf32>
    tpu.vector_store %arg16[%swap3A_87, %swap3A_88, %swap3A_89], %reshape3A {strides = array<i32>} : memref<32x4x1024xf32, #tpu.memory_space<vmem>>, vector<32x4x1024xf32>,
    return
  }
  func.func @transform_0(%arg0: i32) -> (i32, i32) {
    %c0_i32 = arith.constant 0 : i32
    %c0_i32_0 = arith.constant 0 : i32
    return %arg0, %c0_i32 : i32, i32
  }
  func.func @transform_1(%arg0: i32) -> (i32, i32) {
    %c0_i32 = arith.constant 0 : i32
    %c0_i32_0 = arith.constant 0 : i32
    return %c0_i32, %arg0 : i32, i32
  }
  func.func @transform_2(%arg0: i32) -> (i32, i32) {
    %c0_i32 = arith.constant 0 : i32
    %c0_i32_0 = arith.constant 0 : i32
    return %arg0, %c0_i32 : i32, i32
  }
  func.func @transform_3(%arg0: i32) -> i32 {
    %c0_i32 = arith.constant 0 : i32
    %c0_i32_0 = arith.constant 0 : i32
    return %c0_i32 : i32
  }
  func.func @transform_4(%arg0: i32) -> i32 {
    %c0_i32 = arith.constant 0 : i32
    %c0_i32_0 = arith.constant 0 : i32
    return %c0_i32 : i32
  }
  func.func @transform_5(%arg0: i32) -> i32 {
    %c0_i32 = arith.constant 0 : i32
    %c0_i32_0 = arith.constant 0 : i32
    return %c0_i32 : i32
  }
  func.func @transform_6(%arg0: i32) -> i32 {
    %c0_i32 = arith.constant 0 : i32
    %c0_i32_0 = arith.constant 0 : i32
    return %c0_i32 : i32
  }
  func.func @transform_7(%arg0: i32) -> (i32, i32) {
    %c0_i32 = arith.constant 0 : i32
    %c0_i32_0 = arith.constant 0 : i32
    %c0_i32_1 = arith.constant 0 : i32
    return %c0_i32, %c0_i32_0 : i32, i32
  }
  func.func @transform_8(%arg0: i32) -> (i32, i32) {
    %c0_i32 = arith.constant 0 : i32
    %c0_i32_0 = arith.constant 0 : i32
    %c0_i32_1 = arith.constant 0 : i32
    return %c0_i32, %c0_i32_0 : i32, i32
  }
  func.func @transform_9(%arg0: i32) -> i32 {
    %c0_i32 = arith.constant 0 : i32
    %c0_i32_0 = arith.constant 0 : i32
    return %c0_i32 : i32
  }
  func.func @transform_10(%arg0: i32) -> i32 {
    %c0_i32 = arith.constant 0 : i32
    %c0_i32_0 = arith.constant 0 : i32
    return %c0_i32 : i32
  }
  func.func @transform_11(%arg0: i32) -> i32 {
    %c0_i32 = arith.constant 0 : i32
    %c0_i32_0 = arith.constant 0 : i32
    return %c0_i32 : i32
  }
  func.func @transform_12(%arg0: i32) -> (i32, i32) {
    %c0_i32 = arith.constant 0 : i32
    %c0_i32_0 = arith.constant 0 : i32
    %c0_i32_1 = arith.constant 0 : i32
    return %c0_i32, %c0_i32_0 : i32, i32
  }
  func.func @transform_13(%arg0: i32) -> i32 {
    %c0_i32 = arith.constant 0 : i32
    %c0_i32_0 = arith.constant 0 : i32
    return %c0_i32 : i32
  }
  func.func @transform_14(%arg0: i32) -> (i32, i32) {
    %c0_i32 = arith.constant 0 : i32
    %c0_i32_0 = arith.constant 0 : i32
    return %arg0, %c0_i32 : i32, i32
  }
  func.func @transform_15(%arg0: i32) -> (i32, i32, i32) {
    %c0_i32 = arith.constant 0 : i32
    %c0_i32_0 = arith.constant 0 : i32
    %c0_i32_1 = arith.constant 0 : i32
    return %c0_i32, %c0_i32_0, %arg0 : i32, i32, i32
  }
}

module attributes {stable_mosaic.version = 14 : i64} {
  func.func @_tc_fin_body(%arg0: i32, %arg1: memref<1024x128xf32, #tpu.memory_space<vmem>>, %arg2: memref<128x1024xf32, #tpu.memory_space<vmem>>, %arg3: memref<1024x1xf32, #tpu.memory_space<vmem>>, %arg4: memref<128xf32, #tpu.memory_space<vmem>>, %arg5: memref<128xf32, #tpu.memory_space<vmem>>, %arg6: memref<128xf32, #tpu.memory_space<vmem>>, %arg7: memref<128xf32, #tpu.memory_space<vmem>>, %arg8: memref<128x128xf32, #tpu.memory_space<vmem>>, %arg9: memref<128x128xf32, #tpu.memory_space<vmem>>, %arg10: memref<128xf32, #tpu.memory_space<vmem>>, %arg11: memref<128xf32, #tpu.memory_space<vmem>>, %arg12: memref<128xf32, #tpu.memory_space<vmem>>, %arg13: memref<128x128xf32, #tpu.memory_space<vmem>>, %arg14: memref<128xf32, #tpu.memory_space<vmem>>, %arg15: memref<128x128xf32, #tpu.memory_space<vmem>>, %arg16: memref<128xf32, #tpu.memory_space<vmem>>, %arg17: memref<1024x128xf32, #tpu.memory_space<vmem>>) attributes {dimension_semantics = [#tpu.dimension_semantics<arbitrary>], iteration_bounds = array<i64: 10>, scalar_prefetch = 0 : i64, scratch_operands = 0 : i64, tpu.core_type = #tpu.core_type<tc>, window_params = [{transform_indices = @transform_0, window_bounds = array<i64: 1024, 128>}, {transform_indices = @transform_1, window_bounds = array<i64: 128, 1024>}, {transform_indices = @transform_2, window_bounds = array<i64: 1024, 1>}, {pipeline_mode = #tpu.pipeline_mode<synchronous>, transform_indices = @transform_3, window_bounds = array<i64: 128>}, {pipeline_mode = #tpu.pipeline_mode<synchronous>, transform_indices = @transform_4, window_bounds = array<i64: 128>}, {pipeline_mode = #tpu.pipeline_mode<synchronous>, transform_indices = @transform_5, window_bounds = array<i64: 128>}, {pipeline_mode = #tpu.pipeline_mode<synchronous>, transform_indices = @transform_6, window_bounds = array<i64: 128>}, {pipeline_mode = #tpu.pipeline_mode<synchronous>, transform_indices = @transform_7, window_bounds = array<i64: 128, 128>}, {pipeline_mode = #tpu.pipeline_mode<synchronous>, transform_indices = @transform_8, window_bounds = array<i64: 128, 128>}, {pipeline_mode = #tpu.pipeline_mode<synchronous>, transform_indices = @transform_9, window_bounds = array<i64: 128>}, {pipeline_mode = #tpu.pipeline_mode<synchronous>, transform_indices = @transform_10, window_bounds = array<i64: 128>}, {pipeline_mode = #tpu.pipeline_mode<synchronous>, transform_indices = @transform_11, window_bounds = array<i64: 128>}, {pipeline_mode = #tpu.pipeline_mode<synchronous>, transform_indices = @transform_12, window_bounds = array<i64: 128, 128>}, {pipeline_mode = #tpu.pipeline_mode<synchronous>, transform_indices = @transform_13, window_bounds = array<i64: 128>}, {pipeline_mode = #tpu.pipeline_mode<synchronous>, transform_indices = @transform_14, window_bounds = array<i64: 128, 128>}, {pipeline_mode = #tpu.pipeline_mode<synchronous>, transform_indices = @transform_15, window_bounds = array<i64: 128>}, {transform_indices = @transform_16, window_bounds = array<i64: 1024, 128>}]} {
    %get3A = arith.constant 0 : index
    %get3A_0 = arith.constant 0 : index
    %get3A_1 = vector.load %arg2[%get3A, %get3A_0] : memref<128x1024xf32, #tpu.memory_space<vmem>>, vector<128x1024xf32>
    %transpose3A = tpu.transpose %get3A_1, [1, 0] : vector<128x1024xf32> -> vector<1024x128xf32>
    %get3A_2 = arith.constant 0 : index
    %get3A_3 = arith.constant 0 : index
    %get3A_4 = vector.load %arg3[%get3A_2, %get3A_3] : memref<1024x1xf32, #tpu.memory_space<vmem>>, vector<1024x1xf32>
    %max3A = arith.constant 1.000000e+00 : f32
    %max3A_5 = vector.broadcast %max3A : f32 to vector<1024x1xf32>
    %max3A_6 = arith.maximumf %get3A_4, %max3A_5 : vector<1024x1xf32>
    %div3A = vector.broadcast %max3A_6 : vector<1024x1xf32> to vector<1024x128xf32>
    %div3A_7 = arith.divf %transpose3A, %div3A : vector<1024x128xf32>
    %get3A_8 = arith.constant 0 : index
    %get3A_9 = arith.constant 0 : index
    %get3A_10 = vector.load %arg1[%get3A_8, %get3A_9] : memref<1024x128xf32, #tpu.memory_space<vmem>>, vector<1024x128xf32>
    %get3A_11 = arith.constant 0 : index
    %get3A_12 = vector.load %arg4[%get3A_11] : memref<128xf32, #tpu.memory_space<vmem>>, vector<128xf32>
    %broadcast_in_dim3A = vector.shape_cast %get3A_12 : vector<128xf32> to vector<1x128xf32>
    %mul3A = vector.broadcast %broadcast_in_dim3A : vector<1x128xf32> to vector<1024x128xf32>
    %mul3A_13 = arith.mulf %get3A_10, %mul3A : vector<1024x128xf32>
    %get3A_14 = arith.constant 0 : index
    %get3A_15 = vector.load %arg5[%get3A_14] : memref<128xf32, #tpu.memory_space<vmem>>, vector<128xf32>
    %broadcast_in_dim3A_16 = vector.shape_cast %get3A_15 : vector<128xf32> to vector<1x128xf32>
    %add3A = vector.broadcast %broadcast_in_dim3A_16 : vector<1x128xf32> to vector<1024x128xf32>
    %add3A_17 = arith.addf %mul3A_13, %add3A : vector<1024x128xf32>
    %get3A_18 = arith.constant 0 : index
    %get3A_19 = arith.constant 0 : index
    %get3A_20 = vector.load %arg8[%get3A_18, %get3A_19] : memref<128x128xf32, #tpu.memory_space<vmem>>, vector<128x128xf32>
    %dot_general3A = arith.constant dense<0.000000e+00> : vector<1024x128xf32>
    %dot_general3A_21 = tpu.matmul %add3A_17, %get3A_20, %dot_general3A {dimension_numbers = #tpu.dot_dimension_numbers<[1], [0], [0], [1], [0, 0, 1, 1], [], []>, precision = #tpu.contract_precision<fp32>, transpose_lhs_hint = false} : vector<1024x128xf32>, vector<128x128xf32>, vector<1024x128xf32> -> vector<1024x128xf32>
    %get3A_22 = arith.constant 0 : index
    %get3A_23 = vector.load %arg6[%get3A_22] : memref<128xf32, #tpu.memory_space<vmem>>, vector<128xf32>
    %broadcast_in_dim3A_24 = vector.shape_cast %get3A_23 : vector<128xf32> to vector<1x128xf32>
    %mul3A_25 = vector.broadcast %broadcast_in_dim3A_24 : vector<1x128xf32> to vector<1024x128xf32>
    %mul3A_26 = arith.mulf %div3A_7, %mul3A_25 : vector<1024x128xf32>
    %get3A_27 = arith.constant 0 : index
    %get3A_28 = vector.load %arg7[%get3A_27] : memref<128xf32, #tpu.memory_space<vmem>>, vector<128xf32>
    %broadcast_in_dim3A_29 = vector.shape_cast %get3A_28 : vector<128xf32> to vector<1x128xf32>
    %add3A_30 = vector.broadcast %broadcast_in_dim3A_29 : vector<1x128xf32> to vector<1024x128xf32>
    %add3A_31 = arith.addf %mul3A_26, %add3A_30 : vector<1024x128xf32>
    %get3A_32 = arith.constant 0 : index
    %get3A_33 = arith.constant 0 : index
    %get3A_34 = vector.load %arg9[%get3A_32, %get3A_33] : memref<128x128xf32, #tpu.memory_space<vmem>>, vector<128x128xf32>
    %dot_general3A_35 = arith.constant dense<0.000000e+00> : vector<1024x128xf32>
    %dot_general3A_36 = tpu.matmul %add3A_31, %get3A_34, %dot_general3A_35 {dimension_numbers = #tpu.dot_dimension_numbers<[1], [0], [0], [1], [0, 0, 1, 1], [], []>, precision = #tpu.contract_precision<fp32>, transpose_lhs_hint = false} : vector<1024x128xf32>, vector<128x128xf32>, vector<1024x128xf32> -> vector<1024x128xf32>
    %add3A_37 = arith.addf %dot_general3A_21, %dot_general3A_36 : vector<1024x128xf32>
    %get3A_38 = arith.constant 0 : index
    %get3A_39 = vector.load %arg10[%get3A_38] : memref<128xf32, #tpu.memory_space<vmem>>, vector<128xf32>
    %broadcast_in_dim3A_40 = vector.shape_cast %get3A_39 : vector<128xf32> to vector<1x128xf32>
    %add3A_41 = vector.broadcast %broadcast_in_dim3A_40 : vector<1x128xf32> to vector<1024x128xf32>
    %add3A_42 = arith.addf %add3A_37, %add3A_41 : vector<1024x128xf32>
    %mul3A_43 = arith.constant 5.000000e-01 : f32
    %mul3A_44 = vector.broadcast %mul3A_43 : f32 to vector<1024x128xf32>
    %mul3A_45 = arith.mulf %add3A_42, %mul3A_44 : vector<1024x128xf32>
    %mul3A_46 = arith.constant 0.707106769 : f32
    %mul3A_47 = vector.broadcast %mul3A_46 : f32 to vector<1024x128xf32>
    %mul3A_48 = arith.mulf %add3A_42, %mul3A_47 : vector<1024x128xf32>
    %erf3A = math.erf %mul3A_48 : vector<1024x128xf32>
    %add3A_49 = arith.constant 1.000000e+00 : f32
    %add3A_50 = vector.broadcast %add3A_49 : f32 to vector<1024x128xf32>
    %add3A_51 = arith.addf %add3A_50, %erf3A : vector<1024x128xf32>
    %mul3A_52 = arith.mulf %mul3A_45, %add3A_51 : vector<1024x128xf32>
    %get3A_53 = arith.constant 0 : index
    %get3A_54 = vector.load %arg11[%get3A_53] : memref<128xf32, #tpu.memory_space<vmem>>, vector<128xf32>
    %broadcast_in_dim3A_55 = vector.shape_cast %get3A_54 : vector<128xf32> to vector<1x128xf32>
    %mul3A_56 = vector.broadcast %broadcast_in_dim3A_55 : vector<1x128xf32> to vector<1024x128xf32>
    %mul3A_57 = arith.mulf %mul3A_52, %mul3A_56 : vector<1024x128xf32>
    %get3A_58 = arith.constant 0 : index
    %get3A_59 = vector.load %arg12[%get3A_58] : memref<128xf32, #tpu.memory_space<vmem>>, vector<128xf32>
    %broadcast_in_dim3A_60 = vector.shape_cast %get3A_59 : vector<128xf32> to vector<1x128xf32>
    %add3A_61 = vector.broadcast %broadcast_in_dim3A_60 : vector<1x128xf32> to vector<1024x128xf32>
    %add3A_62 = arith.addf %mul3A_57, %add3A_61 : vector<1024x128xf32>
    %get3A_63 = arith.constant 0 : index
    %get3A_64 = arith.constant 0 : index
    %get3A_65 = vector.load %arg13[%get3A_63, %get3A_64] : memref<128x128xf32, #tpu.memory_space<vmem>>, vector<128x128xf32>
    %dot_general3A_66 = arith.constant dense<0.000000e+00> : vector<1024x128xf32>
    %dot_general3A_67 = tpu.matmul %add3A_62, %get3A_65, %dot_general3A_66 {dimension_numbers = #tpu.dot_dimension_numbers<[1], [0], [0], [1], [0, 0, 1, 1], [], []>, precision = #tpu.contract_precision<fp32>, transpose_lhs_hint = false} : vector<1024x128xf32>, vector<128x128xf32>, vector<1024x128xf32> -> vector<1024x128xf32>
    %get3A_68 = arith.constant 0 : index
    %get3A_69 = vector.load %arg14[%get3A_68] : memref<128xf32, #tpu.memory_space<vmem>>, vector<128xf32>
    %broadcast_in_dim3A_70 = vector.shape_cast %get3A_69 : vector<128xf32> to vector<1x128xf32>
    %add3A_71 = vector.broadcast %broadcast_in_dim3A_70 : vector<1x128xf32> to vector<1024x128xf32>
    %add3A_72 = arith.addf %dot_general3A_67, %add3A_71 : vector<1024x128xf32>
    %mul3A_73 = arith.constant 5.000000e-01 : f32
    %mul3A_74 = vector.broadcast %mul3A_73 : f32 to vector<1024x128xf32>
    %mul3A_75 = arith.mulf %add3A_72, %mul3A_74 : vector<1024x128xf32>
    %mul3A_76 = arith.constant 0.707106769 : f32
    %mul3A_77 = vector.broadcast %mul3A_76 : f32 to vector<1024x128xf32>
    %mul3A_78 = arith.mulf %add3A_72, %mul3A_77 : vector<1024x128xf32>
    %erf3A_79 = math.erf %mul3A_78 : vector<1024x128xf32>
    %add3A_80 = arith.constant 1.000000e+00 : f32
    %add3A_81 = vector.broadcast %add3A_80 : f32 to vector<1024x128xf32>
    %add3A_82 = arith.addf %add3A_81, %erf3A_79 : vector<1024x128xf32>
    %mul3A_83 = arith.mulf %mul3A_75, %add3A_82 : vector<1024x128xf32>
    %get3A_84 = arith.constant 0 : index
    %get3A_85 = arith.constant 0 : index
    %get3A_86 = vector.load %arg15[%get3A_84, %get3A_85] : memref<128x128xf32, #tpu.memory_space<vmem>>, vector<128x128xf32>
    %dot_general3A_87 = arith.constant dense<0.000000e+00> : vector<1024x128xf32>
    %dot_general3A_88 = tpu.matmul %mul3A_83, %get3A_86, %dot_general3A_87 {dimension_numbers = #tpu.dot_dimension_numbers<[1], [0], [0], [1], [0, 0, 1, 1], [], []>, precision = #tpu.contract_precision<fp32>, transpose_lhs_hint = false} : vector<1024x128xf32>, vector<128x128xf32>, vector<1024x128xf32> -> vector<1024x128xf32>
    %get3A_89 = arith.constant 0 : index
    %get3A_90 = vector.load %arg16[%get3A_89] : memref<128xf32, #tpu.memory_space<vmem>>, vector<128xf32>
    %broadcast_in_dim3A_91 = vector.shape_cast %get3A_90 : vector<128xf32> to vector<1x128xf32>
    %add3A_92 = vector.broadcast %broadcast_in_dim3A_91 : vector<1x128xf32> to vector<1024x128xf32>
    %add3A_93 = arith.addf %dot_general3A_88, %add3A_92 : vector<1024x128xf32>
    %swap3A = arith.constant 0 : index
    %swap3A_94 = arith.constant 0 : index
    %swap3A_95 = vector.load %arg17[%swap3A, %swap3A_94] : memref<1024x128xf32, #tpu.memory_space<vmem>>, vector<1024x128xf32>
    tpu.vector_store %arg17[%swap3A, %swap3A_94], %add3A_93 {strides = array<i32>} : memref<1024x128xf32, #tpu.memory_space<vmem>>, vector<1024x128xf32>,
    return
  }
  func.func @transform_0(%arg0: i32) -> (i32, i32) {
    %c0_i32 = arith.constant 0 : i32
    %c0_i32_0 = arith.constant 0 : i32
    return %arg0, %c0_i32 : i32, i32
  }
  func.func @transform_1(%arg0: i32) -> (i32, i32) {
    %c0_i32 = arith.constant 0 : i32
    %c0_i32_0 = arith.constant 0 : i32
    return %c0_i32, %arg0 : i32, i32
  }
  func.func @transform_2(%arg0: i32) -> (i32, i32) {
    %c0_i32 = arith.constant 0 : i32
    %c0_i32_0 = arith.constant 0 : i32
    return %arg0, %c0_i32 : i32, i32
  }
  func.func @transform_3(%arg0: i32) -> i32 {
    %c0_i32 = arith.constant 0 : i32
    %c0_i32_0 = arith.constant 0 : i32
    return %c0_i32 : i32
  }
  func.func @transform_4(%arg0: i32) -> i32 {
    %c0_i32 = arith.constant 0 : i32
    %c0_i32_0 = arith.constant 0 : i32
    return %c0_i32 : i32
  }
  func.func @transform_5(%arg0: i32) -> i32 {
    %c0_i32 = arith.constant 0 : i32
    %c0_i32_0 = arith.constant 0 : i32
    return %c0_i32 : i32
  }
  func.func @transform_6(%arg0: i32) -> i32 {
    %c0_i32 = arith.constant 0 : i32
    %c0_i32_0 = arith.constant 0 : i32
    return %c0_i32 : i32
  }
  func.func @transform_7(%arg0: i32) -> (i32, i32) {
    %c0_i32 = arith.constant 0 : i32
    %c0_i32_0 = arith.constant 0 : i32
    %c0_i32_1 = arith.constant 0 : i32
    return %c0_i32, %c0_i32_0 : i32, i32
  }
  func.func @transform_8(%arg0: i32) -> (i32, i32) {
    %c0_i32 = arith.constant 0 : i32
    %c0_i32_0 = arith.constant 0 : i32
    %c0_i32_1 = arith.constant 0 : i32
    return %c0_i32, %c0_i32_0 : i32, i32
  }
  func.func @transform_9(%arg0: i32) -> i32 {
    %c0_i32 = arith.constant 0 : i32
    %c0_i32_0 = arith.constant 0 : i32
    return %c0_i32 : i32
  }
  func.func @transform_10(%arg0: i32) -> i32 {
    %c0_i32 = arith.constant 0 : i32
    %c0_i32_0 = arith.constant 0 : i32
    return %c0_i32 : i32
  }
  func.func @transform_11(%arg0: i32) -> i32 {
    %c0_i32 = arith.constant 0 : i32
    %c0_i32_0 = arith.constant 0 : i32
    return %c0_i32 : i32
  }
  func.func @transform_12(%arg0: i32) -> (i32, i32) {
    %c0_i32 = arith.constant 0 : i32
    %c0_i32_0 = arith.constant 0 : i32
    %c0_i32_1 = arith.constant 0 : i32
    return %c0_i32, %c0_i32_0 : i32, i32
  }
  func.func @transform_13(%arg0: i32) -> i32 {
    %c0_i32 = arith.constant 0 : i32
    %c0_i32_0 = arith.constant 0 : i32
    return %c0_i32 : i32
  }
  func.func @transform_14(%arg0: i32) -> (i32, i32) {
    %c0_i32 = arith.constant 0 : i32
    %c0_i32_0 = arith.constant 0 : i32
    %c0_i32_1 = arith.constant 0 : i32
    return %c0_i32, %c0_i32_0 : i32, i32
  }
  func.func @transform_15(%arg0: i32) -> i32 {
    %c0_i32 = arith.constant 0 : i32
    %c0_i32_0 = arith.constant 0 : i32
    return %c0_i32 : i32
  }
  func.func @transform_16(%arg0: i32) -> (i32, i32) {
    %c0_i32 = arith.constant 0 : i32
    %c0_i32_0 = arith.constant 0 : i32
    return %arg0, %c0_i32 : i32, i32
  }
}

</mosaic_0001>

<sc_bundles>
// kernel: kernel.11.cloned.1.call-start
scs
__scs_entry_jumppad:
0x0: {  	(pc) =	sbr.rel $0x88, $3  }
0x1: {  	(tag) =	ssettag $0x0;
	lr =	simm.s32 $0x1  }
0x2: {  	[smem:$0x3F78] =	sst lr;
	_ =	strace $0xD0000000  }
0x3: {  	_ = 	snop  }
0x4: {  	_ = 	snop  }
0x5: {  	_ = 	snop  }
0x6: {  	_ = 	snop  }
0x7: {  	_ = 	snop  }
__scs_overlays_trampoline_lowered:
0x8: {  	[smem:$0x3F87] =	sst s0  }
0x9: {  	[smem:$0x3F88] =	sst s1  }
0xa: {  	[smem:$0x3F89] =	sst s2  }
0xb: {  	[smem:$0x3F8A] =	sst s3  }
0xc: {  	[smem:$0x3F8B] =	sst s4  }
0xd: {  	[smem:$0x3F8C] =	sst s5  }
0xe: {  	[smem:$0x3F8D] =	sst s6  }
0xf: {  	[smem:$0x3F8E] =	sst s7  }
0x10: {  	[smem:$0x3F8F] =	sst s8  }
0x11: {  	[smem:$0x3F90] =	sst s9;
	s0 =	simm.s32 @!p0 $0x0  }
0x12: {  	s1 =	sld [smem:$0x3F76];
	s0 =	simm.s32 @p0 $0x1  }
0x13: {  	[smem:$0x3F91] =	sst s0;
	s0 =	simm.s32 @!p1 $0x0  }
0x14: {  	s2 =	sld [smem:$0x3F75];
	s0 =	simm.s32 @p1 $0x1  }
0x15: {  	[smem:$0x3F92] =	sst s0;
	s0 =	simm.s32 @!p2 $0x0  }
0x16: {  	s3 =	sld [smem:$0x3FDB];
	s0 =	simm.s32 @p2 $0x1  }
0x17: {  	s4 =	simm.s32 $0x1BF5;
	[smem:$0x3F94] =	sst s0  }
0x18: {  	s0 =	sld [smem:$0x3F77];
	_ =	swait.ge [sflag:s4], $0x0  }
0x19: {  	s7 =	sld [smem:$0x3F78]  }
0x1a: {  	s8 =	sadd.s32 $0xFFFFE003, lr  }
0x1b: {  	s9 =	sadd.s32 $0xFFFFFEF7, lr;
	s5 =	simm.s32 $0xFFFFFFFF;
	p2 =	slt.u32 s8, $0xFFFFF086  }
0x1c: {  	p1 =	slt.u32 s9, $0xF7A;
	s5 =	simm.s32 @!p2 $0x0  }
0x1d: {  	s5 =	simm.s32 @p1 $0x1;
	p0 =	seq.s32 s7, s2  }
0x1e: {  	s7 =	smul.u32 @!p0 $0xF7A, s2;
	p2 =	seq.s32 @!p0 s5, $0x0  }
0x1f: {  	s9 =	smul.u32 $0xF7A, s1;
	s8 =	simm.s32 @!p0 $0x1BF5;
	p2 =	por !p2, p0  }
0x20: {  	[sflag:s8] =	ssyncset.s32 @!p0 $0xFFFFF086;
	s6 =	sadd.s32 @!p0 s3, s7;
	s7 =	simm.s32 @!p0 $0x108  }
0x21: {  	s3 =	sadd.s32 s3, s9;
	s6 =	sadd.s32 @!p0 $0x88, s6;
	s7 =	simm.s32 @p2 $0x1082  }
0x22: {  	[simem:s7], [sflag:s8] =	dma.local @!p0 [hbm:s6], $0xF7A  }
0x23: {  	s9 =	sor.u32 $0xD0000000, s2;
	s6 =	simm.s32 $0x108;
	_ =	swait.ge @!p0 [sflag:s8], $0x0  }
0x24: {  	s3 =	sadd.s32 $0x88, s3;
	s6 =	simm.s32 @!p1 $0x1082;
	[sflag:s4] =	ssyncset.s32 $0xFFFFF086  }
0x25: {  	[simem:s6], [sflag:s4] =	dma.local [hbm:s3], $0xF7A  }
0x26: {  	[smem:$0x3F78] =	sst s1;
	(tag) =	ssettag s2;
	_ =	strace s9  }
0x27: {  	s1 =	sld [smem:$0x3F88]  }
0x28: {  	s2 =	sld [smem:$0x3F89]  }
0x29: {  	s4 =	sld [smem:$0x3F8B]  }
0x2a: {  	p0 =	seq.s32 s5, $0x0;
	s5 =	sld [smem:$0x3F8C]  }
0x2b: {  	s6 =	sld [smem:$0x3F8D]  }
0x2c: {  	s7 =	sld [smem:$0x3F8E]  }
0x2d: {  	s3 =	simm.s32 $0x108;
	s8 =	sld [smem:$0x3F8F]  }
0x2e: {  	s3 =	simm.s32 @!p0 $0x1082;
	s9 =	sld [smem:$0x3F90]  }
0x2f: {  	lr =	sadd.s32 s0, s3;
	s0 =	sld [smem:$0x3F87]  }
0x30: {  	s3 =	sld [smem:$0x3F8A]  }
0x31: {  	[smem:$0x3F93] =	sst s10  }
0x32: {  	s10 =	sld [smem:$0x3F91];
	_ =	sdelay $0x3  }
0x33: {  	p0 =	seq.s32 s10, $0x1;
	s10 =	sld [smem:$0x3F93];
	_ =	sdelay $0x3  }
0x34: {  	[smem:$0x3F93] =	sst s10  }
0x35: {  	s10 =	sld [smem:$0x3F92];
	_ =	sdelay $0x3  }
0x36: {  	p1 =	seq.s32 s10, $0x1;
	s10 =	sld [smem:$0x3F93];
	_ =	sdelay $0x3  }
0x37: {  	[smem:$0x3F93] =	sst s10  }
0x38: {  	s10 =	sld [smem:$0x3F94]  }
0x39: {  	_ = 	snop;
	(pc) =	sbr.ind lr, $3  }
0x3a: {  	_ = 	snop  }
0x3b: {  	_ = 	snop  }
0x3c: {  	p2 =	seq.s32 s10, $0x1;
	s10 =	sld [smem:$0x3F93]  }
0x3d: {  	_ =	shalt  }
0x3e: {  	_ =	shalt  }
0x3f: {  	_ =	shalt  }
0x40: {  	_ =	shalt  }
0x41: {  	_ =	shalt  }
0x42: {  	_ =	shalt  }
0x43: {  	_ =	shalt  }
0x44: {  	_ =	shalt  }
0x45: {  	_ =	shalt  }
0x46: {  	_ =	shalt  }
0x47: {  	_ =	shalt  }
0x48: {  	_ =	shalt  }
0x49: {  	_ =	shalt  }
0x4a: {  	_ =	shalt  }
0x4b: {  	_ =	shalt  }
0x4c: {  	_ =	shalt  }
0x4d: {  	_ =	shalt  }
0x4e: {  	_ =	shalt  }
0x4f: {  	_ =	shalt  }
0x50: {  	_ =	shalt  }
0x51: {  	_ =	shalt  }
0x52: {  	_ =	shalt  }
0x53: {  	_ =	shalt  }
0x54: {  	_ =	shalt  }
0x55: {  	_ =	shalt  }
0x56: {  	_ =	shalt  }
0x57: {  	_ =	shalt  }
0x58: {  	_ =	shalt  }
0x59: {  	_ =	shalt  }
0x5a: {  	_ =	shalt  }
0x5b: {  	_ =	shalt  }
0x5c: {  	_ =	shalt  }
0x5d: {  	_ =	shalt  }
0x5e: {  	_ =	shalt  }
0x5f: {  	_ =	shalt  }
0x60: {  	_ =	shalt  }
0x61: {  	_ =	shalt  }
0x62: {  	_ =	shalt  }
0x63: {  	_ =	shalt  }
0x64: {  	_ =	shalt  }
0x65: {  	_ =	shalt  }
0x66: {  	_ =	shalt  }
0x67: {  	_ =	shalt  }
0x68: {  	_ =	shalt  }
0x69: {  	_ =	shalt  }
0x6a: {  	_ =	shalt  }
0x6b: {  	_ =	shalt  }
0x6c: {  	_ =	shalt  }
0x6d: {  	_ =	shalt  }
0x6e: {  	_ =	shalt  }
0x6f: {  	_ =	shalt  }
0x70: {  	_ =	shalt  }
0x71: {  	_ =	shalt  }
0x72: {  	_ =	shalt  }
0x73: {  	_ =	shalt  }
0x74: {  	_ =	shalt  }
0x75: {  	_ =	shalt  }
0x76: {  	_ =	shalt  }
0x77: {  	_ =	shalt  }
0x78: {  	_ =	shalt  }
0x79: {  	_ =	shalt  }
0x7a: {  	_ =	shalt  }
0x7b: {  	_ =	shalt  }
0x7c: {  	_ =	shalt  }
0x7d: {  	_ =	shalt  }
0x7e: {  	_ =	shalt  }
0x7f: {  	_ =	shalt  }
0x80: {  	_ =	shalt  }
0x81: {  	_ =	shalt  }
0x82: {  	_ =	shalt  }
0x83: {  	_ =	shalt  }
0x84: {  	_ =	shalt  }
0x85: {  	_ =	shalt  }
0x86: {  	_ =	shalt  }
0x87: {  	_ =	shalt  }
.Lfunc_end0:
.L_simem_size_0:
called_computation.1_lowered:
.L_overlay_start_0:
0x88: {  	s2 =	sld [smem:$0x3FD9]  }
0x89: {  	s3 =	sld [smem:$0x3FFE];
	_ =	sdelay $0x1  }
0x8a: {  	s1 =	srdreg.scid  }
0x8b: {  	s0 =	sand.u32 $0x1, s1  }
0x8c: {  	s17 =	sshll.u32 s0, $0xA;
	s2 =	sadd.s32 s3, s2  }
0x8d: {  	s2 =	sadd.s32 s2, s17  }
0x8e: {  	[smem:$0x3F9F] =	sst s2  }
0x8f: {  	_ = 	snop  }
0x90: {  	s2 =	sld [smem:$0x3FD0];
	(tm) =	ssettm $0x1  }
0x91: {  	s18 =	sld [smem:$0x3FFB];
	_ =	sdelay $0x3  }
0x92: {  	_ =	strace s18  }
0x93: {  	s3 =	sld [smem:$0x3FFC];
	_ =	sdelay $0x3  }
0x94: {  	_ =	strace s3  }
0x95: {  	s3 =	sld [smem:$0x3FFD];
	_ =	sdelay $0x3  }
0x96: {  	_ =	strace s3  }
0x97: {  	_ =	strace $0x8FFFFFFF  }
0x98: {  	s19 =	sld [smem:$0x3FDB];
	_ =	sdelay $0x1  }
0x99: {  	s4 =	simm.s32 $_scs_section_size  }
0x9a: {  	s5 =	simm.s32 $_size__tile_overlayer_lowered;
	s6 =	simm.s32 $_tile_overlayer_lowered  }
0x9b: {  	s22 =	simm.s32 $0x1BFF;
	s21 =	sshll.u32 s6, $0x1;
	s3 =	sadd.s32 s4, s19  }
0x9c: {  	s7 =	simm.s32 $0x0;
	s20 =	sshll.u32 s5, $0x1;
	s5 =	sadd.s32 s21, s3  }
0x9d: {  	[timem:s7], [sflag:s22] =	dma.local [hbm:s5], s20  }
0x9e: {  	_ =	swait.ge [sflag:s22], s20  }
0x9f: {  	s4 =	ssub.s32 $0x0, s20;
	[sflag:s22] =	ssyncset.done $0x0  }
0xa0: {  	[sflag:s22] =	ssyncadd.s32 s4;
	_ =	sdelay $0x1  }
0xa1: {  	s23 =	simm.s32 $0x1B8B  }
0xa2: {  	_ =	swait.ge [sflag:s23], $0x1  }
0xa3: {  	[sflag:s23] =	ssyncset.done $0x0  }
0xa4: {  	s25 =	simm.s32 $0x1B8E;
	s24 =	sld [smem:$0x3FFE];
	[sflag:s23] =	ssyncadd.s32 $0xFFFFFFFF  }
0xa5: {  	s26 =	simm.s32 $execute0_lowered;
	[smem:$0x3FD2] =	sst s25  }
0xa6: {  	s5 =	sshll.u32 s26, $0x1;
	_ =	strace $0x80000049;
	[dreg:$0x1] =	wrdreg $0xFFFFFFFF  }
0xa7: {  	s28 =	simm.s32 $_size_execute0_lowered;
	s3 =	sadd.s32 s3, s5;
	[dreg:$0x0] =	wrdreg $0x0  }
0xa8: {  	s5 =	sshll.u32 s28, $0x1;
	[dreg:$0x2] =	wrdreg s3  }
0xa9: {  	[dreg:$0x3] =	wrdreg s5  }
0xaa: {  	[dreg:$0x4] =	wrdreg $0xC0  }
0xab: {  	_ =	task [dreg:s7], $0x5FFFF  }
0xac: {  	[dreg:$0x1] =	wrdreg $0xFFFFFFFF  }
0xad: {  	[dreg:$0x0] =	wrdreg $0x60  }
0xae: {  	[dreg:$0x2] =	wrdreg s24  }
0xaf: {  	[dreg:$0x3] =	wrdreg s2  }
0xb0: {  	[dreg:$0x4] =	wrdreg $0x9  }
0xb1: {  	_ =	task.clear_ibuf [dreg:s7], $0x5FFFF;
	_ =	strace $0x90000049  }
0xb2: {  	s29 =	simm.s32 $0x9;
	_ =	strace $0x8000004B  }
0xb3: {  	_ =	swait.ge [sflag:s29], $0x1  }
0xb4: {  	[sflag:s29] =	ssyncadd.s32 $0xFFFFFFFF  }
0xb5: {  	_ =	strace $0x9000004B  }
0xb6: {  	_ =	sfence  }
0xb7: {  	s30 =	sld [smem:$0x0];
	_ =	sdelay $0x2  }
0xb8: {  	s31 =	sshll.u32 s1, $0xD;
	s1 =	sshrl.u32 s1, $0x2  }
0xb9: {  	s3 =	sand.u32 $0x4000, s31;
	s1 =	sadd.s32 s1, s30  }
0xba: {  	s0 =	sor.u32 s3, s0;
	s1 =	sshll.u32 s1, $0x11  }
0xbb: {  	s0 =	sor.u32 s1, s0  }
0xbc: {  	s0 =	sadd.s32 $0x8F2B, s0  }
0xbd: {  	[sflag:s0] =	ssyncadd.remote.s32 $0x1  }
0xbe: {  	_ =	sfence.sel $0xFFFF  }
0xbf: {  	[dreg:$0x0] =	wrdreg $0xFFFFFFFF;
	(pc) =	sbr.abs _section_cstart, $3  }
0xc0: {  	[dreg:$0x1] =	wrdreg $0xFFFFFFFF  }
0xc1: {  	_ =	task.clear_ibuf [dreg:s7], $0x2FFFF;
	_ =	strace $0x9FFFFFFF  }
0xc2: {  	(tm) =	ssettm $0x7FFFFFFF  }
0xc3: {  	_ =	shalt  }
tec
execute0_lowered:
.L_overlay_start_1:
0x0: {  	(tag) =	ssettag $0x1  }
0x1: {  	s0 =	rddreg [dreg:$0x0]  }
0x2: {  	s1 =	rddreg [dreg:$0x1]  }
0x3: {  	s2 =	srdreg.scid;
	s3 =	simm.s32 $0x0;
	s5 =	stileid.u32  }
0x4: {  	s15 =	simm.s32 $0x3;
	s16 =	simm.s32 $0xA000;
	s18 =	simm.s32 $0xC800  }
0x5: {  	s20 =	simm.s32 $0xF000;
	s21 =	simm.s32 $0x7800;
	s22 =	simm.s32 $0x11800  }
0x6: {  	s23 =	simm.s32 $0x14000;
	s24 =	simm.s32 $0x15000;
	s25 =	simm.s32 $0x14800  }
0x7: {  	s26 =	simm.s32 $0x15800;
	s28 =	simm.s32 $0x1;
	s2 =	sand.u32 $0x1, s2  }
0x8: {  	s29 =	simm.s32 $0x2;
	s30 =	simm.s32 $0x0;
	s4 =	sshll.u32 s2, $0x4  }
0x9: {  	[smem:$0x7FF] =	sst s3;
	s9 =	sadd.s32 $0x5C00, s0;
	s4 =	sor.u32 s5, s4  }
0xa: {  	_ =	strace $0x8000004A;
	s2 =	ssub.s32 $0x2, s2;
	s6 =	smul.u32 $0xA000, s4  }
0xb: {  	s5 =	sadd.s32 $0x37C00, s0;
	s7 =	sshrl.u32 s2, $0x1;
	s4 =	sadd.s32 $0x2DC00, s0  }
0xc: {  	s0 =	sadd.s32 $0x41C00, s0;
	s2 =	ssub.s32 s2, s7;
	s10 =	sshrl.u32 s6, $0x3  }
0xd: {  	s14 =	smax.u32 s2, $0x1;
	s6 =	sadd.s32 s9, s10;
	s11 =	sadd.s32 $0x500, s10  }
0xe: {  	s12 =	sadd.s32 $0xA00, s10;
	s13 =	sadd.s32 $0xF00, s10;
	s10 =	sadd.s32 s0, s10  }
0xf: {  	s7 =	sadd.s32 s9, s11;
	s8 =	sadd.s32 s9, s12;
	s9 =	sadd.s32 s9, s13  }
0x10: {  	s11 =	sadd.s32 s0, s11;
	s12 =	sadd.s32 s0, s12;
	s13 =	sadd.s32 s0, s13  }
.LBB2_1:
0x11: {  	[tilespmem:s3], [sflag:$0x3] =	stream.linear.gather [hbm4b:s6+s3], $0x2800, $0x38;
	[tilespmem:$0x16000] =	vst v63  }
0x12: {  	_ =	swait.ge [sflag:s15], $0x2800  }
0x13: {  	[sflag:s15] =	ssyncset.done $0x0  }
0x14: {  	[sflag:s15] =	ssyncadd.s32 $0xFFFFD800  }
0x15: {  	[tilespmem:s16], [sflag:$0x3] =	stream.linear.gather [hbm4b:s1+s3], $0x2800, $0x38;
	[tilespmem:$0x16000] =	vst v63  }
0x16: {  	_ =	swait.ge [sflag:s15], $0x2800  }
0x17: {  	[sflag:s15] =	ssyncset.done $0x0  }
0x18: {  	s0 =	simm.s32 $0x2800;
	[sflag:s15] =	ssyncadd.s32 $0xFFFFD800  }
0x19: {  	[tilespmem:s0], [sflag:$0x3] =	stream.linear.gather [hbm4b:s7+s3], $0x2800, $0x38;
	[tilespmem:$0x16000] =	vst v63  }
0x1a: {  	_ =	swait.ge [sflag:s15], $0x2800  }
0x1b: {  	[sflag:s15] =	ssyncset.done $0x0  }
0x1c: {  	[sflag:s15] =	ssyncadd.s32 $0xFFFFD800  }
0x1d: {  	[tilespmem:s18], [sflag:$0x3] =	stream.linear.gather [hbm4b:s1+s3], $0x2800, $0x38;
	[tilespmem:$0x16000] =	vst v63  }
0x1e: {  	_ =	swait.ge [sflag:s15], $0x2800  }
0x1f: {  	[sflag:s15] =	ssyncset.done $0x0  }
0x20: {  	s19 =	simm.s32 $0x5000;
	[sflag:s15] =	ssyncadd.s32 $0xFFFFD800  }
0x21: {  	[tilespmem:s19], [sflag:$0x3] =	stream.linear.gather [hbm4b:s8+s3], $0x2800, $0x38;
	[tilespmem:$0x16000] =	vst v63  }
0x22: {  	_ =	swait.ge [sflag:s15], $0x2800  }
0x23: {  	[sflag:s15] =	ssyncset.done $0x0  }
0x24: {  	[sflag:s15] =	ssyncadd.s32 $0xFFFFD800  }
0x25: {  	[tilespmem:s20], [sflag:$0x3] =	stream.linear.gather [hbm4b:s1+s3], $0x2800, $0x38;
	[tilespmem:$0x16000] =	vst v63  }
0x26: {  	_ =	swait.ge [sflag:s15], $0x2800  }
0x27: {  	[sflag:s15] =	ssyncset.done $0x0  }
0x28: {  	[sflag:s15] =	ssyncadd.s32 $0xFFFFD800  }
0x29: {  	[tilespmem:s21], [sflag:$0x3] =	stream.linear.gather [hbm4b:s9+s3], $0x2800, $0x38;
	[tilespmem:$0x16000] =	vst v63  }
0x2a: {  	_ =	swait.ge [sflag:s15], $0x2800  }
0x2b: {  	[sflag:s15] =	ssyncset.done $0x0  }
0x2c: {  	[sflag:s15] =	ssyncadd.s32 $0xFFFFD800  }
0x2d: {  	[tilespmem:s22], [sflag:$0x3] =	stream.linear.gather [hbm4b:s1+s3], $0x2800, $0x38;
	[tilespmem:$0x16000] =	vst v63  }
0x2e: {  	_ =	swait.ge [sflag:s15], $0x2800  }
0x2f: {  	[sflag:s15] =	ssyncset.done $0x0  }
0x30: {  	[sflag:s15] =	ssyncadd.s32 $0xFFFFD800  }
0x31: {  	[tilespmem:s23], [sflag:$0x1] =	stream.linear.gather [hbm4b:s5+s3], $0x800, $0x38;
	[tilespmem:$0x16000] =	vst v63  }
0x32: {  	s31 =	simm.s32 $0x0  }
0x33: {  	[tilespmem:s24], [sflag:$0x1] =	stream.linear.gather [hbm4b:s4+s3], $0x800, $0x38;
	[tilespmem:$0x16000] =	vst v63  }
.LBB2_2:
0x34: {  	s0 =	sshll.u32 s31, $0x9  }
0x35: {  	s17 =	sor.u32 $0x100, s0  }
0x36: {  	s2 =	simm.s32 $0x0;
	s19 =	sadd.s32 s5, s17  }
0x37: {  	[tilespmem:s25], [sflag:$0x2] =	stream.linear.gather [hbm4b:s19+s2], $0x800, $0x38;
	[tilespmem:$0x16000] =	vst v63  }
0x38: {  	s17 =	sadd.s32 s4, s17  }
0x39: {  	[tilespmem:s26], [sflag:$0x2] =	stream.linear.gather [hbm4b:s17+s2], $0x800, $0x38;
	[tilespmem:$0x16000] =	vst v63  }
0x3a: {  	_ =	swait.ge [sflag:s28], $0x800  }
0x3b: {  	[sflag:s28] =	ssyncset.done $0x0  }
0x3c: {  	[sflag:s28] =	ssyncadd.s32 $0xFFFFF800  }
0x3d: {  	_ =	swait.ge [sflag:s28], $0x800  }
0x3e: {  	[sflag:s28] =	ssyncset.done $0x0  }
0x3f: {  	[sflag:s28] =	ssyncadd.s32 $0xFFFFF800  }
.LBB2_3:
0x40: {  	s17 =	sshra.s32 s2, $0x2  }
0x41: {  	v0 =	vld [tilespmem:s17+$0x14000];
	_ =	sdelay $0x4  }
0x42: {  	v1 =	vld [tilespmem:s17+$0x15000];
	_ =	sdelay $0x2  }
0x43: {  	v2 =	vld.idx.msk [tilespmem:v0+s3+$0x0], $0xffff  }
0x44: {  	v3 =	vadd.s32 $0x2800, v0;
	_ =	sdelay $0x3  }
0x45: {  	[tilespmem:v1+s16+$0x0] =	vst.idx.add.f32.msk $0xffff, v2  }
0x46: {  	v50 =	vadd.s32 $0x2800, v1;
	v2 =	vld.idx.msk [tilespmem:v3+s3+$0x0], $0xffff  }
0x47: {  	v4 =	vadd.s32 $0x5000, v0;
	_ =	sdelay $0x3  }
0x48: {  	[tilespmem:v50+s16+$0x0] =	vst.idx.add.f32.msk $0xffff, v2  }
0x49: {  	v51 =	vadd.s32 $0x5000, v1;
	v2 =	vld.idx.msk [tilespmem:v4+s3+$0x0], $0xffff  }
0x4a: {  	v0 =	vadd.s32 $0x7800, v0;
	_ =	sdelay $0x3  }
0x4b: {  	[tilespmem:v51+s16+$0x0] =	vst.idx.add.f32.msk $0xffff, v2  }
0x4c: {  	v1 =	vadd.s32 $0x7800, v1;
	v0 =	vld.idx.msk [tilespmem:v0+s3+$0x0], $0xffff;
	_ =	sdelay $0x4  }
0x4d: {  	[tilespmem:v1+s16+$0x0] =	vst.idx.add.f32.msk $0xffff, v0  }
0x4e: {  	v0 =	vld [tilespmem:s17+$0x14010];
	_ =	sdelay $0x4  }
0x4f: {  	v1 =	vld [tilespmem:s17+$0x15010];
	_ =	sdelay $0x2  }
0x50: {  	v2 =	vld.idx.msk [tilespmem:v0+s3+$0x0], $0xffff  }
0x51: {  	v52 =	vadd.s32 $0x2800, v0;
	_ =	sdelay $0x3  }
0x52: {  	[tilespmem:v1+s16+$0x0] =	vst.idx.add.f32.msk $0xffff, v2  }
0x53: {  	v53 =	vadd.s32 $0x2800, v1;
	v2 =	vld.idx.msk [tilespmem:v52+s3+$0x0], $0xffff  }
0x54: {  	v54 =	vadd.s32 $0x5000, v0;
	_ =	sdelay $0x3  }
0x55: {  	[tilespmem:v53+s16+$0x0] =	vst.idx.add.f32.msk $0xffff, v2  }
0x56: {  	v55 =	vadd.s32 $0x5000, v1;
	v2 =	vld.idx.msk [tilespmem:v54+s3+$0x0], $0xffff  }
0x57: {  	v0 =	vadd.s32 $0x7800, v0;
	_ =	sdelay $0x3  }
0x58: {  	[tilespmem:v55+s16+$0x0] =	vst.idx.add.f32.msk $0xffff, v2  }
0x59: {  	v1 =	vadd.s32 $0x7800, v1;
	v0 =	vld.idx.msk [tilespmem:v0+s3+$0x0], $0xffff;
	_ =	sdelay $0x4  }
0x5a: {  	[tilespmem:v1+s16+$0x0] =	vst.idx.add.f32.msk $0xffff, v0  }
0x5b: {  	v0 =	vld [tilespmem:s17+$0x14020];
	_ =	sdelay $0x4  }
0x5c: {  	v1 =	vld [tilespmem:s17+$0x15020];
	_ =	sdelay $0x2  }
0x5d: {  	v2 =	vld.idx.msk [tilespmem:v0+s3+$0x0], $0xffff  }
0x5e: {  	v56 =	vadd.s32 $0x2800, v0;
	_ =	sdelay $0x3  }
0x5f: {  	[tilespmem:v1+s16+$0x0] =	vst.idx.add.f32.msk $0xffff, v2  }
0x60: {  	v57 =	vadd.s32 $0x2800, v1;
	v2 =	vld.idx.msk [tilespmem:v56+s3+$0x0], $0xffff  }
0x61: {  	v58 =	vadd.s32 $0x5000, v0;
	_ =	sdelay $0x3  }
0x62: {  	[tilespmem:v57+s16+$0x0] =	vst.idx.add.f32.msk $0xffff, v2  }
0x63: {  	v59 =	vadd.s32 $0x5000, v1;
	v2 =	vld.idx.msk [tilespmem:v58+s3+$0x0], $0xffff  }
0x64: {  	v0 =	vadd.s32 $0x7800, v0;
	_ =	sdelay $0x3  }
0x65: {  	[tilespmem:v59+s16+$0x0] =	vst.idx.add.f32.msk $0xffff, v2  }
0x66: {  	v1 =	vadd.s32 $0x7800, v1;
	v0 =	vld.idx.msk [tilespmem:v0+s3+$0x0], $0xffff;
	_ =	sdelay $0x4  }
0x67: {  	[tilespmem:v1+s16+$0x0] =	vst.idx.add.f32.msk $0xffff, v0  }
0x68: {  	v0 =	vld [tilespmem:s17+$0x14030];
	_ =	sdelay $0x4  }
0x69: {  	v1 =	vld [tilespmem:s17+$0x15030];
	_ =	sdelay $0x2  }
0x6a: {  	v2 =	vld.idx.msk [tilespmem:v0+s3+$0x0], $0xffff  }
0x6b: {  	v60 =	vadd.s32 $0x2800, v0;
	_ =	sdelay $0x3  }
0x6c: {  	[tilespmem:v1+s16+$0x0] =	vst.idx.add.f32.msk $0xffff, v2  }
0x6d: {  	v61 =	vadd.s32 $0x2800, v1;
	v2 =	vld.idx.msk [tilespmem:v60+s3+$0x0], $0xffff  }
0x6e: {  	v62 =	vadd.s32 $0x5000, v0;
	_ =	sdelay $0x3  }
0x6f: {  	[tilespmem:v61+s16+$0x0] =	vst.idx.add.f32.msk $0xffff, v2  }
0x70: {  	v63 =	vadd.s32 $0x5000, v1;
	v2 =	vld.idx.msk [tilespmem:v62+s3+$0x0], $0xffff  }
0x71: {  	v0 =	vadd.s32 $0x7800, v0;
	_ =	sdelay $0x3  }
0x72: {  	[tilespmem:v63+s16+$0x0] =	vst.idx.add.f32.msk $0xffff, v2  }
0x73: {  	p0 =	sne.s32 s2, $0x1F00;
	v1 =	vadd.s32 $0x7800, v1;
	v0 =	vld.idx.msk [tilespmem:v0+s3+$0x0], $0xffff  }
.Ltmp0:
0x74: {  	_ = 	snop;
	(pc) =	sbr.rel @p0 .LBB2_3-.Ltmp0, $2  }
0x75: {  	_ =	sdelay $0x2  }
0x76: {  	s2 =	sadd.s32 $0x100, s2;
	[tilespmem:v1+s16+$0x0] =	vst.idx.add.f32.msk $0xffff, v0  }
0x77: {  	p0 =	seq.s32 s31, $0x4F  }
0x78: {  	s0 =	sadd.s32 @!p0 $0x200, s0  }
0x79: {  	s17 =	simm.s32 @!p0 $0x0;
	s19 =	simm.s32 @!p0 $0x14000;
	s2 =	sadd.s32 @!p0 s5, s0  }
0x7a: {  	[tilespmem:s19], [sflag:$0x1] =	stream.linear.gather @!p0 [hbm4b:s2+s17], $0x800, $0x38;
	[tilespmem:$0x16000] =	vst v63  }
0x7b: {  	s0 =	sadd.s32 @!p0 s4, s0;
	s2 =	simm.s32 @!p0 $0x15000  }
0x7c: {  	[tilespmem:s2], [sflag:$0x1] =	stream.linear.gather @!p0 [hbm4b:s0+s17], $0x800, $0x38;
	[tilespmem:$0x16000] =	vst v63  }
0x7d: {  	_ =	swait.ge [sflag:s29], $0x800  }
0x7e: {  	[sflag:s29] =	ssyncset.done $0x0  }
0x7f: {  	[sflag:s29] =	ssyncadd.s32 $0xFFFFF800  }
0x80: {  	_ =	swait.ge [sflag:s29], $0x800  }
0x81: {  	[sflag:s29] =	ssyncset.done $0x0  }
0x82: {  	s0 =	simm.s32 $0x0;
	[sflag:s29] =	ssyncadd.s32 $0xFFFFF800  }
.LBB2_5:
0x83: {  	s2 =	sshra.s32 s0, $0x2  }
0x84: {  	v0 =	vld [tilespmem:s2+$0x14800];
	_ =	sdelay $0x4  }
0x85: {  	v1 =	vld [tilespmem:s2+$0x15800];
	_ =	sdelay $0x2  }
0x86: {  	v2 =	vld.idx.msk [tilespmem:v0+s3+$0x0], $0xffff  }
0x87: {  	v3 =	vadd.s32 $0x2800, v0;
	_ =	sdelay $0x3  }
0x88: {  	[tilespmem:v1+s16+$0x0] =	vst.idx.add.f32.msk $0xffff, v2  }
0x89: {  	v50 =	vadd.s32 $0x2800, v1;
	v2 =	vld.idx.msk [tilespmem:v3+s3+$0x0], $0xffff  }
0x8a: {  	v4 =	vadd.s32 $0x5000, v0;
	_ =	sdelay $0x3  }
0x8b: {  	[tilespmem:v50+s16+$0x0] =	vst.idx.add.f32.msk $0xffff, v2  }
0x8c: {  	v51 =	vadd.s32 $0x5000, v1;
	v2 =	vld.idx.msk [tilespmem:v4+s3+$0x0], $0xffff  }
0x8d: {  	v0 =	vadd.s32 $0x7800, v0;
	_ =	sdelay $0x3  }
0x8e: {  	[tilespmem:v51+s16+$0x0] =	vst.idx.add.f32.msk $0xffff, v2  }
0x8f: {  	v1 =	vadd.s32 $0x7800, v1;
	v0 =	vld.idx.msk [tilespmem:v0+s3+$0x0], $0xffff;
	_ =	sdelay $0x4  }
0x90: {  	[tilespmem:v1+s16+$0x0] =	vst.idx.add.f32.msk $0xffff, v0  }
0x91: {  	v0 =	vld [tilespmem:s2+$0x14810];
	_ =	sdelay $0x4  }
0x92: {  	v1 =	vld [tilespmem:s2+$0x15810];
	_ =	sdelay $0x2  }
0x93: {  	v2 =	vld.idx.msk [tilespmem:v0+s3+$0x0], $0xffff  }
0x94: {  	v52 =	vadd.s32 $0x2800, v0;
	_ =	sdelay $0x3  }
0x95: {  	[tilespmem:v1+s16+$0x0] =	vst.idx.add.f32.msk $0xffff, v2  }
0x96: {  	v53 =	vadd.s32 $0x2800, v1;
	v2 =	vld.idx.msk [tilespmem:v52+s3+$0x0], $0xffff  }
0x97: {  	v54 =	vadd.s32 $0x5000, v0;
	_ =	sdelay $0x3  }
0x98: {  	[tilespmem:v53+s16+$0x0] =	vst.idx.add.f32.msk $0xffff, v2  }
0x99: {  	v55 =	vadd.s32 $0x5000, v1;
	v2 =	vld.idx.msk [tilespmem:v54+s3+$0x0], $0xffff  }
0x9a: {  	v0 =	vadd.s32 $0x7800, v0;
	_ =	sdelay $0x3  }
0x9b: {  	[tilespmem:v55+s16+$0x0] =	vst.idx.add.f32.msk $0xffff, v2  }
0x9c: {  	v1 =	vadd.s32 $0x7800, v1;
	v0 =	vld.idx.msk [tilespmem:v0+s3+$0x0], $0xffff;
	_ =	sdelay $0x4  }
0x9d: {  	[tilespmem:v1+s16+$0x0] =	vst.idx.add.f32.msk $0xffff, v0  }
0x9e: {  	v0 =	vld [tilespmem:s2+$0x14820];
	_ =	sdelay $0x4  }
0x9f: {  	v1 =	vld [tilespmem:s2+$0x15820];
	_ =	sdelay $0x2  }
0xa0: {  	v2 =	vld.idx.msk [tilespmem:v0+s3+$0x0], $0xffff  }
0xa1: {  	v56 =	vadd.s32 $0x2800, v0;
	_ =	sdelay $0x3  }
0xa2: {  	[tilespmem:v1+s16+$0x0] =	vst.idx.add.f32.msk $0xffff, v2  }
0xa3: {  	v57 =	vadd.s32 $0x2800, v1;
	v2 =	vld.idx.msk [tilespmem:v56+s3+$0x0], $0xffff  }
0xa4: {  	v58 =	vadd.s32 $0x5000, v0;
	_ =	sdelay $0x3  }
0xa5: {  	[tilespmem:v57+s16+$0x0] =	vst.idx.add.f32.msk $0xffff, v2  }
0xa6: {  	v59 =	vadd.s32 $0x5000, v1;
	v2 =	vld.idx.msk [tilespmem:v58+s3+$0x0], $0xffff  }
0xa7: {  	v0 =	vadd.s32 $0x7800, v0;
	_ =	sdelay $0x3  }
0xa8: {  	[tilespmem:v59+s16+$0x0] =	vst.idx.add.f32.msk $0xffff, v2  }
0xa9: {  	v1 =	vadd.s32 $0x7800, v1;
	v0 =	vld.idx.msk [tilespmem:v0+s3+$0x0], $0xffff;
	_ =	sdelay $0x4  }
0xaa: {  	[tilespmem:v1+s16+$0x0] =	vst.idx.add.f32.msk $0xffff, v0  }
0xab: {  	v0 =	vld [tilespmem:s2+$0x14830];
	_ =	sdelay $0x4  }
0xac: {  	v1 =	vld [tilespmem:s2+$0x15830];
	_ =	sdelay $0x2  }
0xad: {  	v2 =	vld.idx.msk [tilespmem:v0+s3+$0x0], $0xffff  }
0xae: {  	v60 =	vadd.s32 $0x2800, v0;
	_ =	sdelay $0x3  }
0xaf: {  	[tilespmem:v1+s16+$0x0] =	vst.idx.add.f32.msk $0xffff, v2  }
0xb0: {  	v61 =	vadd.s32 $0x2800, v1;
	v2 =	vld.idx.msk [tilespmem:v60+s3+$0x0], $0xffff  }
0xb1: {  	v62 =	vadd.s32 $0x5000, v0;
	_ =	sdelay $0x3  }
0xb2: {  	[tilespmem:v61+s16+$0x0] =	vst.idx.add.f32.msk $0xffff, v2  }
0xb3: {  	v63 =	vadd.s32 $0x5000, v1;
	v2 =	vld.idx.msk [tilespmem:v62+s3+$0x0], $0xffff  }
0xb4: {  	v0 =	vadd.s32 $0x7800, v0;
	_ =	sdelay $0x3  }
0xb5: {  	[tilespmem:v63+s16+$0x0] =	vst.idx.add.f32.msk $0xffff, v2  }
0xb6: {  	p0 =	sne.s32 s0, $0x1F00;
	v1 =	vadd.s32 $0x7800, v1;
	v0 =	vld.idx.msk [tilespmem:v0+s3+$0x0], $0xffff  }
.Ltmp1:
0xb7: {  	_ = 	snop;
	(pc) =	sbr.rel @p0 .LBB2_5-.Ltmp1, $2  }
0xb8: {  	_ =	sdelay $0x2  }
0xb9: {  	s0 =	sadd.s32 $0x100, s0;
	[tilespmem:v1+s16+$0x0] =	vst.idx.add.f32.msk $0xffff, v0  }
0xba: {  	s31 =	sadd.s32 $0x1, s31  }
0xbb: {  	p0 =	sne.s32 s31, $0x50  }
.Ltmp2:
0xbc: {  	_ = 	snop;
	(pc) =	sbr.rel @p0 .LBB2_2-.Ltmp2, $1  }
0xbd: {  	_ =	sdelay $0x3  }
0xbe: {  	[hbm4b:s10+s3] =	stream.linear.scatter [tilespmem:s16], [sflag:$0x3], $0x2800, $0x38;
	[tilespmem:$0x16000] =	vst v63  }
0xbf: {  	_ =	swait.ge [sflag:s15], $0x2800  }
0xc0: {  	[sflag:s15] =	ssyncset.done $0x0  }
0xc1: {  	[sflag:s15] =	ssyncadd.s32 $0xFFFFD800  }
0xc2: {  	[hbm4b:s11+s3] =	stream.linear.scatter [tilespmem:s18], [sflag:$0x3], $0x2800, $0x38;
	[tilespmem:$0x16000] =	vst v63  }
0xc3: {  	_ =	swait.ge [sflag:s15], $0x2800  }
0xc4: {  	[sflag:s15] =	ssyncset.done $0x0  }
0xc5: {  	[sflag:s15] =	ssyncadd.s32 $0xFFFFD800  }
0xc6: {  	[hbm4b:s12+s3] =	stream.linear.scatter [tilespmem:s20], [sflag:$0x3], $0x2800, $0x38;
	[tilespmem:$0x16000] =	vst v63  }
0xc7: {  	s30 =	sadd.s32 $0x1, s30;
	_ =	swait.ge [sflag:s15], $0x2800  }
0xc8: {  	p0 =	sne.s32 s30, s14;
	[sflag:s15] =	ssyncset.done $0x0  }
.Ltmp3:
0xc9: {  	[sflag:s15] =	ssyncadd.s32 $0xFFFFD800;
	(pc) =	sbr.rel @p0 .LBB2_1-.Ltmp3, $4  }
0xca: {  	[hbm4b:s13+s3] =	stream.linear.scatter [tilespmem:s22], [sflag:$0x3], $0x2800, $0x38;
	[tilespmem:$0x16000] =	vst v63  }
0xcb: {  	_ =	swait.ge [sflag:s15], $0x2800  }
0xcc: {  	[sflag:s15] =	ssyncset.done $0x0  }
0xcd: {  	[sflag:s15] =	ssyncadd.s32 $0xFFFFD800  }
0xce: {  	_ =	sfence.sel $0x180000  }
0xcf: {  	[bflag:$0x0] =	sbarrier.arrive $0xFFFF  }
0xd0: {  	_ =	strace $0x9000004A  }
0xd1: {  	s0 =	stileid.u32;
	[bflag:$0x2] =	sbarrier.arrive $0xFFFF  }
0xd2: {  	p0 =	sne.s32 s0, $0x0;
	s0 =	rddreg [dreg:$0x2]  }
0xd3: {  	s0 =	sadd.s32 @!p0 $0x100000, s0  }
0xd4: {  	[sflag:s0] =	ssyncadd.tile.s32 @!p0 $0x1;
	_ =	shalt  }
.Lfunc_end2:
_tile_overlayer_lowered:
.L_overlay_start_2:
0xd5: {  	(tag) =	ssettag $0x2  }
0xd6: {  	s0 =	rddreg [dreg:$0x0];
	s2 =	stileid.u32  }
0xd7: {  	s1 =	rddreg [dreg:$0x1];
	p0 =	sne.s32 s2, $0x0  }
0xd8: {  	s3 =	rddreg [dreg:$0x2];
	[bflag:$0x3] =	sbarrier.arrive $0xFFFF;
	s2 =	simm.s32 @!p0 $0x1C03  }
0xd9: {  	[timem:s3], [sflag:s2] =	dma.local @!p0 [hbm:s0], s1  }
0xda: {  	s0 =	simm.s32 @!p0 $0x3  }
0xdb: {  	_ =	swait.ge @!p0 [sflag:s0], s1  }
0xdc: {  	s1 =	ssub.s32 @!p0 $0x0, s1;
	[sflag:s0] =	ssyncset.done @!p0 $0x0  }
0xdd: {  	[sflag:s0] =	ssyncadd.s32 @!p0 s1  }
0xde: {  	[bflag:$0x3] =	sbarrier.arrive $0xFFFF  }
0xdf: {  	_ =	shalt  }

// kernel: kernel.14.cloned.1.call-start
scs
__scs_entry_jumppad:
0x0: {  	(pc) =	sbr.rel $0x88, $3  }
0x1: {  	(tag) =	ssettag $0x0;
	lr =	simm.s32 $0x1  }
0x2: {  	[smem:$0x3F78] =	sst lr;
	_ =	strace $0xD0000000  }
0x3: {  	_ = 	snop  }
0x4: {  	_ = 	snop  }
0x5: {  	_ = 	snop  }
0x6: {  	_ = 	snop  }
0x7: {  	_ = 	snop  }
__scs_overlays_trampoline_lowered:
0x8: {  	[smem:$0x3F87] =	sst s0  }
0x9: {  	[smem:$0x3F88] =	sst s1  }
0xa: {  	[smem:$0x3F89] =	sst s2  }
0xb: {  	[smem:$0x3F8A] =	sst s3  }
0xc: {  	[smem:$0x3F8B] =	sst s4  }
0xd: {  	[smem:$0x3F8C] =	sst s5  }
0xe: {  	[smem:$0x3F8D] =	sst s6  }
0xf: {  	[smem:$0x3F8E] =	sst s7  }
0x10: {  	[smem:$0x3F8F] =	sst s8  }
0x11: {  	[smem:$0x3F90] =	sst s9;
	s0 =	simm.s32 @!p0 $0x0  }
0x12: {  	s1 =	sld [smem:$0x3F76];
	s0 =	simm.s32 @p0 $0x1  }
0x13: {  	[smem:$0x3F91] =	sst s0;
	s0 =	simm.s32 @!p1 $0x0  }
0x14: {  	s2 =	sld [smem:$0x3F75];
	s0 =	simm.s32 @p1 $0x1  }
0x15: {  	[smem:$0x3F92] =	sst s0;
	s0 =	simm.s32 @!p2 $0x0  }
0x16: {  	s3 =	sld [smem:$0x3FDB];
	s0 =	simm.s32 @p2 $0x1  }
0x17: {  	s4 =	simm.s32 $0x1BF5;
	[smem:$0x3F94] =	sst s0  }
0x18: {  	s0 =	sld [smem:$0x3F77];
	_ =	swait.ge [sflag:s4], $0x0  }
0x19: {  	s7 =	sld [smem:$0x3F78]  }
0x1a: {  	s8 =	sadd.s32 $0xFFFFE003, lr  }
0x1b: {  	s9 =	sadd.s32 $0xFFFFFEF7, lr;
	s5 =	simm.s32 $0xFFFFFFFF;
	p2 =	slt.u32 s8, $0xFFFFF086  }
0x1c: {  	p1 =	slt.u32 s9, $0xF7A;
	s5 =	simm.s32 @!p2 $0x0  }
0x1d: {  	s5 =	simm.s32 @p1 $0x1;
	p0 =	seq.s32 s7, s2  }
0x1e: {  	s7 =	smul.u32 @!p0 $0xF7A, s2;
	p2 =	seq.s32 @!p0 s5, $0x0  }
0x1f: {  	s9 =	smul.u32 $0xF7A, s1;
	s8 =	simm.s32 @!p0 $0x1BF5;
	p2 =	por !p2, p0  }
0x20: {  	[sflag:s8] =	ssyncset.s32 @!p0 $0xFFFFF086;
	s6 =	sadd.s32 @!p0 s3, s7;
	s7 =	simm.s32 @!p0 $0x108  }
0x21: {  	s3 =	sadd.s32 s3, s9;
	s6 =	sadd.s32 @!p0 $0x88, s6;
	s7 =	simm.s32 @p2 $0x1082  }
0x22: {  	[simem:s7], [sflag:s8] =	dma.local @!p0 [hbm:s6], $0xF7A  }
0x23: {  	s9 =	sor.u32 $0xD0000000, s2;
	s6 =	simm.s32 $0x108;
	_ =	swait.ge @!p0 [sflag:s8], $0x0  }
0x24: {  	s3 =	sadd.s32 $0x88, s3;
	s6 =	simm.s32 @!p1 $0x1082;
	[sflag:s4] =	ssyncset.s32 $0xFFFFF086  }
0x25: {  	[simem:s6], [sflag:s4] =	dma.local [hbm:s3], $0xF7A  }
0x26: {  	[smem:$0x3F78] =	sst s1;
	(tag) =	ssettag s2;
	_ =	strace s9  }
0x27: {  	s1 =	sld [smem:$0x3F88]  }
0x28: {  	s2 =	sld [smem:$0x3F89]  }
0x29: {  	s4 =	sld [smem:$0x3F8B]  }
0x2a: {  	p0 =	seq.s32 s5, $0x0;
	s5 =	sld [smem:$0x3F8C]  }
0x2b: {  	s6 =	sld [smem:$0x3F8D]  }
0x2c: {  	s7 =	sld [smem:$0x3F8E]  }
0x2d: {  	s3 =	simm.s32 $0x108;
	s8 =	sld [smem:$0x3F8F]  }
0x2e: {  	s3 =	simm.s32 @!p0 $0x1082;
	s9 =	sld [smem:$0x3F90]  }
0x2f: {  	lr =	sadd.s32 s0, s3;
	s0 =	sld [smem:$0x3F87]  }
0x30: {  	s3 =	sld [smem:$0x3F8A]  }
0x31: {  	[smem:$0x3F93] =	sst s10  }
0x32: {  	s10 =	sld [smem:$0x3F91];
	_ =	sdelay $0x3  }
0x33: {  	p0 =	seq.s32 s10, $0x1;
	s10 =	sld [smem:$0x3F93];
	_ =	sdelay $0x3  }
0x34: {  	[smem:$0x3F93] =	sst s10  }
0x35: {  	s10 =	sld [smem:$0x3F92];
	_ =	sdelay $0x3  }
0x36: {  	p1 =	seq.s32 s10, $0x1;
	s10 =	sld [smem:$0x3F93];
	_ =	sdelay $0x3  }
0x37: {  	[smem:$0x3F93] =	sst s10  }
0x38: {  	s10 =	sld [smem:$0x3F94]  }
0x39: {  	_ = 	snop;
	(pc) =	sbr.ind lr, $3  }
0x3a: {  	_ = 	snop  }
0x3b: {  	_ = 	snop  }
0x3c: {  	p2 =	seq.s32 s10, $0x1;
	s10 =	sld [smem:$0x3F93]  }
0x3d: {  	_ =	shalt  }
0x3e: {  	_ =	shalt  }
0x3f: {  	_ =	shalt  }
0x40: {  	_ =	shalt  }
0x41: {  	_ =	shalt  }
0x42: {  	_ =	shalt  }
0x43: {  	_ =	shalt  }
0x44: {  	_ =	shalt  }
0x45: {  	_ =	shalt  }
0x46: {  	_ =	shalt  }
0x47: {  	_ =	shalt  }
0x48: {  	_ =	shalt  }
0x49: {  	_ =	shalt  }
0x4a: {  	_ =	shalt  }
0x4b: {  	_ =	shalt  }
0x4c: {  	_ =	shalt  }
0x4d: {  	_ =	shalt  }
0x4e: {  	_ =	shalt  }
0x4f: {  	_ =	shalt  }
0x50: {  	_ =	shalt  }
0x51: {  	_ =	shalt  }
0x52: {  	_ =	shalt  }
0x53: {  	_ =	shalt  }
0x54: {  	_ =	shalt  }
0x55: {  	_ =	shalt  }
0x56: {  	_ =	shalt  }
0x57: {  	_ =	shalt  }
0x58: {  	_ =	shalt  }
0x59: {  	_ =	shalt  }
0x5a: {  	_ =	shalt  }
0x5b: {  	_ =	shalt  }
0x5c: {  	_ =	shalt  }
0x5d: {  	_ =	shalt  }
0x5e: {  	_ =	shalt  }
0x5f: {  	_ =	shalt  }
0x60: {  	_ =	shalt  }
0x61: {  	_ =	shalt  }
0x62: {  	_ =	shalt  }
0x63: {  	_ =	shalt  }
0x64: {  	_ =	shalt  }
0x65: {  	_ =	shalt  }
0x66: {  	_ =	shalt  }
0x67: {  	_ =	shalt  }
0x68: {  	_ =	shalt  }
0x69: {  	_ =	shalt  }
0x6a: {  	_ =	shalt  }
0x6b: {  	_ =	shalt  }
0x6c: {  	_ =	shalt  }
0x6d: {  	_ =	shalt  }
0x6e: {  	_ =	shalt  }
0x6f: {  	_ =	shalt  }
0x70: {  	_ =	shalt  }
0x71: {  	_ =	shalt  }
0x72: {  	_ =	shalt  }
0x73: {  	_ =	shalt  }
0x74: {  	_ =	shalt  }
0x75: {  	_ =	shalt  }
0x76: {  	_ =	shalt  }
0x77: {  	_ =	shalt  }
0x78: {  	_ =	shalt  }
0x79: {  	_ =	shalt  }
0x7a: {  	_ =	shalt  }
0x7b: {  	_ =	shalt  }
0x7c: {  	_ =	shalt  }
0x7d: {  	_ =	shalt  }
0x7e: {  	_ =	shalt  }
0x7f: {  	_ =	shalt  }
0x80: {  	_ =	shalt  }
0x81: {  	_ =	shalt  }
0x82: {  	_ =	shalt  }
0x83: {  	_ =	shalt  }
0x84: {  	_ =	shalt  }
0x85: {  	_ =	shalt  }
0x86: {  	_ =	shalt  }
0x87: {  	_ =	shalt  }
.Lfunc_end0:
.L_simem_size_0:
called_computation.2_lowered:
.L_overlay_start_0:
0x88: {  	s2 =	sld [smem:$0x3FD9]  }
0x89: {  	s3 =	sld [smem:$0x3FFE];
	_ =	sdelay $0x1  }
0x8a: {  	s1 =	srdreg.scid  }
0x8b: {  	s0 =	sand.u32 $0x1, s1  }
0x8c: {  	s16 =	sshll.u32 s0, $0xA;
	s2 =	sadd.s32 s3, s2  }
0x8d: {  	s2 =	sadd.s32 s2, s16  }
0x8e: {  	[smem:$0x3F9F] =	sst s2  }
0x8f: {  	_ = 	snop  }
0x90: {  	(tm) =	ssettm $0x1  }
0x91: {  	s17 =	sld [smem:$0x3FFB];
	_ =	sdelay $0x3  }
0x92: {  	_ =	strace s17  }
0x93: {  	s2 =	sld [smem:$0x3FFC];
	_ =	sdelay $0x3  }
0x94: {  	_ =	strace s2  }
0x95: {  	s2 =	sld [smem:$0x3FFD];
	_ =	sdelay $0x3  }
0x96: {  	_ =	strace s2  }
0x97: {  	_ =	strace $0x8FFFFFFF  }
0x98: {  	s18 =	sld [smem:$0x3FDB];
	_ =	sdelay $0x1  }
0x99: {  	s19 =	simm.s32 $_scs_section_size  }
0x9a: {  	s4 =	simm.s32 $_size__tile_overlayer_lowered;
	s5 =	simm.s32 $_tile_overlayer_lowered  }
0x9b: {  	s22 =	simm.s32 $0x1BFF;
	s21 =	sshll.u32 s5, $0x1;
	s2 =	sadd.s32 s19, s18  }
0x9c: {  	s6 =	simm.s32 $0x0;
	s20 =	sshll.u32 s4, $0x1;
	s4 =	sadd.s32 s21, s2  }
0x9d: {  	[timem:s6], [sflag:s22] =	dma.local [hbm:s4], s20  }
0x9e: {  	_ =	swait.ge [sflag:s22], s20  }
0x9f: {  	s3 =	ssub.s32 $0x0, s20;
	[sflag:s22] =	ssyncset.done $0x0  }
0xa0: {  	[sflag:s22] =	ssyncadd.s32 s3;
	_ =	sdelay $0x1  }
0xa1: {  	s23 =	simm.s32 $0x1B8B  }
0xa2: {  	_ =	swait.ge [sflag:s23], $0x1  }
0xa3: {  	[sflag:s23] =	ssyncset.done $0x0  }
0xa4: {  	s25 =	simm.s32 $0x1B8E;
	s24 =	sld [smem:$0x3FFE];
	[sflag:s23] =	ssyncadd.s32 $0xFFFFFFFF  }
0xa5: {  	s26 =	simm.s32 $execute0_lowered;
	[smem:$0x3FD2] =	sst s25  }
0xa6: {  	s4 =	sshll.u32 s26, $0x1;
	_ =	strace $0x8000004C;
	[dreg:$0x1] =	wrdreg $0xFFFFFFFF  }
0xa7: {  	s28 =	simm.s32 $_size_execute0_lowered;
	s2 =	sadd.s32 s2, s4;
	[dreg:$0x0] =	wrdreg $0x0  }
0xa8: {  	s4 =	sshll.u32 s28, $0x1;
	[dreg:$0x2] =	wrdreg s2  }
0xa9: {  	[dreg:$0x3] =	wrdreg s4  }
0xaa: {  	[dreg:$0x4] =	wrdreg $0xC0  }
0xab: {  	_ =	task [dreg:s6], $0x5FFFF  }
0xac: {  	[dreg:$0x1] =	wrdreg $0xFFFFFFFF  }
0xad: {  	[dreg:$0x0] =	wrdreg $0x60  }
0xae: {  	[dreg:$0x2] =	wrdreg s24  }
0xaf: {  	[dreg:$0x3] =	wrdreg $0x9  }
0xb0: {  	_ =	task.clear_ibuf [dreg:s6], $0x4FFFF;
	_ =	strace $0x9000004C  }
0xb1: {  	s29 =	simm.s32 $0x9;
	_ =	strace $0x8000004E  }
0xb2: {  	_ =	swait.ge [sflag:s29], $0x1  }
0xb3: {  	[sflag:s29] =	ssyncadd.s32 $0xFFFFFFFF  }
0xb4: {  	_ =	strace $0x9000004E  }
0xb5: {  	_ =	sfence  }
0xb6: {  	s30 =	sld [smem:$0x0];
	_ =	sdelay $0x2  }
0xb7: {  	s31 =	sshll.u32 s1, $0xD;
	s1 =	sshrl.u32 s1, $0x2  }
0xb8: {  	s3 =	sand.u32 $0x4000, s31;
	s1 =	sadd.s32 s1, s30  }
0xb9: {  	s0 =	sor.u32 s3, s0;
	s1 =	sshll.u32 s1, $0x11  }
0xba: {  	s0 =	sor.u32 s1, s0  }
0xbb: {  	s0 =	sadd.s32 $0x8F2B, s0  }
0xbc: {  	[sflag:s0] =	ssyncadd.remote.s32 $0x1  }
0xbd: {  	_ =	sfence.sel $0xFFFF  }
0xbe: {  	[dreg:$0x0] =	wrdreg $0xFFFFFFFF;
	(pc) =	sbr.abs _section_cstart, $3  }
0xbf: {  	[dreg:$0x1] =	wrdreg $0xFFFFFFFF  }
0xc0: {  	_ =	task.clear_ibuf [dreg:s6], $0x2FFFF;
	_ =	strace $0x9FFFFFFF  }
0xc1: {  	(tm) =	ssettm $0x7FFFFFFF  }
tec
execute0_lowered:
.L_overlay_start_1:
0x0: {  	(tag) =	ssettag $0x1  }
0x1: {  	s0 =	srdreg.scid  }
0x2: {  	s17 =	sand.u32 $0x1, s0  }
0x3: {  	s0 =	stileid.u32;
	s1 =	sshll.u32 s17, $0x4  }
0x4: {  	s15 =	sor.u32 s0, s1  }
0x5: {  	s14 =	rddreg [dreg:$0x0];
	s2 =	simm.s32 $0x0;
	s3 =	smul.u32 $0x28, s15  }
0x6: {  	[smem:$0x7FF] =	sst s2  }
0x7: {  	s1 =	rddreg [dreg:$0x1];
	s3 =	sadd.s32 s3, s14  }
0x8: {  	_ =	strace $0x8000004D;
	s4 =	sadd.s32 $0x69C00, s3;
	s3 =	simm.s32 $0x2  }
0x9: {  	[tilespmem:s2], [sflag:$0x2] =	stream.linear.gather [hbm4b:s4+s2], $0x140, $0x38;
	[tilespmem:$0xA180] =	vst v63  }
0xa: {  	_ =	swait.ge [sflag:s3], $0x140  }
0xb: {  	s6 =	simm.s32 $0x50;
	[sflag:s3] =	ssyncset.done $0x0  }
0xc: {  	s7 =	simm.s32 $0x180;
	s5 =	sadd.s32 $0x5C00, s14;
	[sflag:s3] =	ssyncadd.s32 $0xFFFFFEC0  }
0xd: {  	[tilespmem:s7], [sflag:$0x1] =	stream.indirect.gather [hbm4b:s5+s6], $0x80, s2, s6, $0xb8;
	[tilespmem:$0xA180] =	vst v63  }
0xe: {  	s8 =	simm.s32 $0x2980  }
0xf: {  	[tilespmem:s8], [sflag:$0x1] =	stream.indirect.gather [hbm4b:s5+s6], $0x80, s6, s6, $0xb8;
	[tilespmem:$0xA180] =	vst v63  }
0x10: {  	s9 =	simm.s32 $0xA0;
	s10 =	simm.s32 $0x5180  }
0x11: {  	[tilespmem:s10], [sflag:$0x1] =	stream.indirect.gather [hbm4b:s5+s6], $0x80, s9, s6, $0xb8;
	[tilespmem:$0xA180] =	vst v63  }
0x12: {  	s11 =	simm.s32 $0xF0;
	s12 =	simm.s32 $0x7980;
	s13 =	simm.s32 $0x1  }
0x13: {  	[tilespmem:s12], [sflag:$0x1] =	stream.indirect.gather [hbm4b:s5+s6], $0x80, s11, s6, $0xb8;
	[tilespmem:$0xA180] =	vst v63  }
0x14: {  	s16 =	smul.u32 $0x1400, s15;
	_ =	swait.ge [sflag:s13], $0x2800  }
0x15: {  	s18 =	sadd.s32 $0x2CE00, s14;
	[sflag:s13] =	ssyncset.done $0x0  }
0x16: {  	s14 =	sadd.s32 s18, s16;
	[sflag:s13] =	ssyncadd.s32 $0xFFFFD800  }
0x17: {  	[hbm4b:s14+s2] =	stream.linear.scatter [tilespmem:s7], [sflag:$0x2], $0x2800, $0x38;
	[tilespmem:$0xA180] =	vst v63  }
0x18: {  	_ =	swait.ge [sflag:s3], $0x2800  }
0x19: {  	s15 =	smul.u32 $0xA000, s15;
	[sflag:s3] =	ssyncset.done $0x0  }
0x1a: {  	[sflag:s3] =	ssyncadd.s32 $0xFFFFD800  }
0x1b: {  	s15 =	sshrl.u32 s15, $0x3;
	_ =	swait.ge [sflag:s13], $0x2800  }
0x1c: {  	s18 =	sadd.s32 s18, s15;
	[sflag:s13] =	ssyncset.done $0x0  }
0x1d: {  	s15 =	sadd.s32 $0x500, s18;
	[sflag:s13] =	ssyncadd.s32 $0xFFFFD800  }
0x1e: {  	[hbm4b:s15+s2] =	stream.linear.scatter [tilespmem:s8], [sflag:$0x2], $0x2800, $0x38;
	[tilespmem:$0xA180] =	vst v63  }
0x1f: {  	_ =	swait.ge [sflag:s3], $0x2800  }
0x20: {  	[sflag:s3] =	ssyncset.done $0x0  }
0x21: {  	[sflag:s3] =	ssyncadd.s32 $0xFFFFD800  }
0x22: {  	_ =	swait.ge [sflag:s13], $0x2800  }
0x23: {  	[sflag:s13] =	ssyncset.done $0x0  }
0x24: {  	s17 =	ssub.s32 $0x2, s17;
	s16 =	sadd.s32 $0xA00, s18;
	[sflag:s13] =	ssyncadd.s32 $0xFFFFD800  }
0x25: {  	[hbm4b:s16+s2] =	stream.linear.scatter [tilespmem:s10], [sflag:$0x2], $0x2800, $0x38;
	[tilespmem:$0xA180] =	vst v63  }
0x26: {  	s19 =	sshrl.u32 s17, $0x1;
	_ =	swait.ge [sflag:s3], $0x2800  }
0x27: {  	s19 =	ssub.s32 s17, s19;
	[sflag:s3] =	ssyncset.done $0x0  }
0x28: {  	s31 =	smax.u32 s19, $0x1;
	[sflag:s3] =	ssyncadd.s32 $0xFFFFD800  }
0x29: {  	p0 =	sne.s32 s31, $0x1;
	_ =	swait.ge [sflag:s13], $0x2800  }
.Ltmp0:
0x2a: {  	[sflag:s13] =	ssyncset.done $0x0;
	(pc) =	sbr.rel @!p0 .LBB2_2-.Ltmp0, $4  }
0x2b: {  	s17 =	sadd.s32 $0xF00, s18;
	[sflag:s13] =	ssyncadd.s32 $0xFFFFD800  }
0x2c: {  	[hbm4b:s17+s2] =	stream.linear.scatter [tilespmem:s12], [sflag:$0x2], $0x2800, $0x38;
	[tilespmem:$0xA180] =	vst v63  }
0x2d: {  	_ =	swait.ge [sflag:s3], $0x2800  }
0x2e: {  	s18 =	sadd.s32 $0xFFFFFFFF, s31;
	[sflag:s3] =	ssyncset.done $0x0  }
.LBB2_1:
0x2f: {  	p0 =	sne.s32 s18, $0x1;
	s18 =	sadd.s32 $0xFFFFFFFF, s18;
	[sflag:s3] =	ssyncadd.s32 $0xFFFFD800  }
0x30: {  	[tilespmem:s2], [sflag:$0x2] =	stream.linear.gather [hbm4b:s4+s2], $0x140, $0x38;
	[tilespmem:$0xA180] =	vst v63  }
0x31: {  	_ =	swait.ge [sflag:s3], $0x140  }
0x32: {  	[sflag:s3] =	ssyncset.done $0x0  }
0x33: {  	[sflag:s3] =	ssyncadd.s32 $0xFFFFFEC0  }
0x34: {  	[tilespmem:s7], [sflag:$0x1] =	stream.indirect.gather [hbm4b:s5+s6], $0x80, s2, s6, $0xb8;
	[tilespmem:$0xA180] =	vst v63  }
0x35: {  	_ = 	snop  }
0x36: {  	[tilespmem:s8], [sflag:$0x1] =	stream.indirect.gather [hbm4b:s5+s6], $0x80, s6, s6, $0xb8;
	[tilespmem:$0xA180] =	vst v63  }
0x37: {  	_ = 	snop  }
0x38: {  	[tilespmem:s10], [sflag:$0x1] =	stream.indirect.gather [hbm4b:s5+s6], $0x80, s9, s6, $0xb8;
	[tilespmem:$0xA180] =	vst v63  }
0x39: {  	_ = 	snop  }
0x3a: {  	[tilespmem:s12], [sflag:$0x1] =	stream.indirect.gather [hbm4b:s5+s6], $0x80, s11, s6, $0xb8;
	[tilespmem:$0xA180] =	vst v63  }
0x3b: {  	_ =	swait.ge [sflag:s13], $0x2800  }
0x3c: {  	[sflag:s13] =	ssyncset.done $0x0  }
0x3d: {  	[sflag:s13] =	ssyncadd.s32 $0xFFFFD800  }
0x3e: {  	[hbm4b:s14+s2] =	stream.linear.scatter [tilespmem:s7], [sflag:$0x2], $0x2800, $0x38;
	[tilespmem:$0xA180] =	vst v63  }
0x3f: {  	_ =	swait.ge [sflag:s3], $0x2800  }
0x40: {  	[sflag:s3] =	ssyncset.done $0x0  }
0x41: {  	[sflag:s3] =	ssyncadd.s32 $0xFFFFD800  }
0x42: {  	_ =	swait.ge [sflag:s13], $0x2800  }
0x43: {  	[sflag:s13] =	ssyncset.done $0x0  }
0x44: {  	[sflag:s13] =	ssyncadd.s32 $0xFFFFD800  }
0x45: {  	[hbm4b:s15+s2] =	stream.linear.scatter [tilespmem:s8], [sflag:$0x2], $0x2800, $0x38;
	[tilespmem:$0xA180] =	vst v63  }
0x46: {  	_ =	swait.ge [sflag:s3], $0x2800  }
0x47: {  	[sflag:s3] =	ssyncset.done $0x0  }
0x48: {  	[sflag:s3] =	ssyncadd.s32 $0xFFFFD800  }
0x49: {  	_ =	swait.ge [sflag:s13], $0x2800  }
0x4a: {  	[sflag:s13] =	ssyncset.done $0x0  }
0x4b: {  	[sflag:s13] =	ssyncadd.s32 $0xFFFFD800  }
0x4c: {  	[hbm4b:s16+s2] =	stream.linear.scatter [tilespmem:s10], [sflag:$0x2], $0x2800, $0x38;
	[tilespmem:$0xA180] =	vst v63  }
0x4d: {  	_ =	swait.ge [sflag:s3], $0x2800  }
0x4e: {  	[sflag:s3] =	ssyncset.done $0x0  }
0x4f: {  	[sflag:s3] =	ssyncadd.s32 $0xFFFFD800  }
0x50: {  	_ =	swait.ge [sflag:s13], $0x2800  }
.Ltmp1:
0x51: {  	[sflag:s13] =	ssyncset.done $0x0;
	(pc) =	sbr.rel @p0 .LBB2_1-.Ltmp1, $4  }
0x52: {  	[sflag:s13] =	ssyncadd.s32 $0xFFFFD800  }
0x53: {  	[hbm4b:s17+s2] =	stream.linear.scatter [tilespmem:s12], [sflag:$0x2], $0x2800, $0x38;
	[tilespmem:$0xA180] =	vst v63  }
0x54: {  	_ =	swait.ge [sflag:s3], $0x2800  }
0x55: {  	[sflag:s3] =	ssyncset.done $0x0  }
.LBB2_2:
0x56: {  	[sflag:s3] =	ssyncadd.s32 $0xFFFFD800  }
0x57: {  	_ =	sfence.sel $0x180000  }
0x58: {  	[bflag:$0x0] =	sbarrier.arrive $0xFFFF  }
0x59: {  	p0 =	sne.s32 s0, $0x0;
	_ =	strace $0x9000004D  }
0x5a: {  	s0 =	sadd.s32 @!p0 $0x100000, s1;
	[bflag:$0x2] =	sbarrier.arrive $0xFFFF  }
0x5b: {  	[sflag:s0] =	ssyncadd.tile.s32 @!p0 $0x1;
	_ =	shalt  }
.Lfunc_end2:
_tile_overlayer_lowered:
.L_overlay_start_2:
0x5c: {  	(tag) =	ssettag $0x2  }
0x5d: {  	s0 =	rddreg [dreg:$0x0];
	s2 =	stileid.u32  }
0x5e: {  	s1 =	rddreg [dreg:$0x1];
	p0 =	sne.s32 s2, $0x0  }
0x5f: {  	s3 =	rddreg [dreg:$0x2];
	[bflag:$0x3] =	sbarrier.arrive $0xFFFF;
	s2 =	simm.s32 @!p0 $0x1C02  }
0x60: {  	[timem:s3], [sflag:s2] =	dma.local @!p0 [hbm:s0], s1  }
0x61: {  	s0 =	simm.s32 @!p0 $0x2  }
0x62: {  	_ =	swait.ge @!p0 [sflag:s0], s1  }
0x63: {  	s1 =	ssub.s32 @!p0 $0x0, s1;
	[sflag:s0] =	ssyncset.done @!p0 $0x0  }
0x64: {  	[sflag:s0] =	ssyncadd.s32 @!p0 s1  }
0x65: {  	[bflag:$0x3] =	sbarrier.arrive $0xFFFF  }
0x66: {  	_ =	shalt  }

// kernel: kernel.8.cloned.1.call-start
scs
__scs_entry_jumppad:
0x0: {  	(pc) =	sbr.rel $0x88, $3  }
0x1: {  	(tag) =	ssettag $0x0;
	lr =	simm.s32 $0x1  }
0x2: {  	[smem:$0x3F78] =	sst lr;
	_ =	strace $0xD0000000  }
0x3: {  	_ = 	snop  }
0x4: {  	_ = 	snop  }
0x5: {  	_ = 	snop  }
0x6: {  	_ = 	snop  }
0x7: {  	_ = 	snop  }
__scs_overlays_trampoline_lowered:
0x8: {  	[smem:$0x3F87] =	sst s0  }
0x9: {  	[smem:$0x3F88] =	sst s1  }
0xa: {  	[smem:$0x3F89] =	sst s2  }
0xb: {  	[smem:$0x3F8A] =	sst s3  }
0xc: {  	[smem:$0x3F8B] =	sst s4  }
0xd: {  	[smem:$0x3F8C] =	sst s5  }
0xe: {  	[smem:$0x3F8D] =	sst s6  }
0xf: {  	[smem:$0x3F8E] =	sst s7  }
0x10: {  	[smem:$0x3F8F] =	sst s8  }
0x11: {  	[smem:$0x3F90] =	sst s9;
	s0 =	simm.s32 @!p0 $0x0  }
0x12: {  	s1 =	sld [smem:$0x3F76];
	s0 =	simm.s32 @p0 $0x1  }
0x13: {  	[smem:$0x3F91] =	sst s0;
	s0 =	simm.s32 @!p1 $0x0  }
0x14: {  	s2 =	sld [smem:$0x3F75];
	s0 =	simm.s32 @p1 $0x1  }
0x15: {  	[smem:$0x3F92] =	sst s0;
	s0 =	simm.s32 @!p2 $0x0  }
0x16: {  	s3 =	sld [smem:$0x3FDB];
	s0 =	simm.s32 @p2 $0x1  }
0x17: {  	s4 =	simm.s32 $0x1BF5;
	[smem:$0x3F94] =	sst s0  }
0x18: {  	s0 =	sld [smem:$0x3F77];
	_ =	swait.ge [sflag:s4], $0x0  }
0x19: {  	s7 =	sld [smem:$0x3F78]  }
0x1a: {  	s8 =	sadd.s32 $0xFFFFE003, lr  }
0x1b: {  	s9 =	sadd.s32 $0xFFFFFEF7, lr;
	s5 =	simm.s32 $0xFFFFFFFF;
	p2 =	slt.u32 s8, $0xFFFFF086  }
0x1c: {  	p1 =	slt.u32 s9, $0xF7A;
	s5 =	simm.s32 @!p2 $0x0  }
0x1d: {  	s5 =	simm.s32 @p1 $0x1;
	p0 =	seq.s32 s7, s2  }
0x1e: {  	s7 =	smul.u32 @!p0 $0xF7A, s2;
	p2 =	seq.s32 @!p0 s5, $0x0  }
0x1f: {  	s9 =	smul.u32 $0xF7A, s1;
	s8 =	simm.s32 @!p0 $0x1BF5;
	p2 =	por !p2, p0  }
0x20: {  	[sflag:s8] =	ssyncset.s32 @!p0 $0xFFFFF086;
	s6 =	sadd.s32 @!p0 s3, s7;
	s7 =	simm.s32 @!p0 $0x108  }
0x21: {  	s3 =	sadd.s32 s3, s9;
	s6 =	sadd.s32 @!p0 $0x88, s6;
	s7 =	simm.s32 @p2 $0x1082  }
0x22: {  	[simem:s7], [sflag:s8] =	dma.local @!p0 [hbm:s6], $0xF7A  }
0x23: {  	s9 =	sor.u32 $0xD0000000, s2;
	s6 =	simm.s32 $0x108;
	_ =	swait.ge @!p0 [sflag:s8], $0x0  }
0x24: {  	s3 =	sadd.s32 $0x88, s3;
	s6 =	simm.s32 @!p1 $0x1082;
	[sflag:s4] =	ssyncset.s32 $0xFFFFF086  }
0x25: {  	[simem:s6], [sflag:s4] =	dma.local [hbm:s3], $0xF7A  }
0x26: {  	[smem:$0x3F78] =	sst s1;
	(tag) =	ssettag s2;
	_ =	strace s9  }
0x27: {  	s1 =	sld [smem:$0x3F88]  }
0x28: {  	s2 =	sld [smem:$0x3F89]  }
0x29: {  	s4 =	sld [smem:$0x3F8B]  }
0x2a: {  	p0 =	seq.s32 s5, $0x0;
	s5 =	sld [smem:$0x3F8C]  }
0x2b: {  	s6 =	sld [smem:$0x3F8D]  }
0x2c: {  	s7 =	sld [smem:$0x3F8E]  }
0x2d: {  	s3 =	simm.s32 $0x108;
	s8 =	sld [smem:$0x3F8F]  }
0x2e: {  	s3 =	simm.s32 @!p0 $0x1082;
	s9 =	sld [smem:$0x3F90]  }
0x2f: {  	lr =	sadd.s32 s0, s3;
	s0 =	sld [smem:$0x3F87]  }
0x30: {  	s3 =	sld [smem:$0x3F8A]  }
0x31: {  	[smem:$0x3F93] =	sst s10  }
0x32: {  	s10 =	sld [smem:$0x3F91];
	_ =	sdelay $0x3  }
0x33: {  	p0 =	seq.s32 s10, $0x1;
	s10 =	sld [smem:$0x3F93];
	_ =	sdelay $0x3  }
0x34: {  	[smem:$0x3F93] =	sst s10  }
0x35: {  	s10 =	sld [smem:$0x3F92];
	_ =	sdelay $0x3  }
0x36: {  	p1 =	seq.s32 s10, $0x1;
	s10 =	sld [smem:$0x3F93];
	_ =	sdelay $0x3  }
0x37: {  	[smem:$0x3F93] =	sst s10  }
0x38: {  	s10 =	sld [smem:$0x3F94]  }
0x39: {  	_ = 	snop;
	(pc) =	sbr.ind lr, $3  }
0x3a: {  	_ = 	snop  }
0x3b: {  	_ = 	snop  }
0x3c: {  	p2 =	seq.s32 s10, $0x1;
	s10 =	sld [smem:$0x3F93]  }
0x3d: {  	_ =	shalt  }
0x3e: {  	_ =	shalt  }
0x3f: {  	_ =	shalt  }
0x40: {  	_ =	shalt  }
0x41: {  	_ =	shalt  }
0x42: {  	_ =	shalt  }
0x43: {  	_ =	shalt  }
0x44: {  	_ =	shalt  }
0x45: {  	_ =	shalt  }
0x46: {  	_ =	shalt  }
0x47: {  	_ =	shalt  }
0x48: {  	_ =	shalt  }
0x49: {  	_ =	shalt  }
0x4a: {  	_ =	shalt  }
0x4b: {  	_ =	shalt  }
0x4c: {  	_ =	shalt  }
0x4d: {  	_ =	shalt  }
0x4e: {  	_ =	shalt  }
0x4f: {  	_ =	shalt  }
0x50: {  	_ =	shalt  }
0x51: {  	_ =	shalt  }
0x52: {  	_ =	shalt  }
0x53: {  	_ =	shalt  }
0x54: {  	_ =	shalt  }
0x55: {  	_ =	shalt  }
0x56: {  	_ =	shalt  }
0x57: {  	_ =	shalt  }
0x58: {  	_ =	shalt  }
0x59: {  	_ =	shalt  }
0x5a: {  	_ =	shalt  }
0x5b: {  	_ =	shalt  }
0x5c: {  	_ =	shalt  }
0x5d: {  	_ =	shalt  }
0x5e: {  	_ =	shalt  }
0x5f: {  	_ =	shalt  }
0x60: {  	_ =	shalt  }
0x61: {  	_ =	shalt  }
0x62: {  	_ =	shalt  }
0x63: {  	_ =	shalt  }
0x64: {  	_ =	shalt  }
0x65: {  	_ =	shalt  }
0x66: {  	_ =	shalt  }
0x67: {  	_ =	shalt  }
0x68: {  	_ =	shalt  }
0x69: {  	_ =	shalt  }
0x6a: {  	_ =	shalt  }
0x6b: {  	_ =	shalt  }
0x6c: {  	_ =	shalt  }
0x6d: {  	_ =	shalt  }
0x6e: {  	_ =	shalt  }
0x6f: {  	_ =	shalt  }
0x70: {  	_ =	shalt  }
0x71: {  	_ =	shalt  }
0x72: {  	_ =	shalt  }
0x73: {  	_ =	shalt  }
0x74: {  	_ =	shalt  }
0x75: {  	_ =	shalt  }
0x76: {  	_ =	shalt  }
0x77: {  	_ =	shalt  }
0x78: {  	_ =	shalt  }
0x79: {  	_ =	shalt  }
0x7a: {  	_ =	shalt  }
0x7b: {  	_ =	shalt  }
0x7c: {  	_ =	shalt  }
0x7d: {  	_ =	shalt  }
0x7e: {  	_ =	shalt  }
0x7f: {  	_ =	shalt  }
0x80: {  	_ =	shalt  }
0x81: {  	_ =	shalt  }
0x82: {  	_ =	shalt  }
0x83: {  	_ =	shalt  }
0x84: {  	_ =	shalt  }
0x85: {  	_ =	shalt  }
0x86: {  	_ =	shalt  }
0x87: {  	_ =	shalt  }
.Lfunc_end0:
.L_simem_size_0:
called_computation_lowered:
.L_overlay_start_0:
0x88: {  	s2 =	sld [smem:$0x3FD9]  }
0x89: {  	s3 =	sld [smem:$0x3FFE];
	_ =	sdelay $0x1  }
0x8a: {  	s1 =	srdreg.scid  }
0x8b: {  	s0 =	sand.u32 $0x1, s1  }
0x8c: {  	s17 =	sshll.u32 s0, $0xA;
	s2 =	sadd.s32 s3, s2  }
0x8d: {  	s2 =	sadd.s32 s2, s17  }
0x8e: {  	[smem:$0x3F9F] =	sst s2  }
0x8f: {  	_ = 	snop  }
0x90: {  	s2 =	sld [smem:$0x3FD0];
	(tm) =	ssettm $0x1  }
0x91: {  	s18 =	sld [smem:$0x3FFB];
	_ =	sdelay $0x3  }
0x92: {  	_ =	strace s18  }
0x93: {  	s3 =	sld [smem:$0x3FFC];
	_ =	sdelay $0x3  }
0x94: {  	_ =	strace s3  }
0x95: {  	s3 =	sld [smem:$0x3FFD];
	_ =	sdelay $0x3  }
0x96: {  	_ =	strace s3  }
0x97: {  	_ =	strace $0x8FFFFFFF  }
0x98: {  	s19 =	sld [smem:$0x3FDB];
	_ =	sdelay $0x1  }
0x99: {  	s4 =	simm.s32 $_scs_section_size  }
0x9a: {  	s5 =	simm.s32 $_size__tile_overlayer_lowered;
	s6 =	simm.s32 $_tile_overlayer_lowered  }
0x9b: {  	s22 =	simm.s32 $0x1BFF;
	s21 =	sshll.u32 s6, $0x1;
	s3 =	sadd.s32 s4, s19  }
0x9c: {  	s7 =	simm.s32 $0x0;
	s20 =	sshll.u32 s5, $0x1;
	s5 =	sadd.s32 s21, s3  }
0x9d: {  	[timem:s7], [sflag:s22] =	dma.local [hbm:s5], s20  }
0x9e: {  	_ =	swait.ge [sflag:s22], s20  }
0x9f: {  	s4 =	ssub.s32 $0x0, s20;
	[sflag:s22] =	ssyncset.done $0x0  }
0xa0: {  	[sflag:s22] =	ssyncadd.s32 s4;
	_ =	sdelay $0x1  }
0xa1: {  	s23 =	simm.s32 $0x1B8B  }
0xa2: {  	_ =	swait.ge [sflag:s23], $0x1  }
0xa3: {  	[sflag:s23] =	ssyncset.done $0x0  }
0xa4: {  	s25 =	simm.s32 $0x1B8E;
	s24 =	sld [smem:$0x3FFE];
	[sflag:s23] =	ssyncadd.s32 $0xFFFFFFFF  }
0xa5: {  	s26 =	simm.s32 $execute0_lowered;
	[smem:$0x3FD2] =	sst s25  }
0xa6: {  	s5 =	sshll.u32 s26, $0x1;
	_ =	strace $0x80000046;
	[dreg:$0x1] =	wrdreg $0xFFFFFFFF  }
0xa7: {  	s28 =	simm.s32 $_size_execute0_lowered;
	s3 =	sadd.s32 s3, s5;
	[dreg:$0x0] =	wrdreg $0x0  }
0xa8: {  	s5 =	sshll.u32 s28, $0x1;
	[dreg:$0x2] =	wrdreg s3  }
0xa9: {  	[dreg:$0x3] =	wrdreg s5  }
0xaa: {  	[dreg:$0x4] =	wrdreg $0xC0  }
0xab: {  	_ =	task [dreg:s7], $0x5FFFF  }
0xac: {  	[dreg:$0x1] =	wrdreg $0xFFFFFFFF  }
0xad: {  	[dreg:$0x0] =	wrdreg $0x60  }
0xae: {  	[dreg:$0x2] =	wrdreg s24  }
0xaf: {  	[dreg:$0x3] =	wrdreg s2  }
0xb0: {  	[dreg:$0x4] =	wrdreg $0x9  }
0xb1: {  	_ =	task.clear_ibuf [dreg:s7], $0x5FFFF;
	_ =	strace $0x90000046  }
0xb2: {  	s29 =	simm.s32 $0x9;
	_ =	strace $0x80000048  }
0xb3: {  	_ =	swait.ge [sflag:s29], $0x1  }
0xb4: {  	[sflag:s29] =	ssyncadd.s32 $0xFFFFFFFF  }
0xb5: {  	_ =	strace $0x90000048  }
0xb6: {  	_ =	sfence  }
0xb7: {  	s30 =	sld [smem:$0x0];
	_ =	sdelay $0x2  }
0xb8: {  	s31 =	sshll.u32 s1, $0xD;
	s1 =	sshrl.u32 s1, $0x2  }
0xb9: {  	s3 =	sand.u32 $0x4000, s31;
	s1 =	sadd.s32 s1, s30  }
0xba: {  	s0 =	sor.u32 s3, s0;
	s1 =	sshll.u32 s1, $0x11  }
0xbb: {  	s0 =	sor.u32 s1, s0  }
0xbc: {  	s0 =	sadd.s32 $0x8F2B, s0  }
0xbd: {  	[sflag:s0] =	ssyncadd.remote.s32 $0x1  }
0xbe: {  	_ =	sfence.sel $0xFFFF  }
0xbf: {  	[dreg:$0x0] =	wrdreg $0xFFFFFFFF;
	(pc) =	sbr.abs _section_cstart, $3  }
0xc0: {  	[dreg:$0x1] =	wrdreg $0xFFFFFFFF  }
0xc1: {  	_ =	task.clear_ibuf [dreg:s7], $0x2FFFF;
	_ =	strace $0x9FFFFFFF  }
0xc2: {  	(tm) =	ssettm $0x7FFFFFFF  }
0xc3: {  	_ =	shalt  }
tec
execute0_lowered:
.L_overlay_start_1:
0x0: {  	(tag) =	ssettag $0x1  }
0x1: {  	s0 =	rddreg [dreg:$0x0]  }
0x2: {  	s1 =	rddreg [dreg:$0x1]  }
0x3: {  	s2 =	srdreg.scid;
	s3 =	simm.s32 $0x0;
	s5 =	stileid.u32  }
0x4: {  	s17 =	simm.s32 $0x3;
	s18 =	simm.s32 $0xA000;
	s20 =	simm.s32 $0xC800  }
0x5: {  	s22 =	simm.s32 $0xF000;
	s24 =	simm.s32 $0x11800;
	s25 =	simm.s32 $0x16000  }
0x6: {  	s29 =	simm.s32 $0x14800;
	s30 =	simm.s32 $0x15800;
	s2 =	sand.u32 $0x1, s2  }
0x7: {  	s31 =	simm.s32 $0x1;
	[smem:$0x7FF] =	sst s3;
	s4 =	sshll.u32 s2, $0x4  }
0x8: {  	s9 =	sadd.s32 $0x5C00, s0;
	s2 =	ssub.s32 $0x2, s2;
	s6 =	sor.u32 s5, s4  }
0x9: {  	s13 =	sadd.s32 $0x42200, s0;
	s8 =	sshrl.u32 s2, $0x1;
	s15 =	smul.u32 $0x140, s6  }
0xa: {  	_ =	strace $0x80000047;
	s6 =	smul.u32 $0xA000, s6;
	s2 =	ssub.s32 s2, s8  }
0xb: {  	s4 =	sadd.s32 $0x2DC00, s0;
	s5 =	sadd.s32 $0x37C00, s0;
	s16 =	smax.u32 s2, $0x1  }
0xc: {  	s2 =	simm.s32 $0x0;
	s7 =	sshrl.u32 s15, $0x3;
	s10 =	sshrl.u32 s6, $0x3  }
0xd: {  	s15 =	sadd.s32 $0x16000, s15;
	s0 =	sadd.s32 s7, s0;
	s6 =	sadd.s32 s9, s10  }
0xe: {  	s11 =	sadd.s32 $0x500, s10;
	s12 =	sadd.s32 $0xA00, s10;
	s14 =	sadd.s32 $0xF00, s10  }
0xf: {  	s10 =	sadd.s32 s13, s10;
	s7 =	sadd.s32 s9, s11;
	s8 =	sadd.s32 s9, s12  }
0x10: {  	s9 =	sadd.s32 s9, s14;
	s11 =	sadd.s32 s13, s11;
	s12 =	sadd.s32 s13, s12  }
0x11: {  	v0 =	vimm.f32 $1.000000000e+00;
	s13 =	sadd.s32 s13, s14;
	s14 =	sadd.s32 $0x41C00, s0;
	s0 =	simm.s32 $0x2  }
.LBB2_1:
0x12: {  	[tilespmem:s3], [sflag:$0x3] =	stream.linear.gather [hbm4b:s6+s3], $0x2800, $0x38;
	[tilespmem:$0x18800] =	vst v63  }
0x13: {  	_ =	swait.ge [sflag:s17], $0x2800  }
0x14: {  	[sflag:s17] =	ssyncset.done $0x0  }
0x15: {  	[sflag:s17] =	ssyncadd.s32 $0xFFFFD800  }
0x16: {  	[tilespmem:s18], [sflag:$0x3] =	stream.linear.gather [hbm4b:s1+s3], $0x2800, $0x38;
	[tilespmem:$0x18800] =	vst v63  }
0x17: {  	_ =	swait.ge [sflag:s17], $0x2800  }
0x18: {  	[sflag:s17] =	ssyncset.done $0x0  }
0x19: {  	s19 =	simm.s32 $0x2800;
	[sflag:s17] =	ssyncadd.s32 $0xFFFFD800  }
0x1a: {  	[tilespmem:s19], [sflag:$0x3] =	stream.linear.gather [hbm4b:s7+s3], $0x2800, $0x38;
	[tilespmem:$0x18800] =	vst v63  }
0x1b: {  	_ =	swait.ge [sflag:s17], $0x2800  }
0x1c: {  	[sflag:s17] =	ssyncset.done $0x0  }
0x1d: {  	[sflag:s17] =	ssyncadd.s32 $0xFFFFD800  }
0x1e: {  	[tilespmem:s20], [sflag:$0x3] =	stream.linear.gather [hbm4b:s1+s3], $0x2800, $0x38;
	[tilespmem:$0x18800] =	vst v63  }
0x1f: {  	_ =	swait.ge [sflag:s17], $0x2800  }
0x20: {  	[sflag:s17] =	ssyncset.done $0x0  }
0x21: {  	s21 =	simm.s32 $0x5000;
	[sflag:s17] =	ssyncadd.s32 $0xFFFFD800  }
0x22: {  	[tilespmem:s21], [sflag:$0x3] =	stream.linear.gather [hbm4b:s8+s3], $0x2800, $0x38;
	[tilespmem:$0x18800] =	vst v63  }
0x23: {  	_ =	swait.ge [sflag:s17], $0x2800  }
0x24: {  	[sflag:s17] =	ssyncset.done $0x0  }
0x25: {  	[sflag:s17] =	ssyncadd.s32 $0xFFFFD800  }
0x26: {  	[tilespmem:s22], [sflag:$0x3] =	stream.linear.gather [hbm4b:s1+s3], $0x2800, $0x38;
	[tilespmem:$0x18800] =	vst v63  }
0x27: {  	_ =	swait.ge [sflag:s17], $0x2800  }
0x28: {  	[sflag:s17] =	ssyncset.done $0x0  }
0x29: {  	s23 =	simm.s32 $0x7800;
	[sflag:s17] =	ssyncadd.s32 $0xFFFFD800  }
0x2a: {  	[tilespmem:s23], [sflag:$0x3] =	stream.linear.gather [hbm4b:s9+s3], $0x2800, $0x38;
	[tilespmem:$0x18800] =	vst v63  }
0x2b: {  	_ =	swait.ge [sflag:s17], $0x2800  }
0x2c: {  	[sflag:s17] =	ssyncset.done $0x0  }
0x2d: {  	[sflag:s17] =	ssyncadd.s32 $0xFFFFD800  }
0x2e: {  	[tilespmem:s24], [sflag:$0x3] =	stream.linear.gather [hbm4b:s1+s3], $0x2800, $0x38;
	[tilespmem:$0x18800] =	vst v63  }
0x2f: {  	_ =	swait.ge [sflag:s17], $0x2800  }
0x30: {  	[sflag:s17] =	ssyncset.done $0x0  }
0x31: {  	[sflag:s17] =	ssyncadd.s32 $0xFFFFD800  }
0x32: {  	[tilespmem:s25], [sflag:$0x3] =	stream.linear.gather [hbm4b:s1+s3], $0x2800, $0x38;
	[tilespmem:$0x18800] =	vst v63  }
0x33: {  	_ =	swait.ge [sflag:s17], $0x2800  }
0x34: {  	[sflag:s17] =	ssyncset.done $0x0  }
0x35: {  	s26 =	simm.s32 $0x14000;
	[sflag:s17] =	ssyncadd.s32 $0xFFFFD800  }
0x36: {  	[tilespmem:s26], [sflag:$0x1] =	stream.linear.gather [hbm4b:s5+s3], $0x800, $0x38;
	[tilespmem:$0x18800] =	vst v63  }
0x37: {  	s28 =	simm.s32 $0x15000;
	s19 =	simm.s32 $0x0  }
0x38: {  	[tilespmem:s28], [sflag:$0x1] =	stream.linear.gather [hbm4b:s4+s3], $0x800, $0x38;
	[tilespmem:$0x18800] =	vst v63  }
.LBB2_2:
0x39: {  	s21 =	sshll.u32 s19, $0x9  }
0x3a: {  	s26 =	sor.u32 $0x100, s21  }
0x3b: {  	s23 =	simm.s32 $0x0;
	s28 =	sadd.s32 s5, s26  }
0x3c: {  	[tilespmem:s29], [sflag:$0x2] =	stream.linear.gather [hbm4b:s28+s23], $0x800, $0x38;
	[tilespmem:$0x18800] =	vst v63  }
0x3d: {  	s26 =	sadd.s32 s4, s26  }
0x3e: {  	[tilespmem:s30], [sflag:$0x2] =	stream.linear.gather [hbm4b:s26+s23], $0x800, $0x38;
	[tilespmem:$0x18800] =	vst v63  }
0x3f: {  	_ =	swait.ge [sflag:s31], $0x800  }
0x40: {  	[sflag:s31] =	ssyncset.done $0x0  }
0x41: {  	[sflag:s31] =	ssyncadd.s32 $0xFFFFF800  }
0x42: {  	_ =	swait.ge [sflag:s31], $0x800  }
0x43: {  	[sflag:s31] =	ssyncset.done $0x0  }
0x44: {  	[sflag:s31] =	ssyncadd.s32 $0xFFFFF800  }
.LBB2_3:
0x45: {  	s26 =	sshra.s32 s23, $0x2  }
0x46: {  	v1 =	vld [tilespmem:s26+$0x14000];
	_ =	sdelay $0x4  }
0x47: {  	v2 =	vld [tilespmem:s26+$0x15000];
	_ =	sdelay $0x2  }
0x48: {  	v3 =	vld.idx.msk [tilespmem:v1+s3+$0x0], $0xffff  }
0x49: {  	v4 =	vadd.s32 $0x2800, v1;
	_ =	sdelay $0x3  }
0x4a: {  	[tilespmem:v2+s18+$0x0] =	vst.idx.add.f32.msk $0xffff, v3  }
0x4b: {  	v50 =	vadd.s32 $0x2800, v2;
	v3 =	vld.idx.msk [tilespmem:v4+s3+$0x0], $0xffff  }
0x4c: {  	v5 =	vadd.s32 $0x5000, v1;
	_ =	sdelay $0x3  }
0x4d: {  	[tilespmem:v50+s18+$0x0] =	vst.idx.add.f32.msk $0xffff, v3  }
0x4e: {  	v51 =	vadd.s32 $0x5000, v2;
	v3 =	vld.idx.msk [tilespmem:v5+s3+$0x0], $0xffff  }
0x4f: {  	v1 =	vadd.s32 $0x7800, v1;
	_ =	sdelay $0x3  }
0x50: {  	[tilespmem:v51+s18+$0x0] =	vst.idx.add.f32.msk $0xffff, v3  }
0x51: {  	v3 =	vadd.s32 $0x7800, v2;
	v1 =	vld.idx.msk [tilespmem:v1+s3+$0x0], $0xffff;
	_ =	sdelay $0x4  }
0x52: {  	[tilespmem:v3+s18+$0x0] =	vst.idx.add.f32.msk $0xffff, v1  }
0x53: {  	[tilespmem:v2+s25+$0x0] =	vst.idx.add.f32.msk $0xffff, v0  }
0x54: {  	v1 =	vld [tilespmem:s26+$0x14010];
	_ =	sdelay $0x4  }
0x55: {  	v2 =	vld [tilespmem:s26+$0x15010];
	_ =	sdelay $0x2  }
0x56: {  	v3 =	vld.idx.msk [tilespmem:v1+s3+$0x0], $0xffff  }
0x57: {  	v52 =	vadd.s32 $0x2800, v1;
	_ =	sdelay $0x3  }
0x58: {  	[tilespmem:v2+s18+$0x0] =	vst.idx.add.f32.msk $0xffff, v3  }
0x59: {  	v53 =	vadd.s32 $0x2800, v2;
	v3 =	vld.idx.msk [tilespmem:v52+s3+$0x0], $0xffff  }
0x5a: {  	v54 =	vadd.s32 $0x5000, v1;
	_ =	sdelay $0x3  }
0x5b: {  	[tilespmem:v53+s18+$0x0] =	vst.idx.add.f32.msk $0xffff, v3  }
0x5c: {  	v55 =	vadd.s32 $0x5000, v2;
	v3 =	vld.idx.msk [tilespmem:v54+s3+$0x0], $0xffff  }
0x5d: {  	v1 =	vadd.s32 $0x7800, v1;
	_ =	sdelay $0x3  }
0x5e: {  	[tilespmem:v55+s18+$0x0] =	vst.idx.add.f32.msk $0xffff, v3  }
0x5f: {  	v3 =	vadd.s32 $0x7800, v2;
	v1 =	vld.idx.msk [tilespmem:v1+s3+$0x0], $0xffff;
	_ =	sdelay $0x4  }
0x60: {  	[tilespmem:v3+s18+$0x0] =	vst.idx.add.f32.msk $0xffff, v1  }
0x61: {  	[tilespmem:v2+s25+$0x0] =	vst.idx.add.f32.msk $0xffff, v0  }
0x62: {  	v1 =	vld [tilespmem:s26+$0x14020];
	_ =	sdelay $0x4  }
0x63: {  	v2 =	vld [tilespmem:s26+$0x15020];
	_ =	sdelay $0x2  }
0x64: {  	v3 =	vld.idx.msk [tilespmem:v1+s3+$0x0], $0xffff  }
0x65: {  	v56 =	vadd.s32 $0x2800, v1;
	_ =	sdelay $0x3  }
0x66: {  	[tilespmem:v2+s18+$0x0] =	vst.idx.add.f32.msk $0xffff, v3  }
0x67: {  	v57 =	vadd.s32 $0x2800, v2;
	v3 =	vld.idx.msk [tilespmem:v56+s3+$0x0], $0xffff  }
0x68: {  	v58 =	vadd.s32 $0x5000, v1;
	_ =	sdelay $0x3  }
0x69: {  	[tilespmem:v57+s18+$0x0] =	vst.idx.add.f32.msk $0xffff, v3  }
0x6a: {  	v59 =	vadd.s32 $0x5000, v2;
	v3 =	vld.idx.msk [tilespmem:v58+s3+$0x0], $0xffff  }
0x6b: {  	v1 =	vadd.s32 $0x7800, v1;
	_ =	sdelay $0x3  }
0x6c: {  	[tilespmem:v59+s18+$0x0] =	vst.idx.add.f32.msk $0xffff, v3  }
0x6d: {  	v3 =	vadd.s32 $0x7800, v2;
	v1 =	vld.idx.msk [tilespmem:v1+s3+$0x0], $0xffff;
	_ =	sdelay $0x4  }
0x6e: {  	[tilespmem:v3+s18+$0x0] =	vst.idx.add.f32.msk $0xffff, v1  }
0x6f: {  	[tilespmem:v2+s25+$0x0] =	vst.idx.add.f32.msk $0xffff, v0  }
0x70: {  	v1 =	vld [tilespmem:s26+$0x14030];
	_ =	sdelay $0x4  }
0x71: {  	v2 =	vld [tilespmem:s26+$0x15030];
	_ =	sdelay $0x2  }
0x72: {  	v3 =	vld.idx.msk [tilespmem:v1+s3+$0x0], $0xffff  }
0x73: {  	v60 =	vadd.s32 $0x2800, v1;
	_ =	sdelay $0x3  }
0x74: {  	[tilespmem:v2+s18+$0x0] =	vst.idx.add.f32.msk $0xffff, v3  }
0x75: {  	v61 =	vadd.s32 $0x2800, v2;
	v3 =	vld.idx.msk [tilespmem:v60+s3+$0x0], $0xffff  }
0x76: {  	v62 =	vadd.s32 $0x5000, v1;
	_ =	sdelay $0x3  }
0x77: {  	[tilespmem:v61+s18+$0x0] =	vst.idx.add.f32.msk $0xffff, v3  }
0x78: {  	v63 =	vadd.s32 $0x5000, v2;
	v3 =	vld.idx.msk [tilespmem:v62+s3+$0x0], $0xffff  }
0x79: {  	v1 =	vadd.s32 $0x7800, v1;
	_ =	sdelay $0x3  }
0x7a: {  	[tilespmem:v63+s18+$0x0] =	vst.idx.add.f32.msk $0xffff, v3  }
0x7b: {  	v3 =	vadd.s32 $0x7800, v2;
	v1 =	vld.idx.msk [tilespmem:v1+s3+$0x0], $0xffff  }
0x7c: {  	p0 =	sne.s32 s23, $0x1F00  }
.Ltmp0:
0x7d: {  	_ = 	snop;
	(pc) =	sbr.rel @p0 .LBB2_3-.Ltmp0, $3  }
0x7e: {  	_ =	sdelay $0x1  }
0x7f: {  	[tilespmem:v3+s18+$0x0] =	vst.idx.add.f32.msk $0xffff, v1  }
0x80: {  	s23 =	sadd.s32 $0x100, s23;
	[tilespmem:v2+s25+$0x0] =	vst.idx.add.f32.msk $0xffff, v0  }
0x81: {  	p0 =	seq.s32 s19, $0x4F  }
0x82: {  	s21 =	sadd.s32 @!p0 $0x200, s21  }
0x83: {  	s26 =	simm.s32 @!p0 $0x0;
	s28 =	simm.s32 @!p0 $0x14000;
	s23 =	sadd.s32 @!p0 s5, s21  }
0x84: {  	[tilespmem:s28], [sflag:$0x1] =	stream.linear.gather @!p0 [hbm4b:s23+s26], $0x800, $0x38;
	[tilespmem:$0x18800] =	vst v63  }
0x85: {  	s21 =	sadd.s32 @!p0 s4, s21;
	s23 =	simm.s32 @!p0 $0x15000  }
0x86: {  	[tilespmem:s23], [sflag:$0x1] =	stream.linear.gather @!p0 [hbm4b:s21+s26], $0x800, $0x38;
	[tilespmem:$0x18800] =	vst v63  }
0x87: {  	_ =	swait.ge [sflag:s0], $0x800  }
0x88: {  	[sflag:s0] =	ssyncset.done $0x0  }
0x89: {  	[sflag:s0] =	ssyncadd.s32 $0xFFFFF800  }
0x8a: {  	_ =	swait.ge [sflag:s0], $0x800  }
0x8b: {  	[sflag:s0] =	ssyncset.done $0x0  }
0x8c: {  	s21 =	simm.s32 $0x0;
	[sflag:s0] =	ssyncadd.s32 $0xFFFFF800  }
.LBB2_5:
0x8d: {  	s23 =	sshra.s32 s21, $0x2  }
0x8e: {  	v1 =	vld [tilespmem:s23+$0x14800];
	_ =	sdelay $0x4  }
0x8f: {  	v2 =	vld [tilespmem:s23+$0x15800];
	_ =	sdelay $0x2  }
0x90: {  	v3 =	vld.idx.msk [tilespmem:v1+s3+$0x0], $0xffff  }
0x91: {  	v4 =	vadd.s32 $0x2800, v1;
	_ =	sdelay $0x3  }
0x92: {  	[tilespmem:v2+s18+$0x0] =	vst.idx.add.f32.msk $0xffff, v3  }
0x93: {  	v50 =	vadd.s32 $0x2800, v2;
	v3 =	vld.idx.msk [tilespmem:v4+s3+$0x0], $0xffff  }
0x94: {  	v5 =	vadd.s32 $0x5000, v1;
	_ =	sdelay $0x3  }
0x95: {  	[tilespmem:v50+s18+$0x0] =	vst.idx.add.f32.msk $0xffff, v3  }
0x96: {  	v51 =	vadd.s32 $0x5000, v2;
	v3 =	vld.idx.msk [tilespmem:v5+s3+$0x0], $0xffff  }
0x97: {  	v1 =	vadd.s32 $0x7800, v1;
	_ =	sdelay $0x3  }
0x98: {  	[tilespmem:v51+s18+$0x0] =	vst.idx.add.f32.msk $0xffff, v3  }
0x99: {  	v3 =	vadd.s32 $0x7800, v2;
	v1 =	vld.idx.msk [tilespmem:v1+s3+$0x0], $0xffff;
	_ =	sdelay $0x4  }
0x9a: {  	[tilespmem:v3+s18+$0x0] =	vst.idx.add.f32.msk $0xffff, v1  }
0x9b: {  	[tilespmem:v2+s25+$0x0] =	vst.idx.add.f32.msk $0xffff, v0  }
0x9c: {  	v1 =	vld [tilespmem:s23+$0x14810];
	_ =	sdelay $0x4  }
0x9d: {  	v2 =	vld [tilespmem:s23+$0x15810];
	_ =	sdelay $0x2  }
0x9e: {  	v3 =	vld.idx.msk [tilespmem:v1+s3+$0x0], $0xffff  }
0x9f: {  	v52 =	vadd.s32 $0x2800, v1;
	_ =	sdelay $0x3  }
0xa0: {  	[tilespmem:v2+s18+$0x0] =	vst.idx.add.f32.msk $0xffff, v3  }
0xa1: {  	v53 =	vadd.s32 $0x2800, v2;
	v3 =	vld.idx.msk [tilespmem:v52+s3+$0x0], $0xffff  }
0xa2: {  	v54 =	vadd.s32 $0x5000, v1;
	_ =	sdelay $0x3  }
0xa3: {  	[tilespmem:v53+s18+$0x0] =	vst.idx.add.f32.msk $0xffff, v3  }
0xa4: {  	v55 =	vadd.s32 $0x5000, v2;
	v3 =	vld.idx.msk [tilespmem:v54+s3+$0x0], $0xffff  }
0xa5: {  	v1 =	vadd.s32 $0x7800, v1;
	_ =	sdelay $0x3  }
0xa6: {  	[tilespmem:v55+s18+$0x0] =	vst.idx.add.f32.msk $0xffff, v3  }
0xa7: {  	v3 =	vadd.s32 $0x7800, v2;
	v1 =	vld.idx.msk [tilespmem:v1+s3+$0x0], $0xffff;
	_ =	sdelay $0x4  }
0xa8: {  	[tilespmem:v3+s18+$0x0] =	vst.idx.add.f32.msk $0xffff, v1  }
0xa9: {  	[tilespmem:v2+s25+$0x0] =	vst.idx.add.f32.msk $0xffff, v0  }
0xaa: {  	v1 =	vld [tilespmem:s23+$0x14820];
	_ =	sdelay $0x4  }
0xab: {  	v2 =	vld [tilespmem:s23+$0x15820];
	_ =	sdelay $0x2  }
0xac: {  	v3 =	vld.idx.msk [tilespmem:v1+s3+$0x0], $0xffff  }
0xad: {  	v56 =	vadd.s32 $0x2800, v1;
	_ =	sdelay $0x3  }
0xae: {  	[tilespmem:v2+s18+$0x0] =	vst.idx.add.f32.msk $0xffff, v3  }
0xaf: {  	v57 =	vadd.s32 $0x2800, v2;
	v3 =	vld.idx.msk [tilespmem:v56+s3+$0x0], $0xffff  }
0xb0: {  	v58 =	vadd.s32 $0x5000, v1;
	_ =	sdelay $0x3  }
0xb1: {  	[tilespmem:v57+s18+$0x0] =	vst.idx.add.f32.msk $0xffff, v3  }
0xb2: {  	v59 =	vadd.s32 $0x5000, v2;
	v3 =	vld.idx.msk [tilespmem:v58+s3+$0x0], $0xffff  }
0xb3: {  	v1 =	vadd.s32 $0x7800, v1;
	_ =	sdelay $0x3  }
0xb4: {  	[tilespmem:v59+s18+$0x0] =	vst.idx.add.f32.msk $0xffff, v3  }
0xb5: {  	v3 =	vadd.s32 $0x7800, v2;
	v1 =	vld.idx.msk [tilespmem:v1+s3+$0x0], $0xffff;
	_ =	sdelay $0x4  }
0xb6: {  	[tilespmem:v3+s18+$0x0] =	vst.idx.add.f32.msk $0xffff, v1  }
0xb7: {  	[tilespmem:v2+s25+$0x0] =	vst.idx.add.f32.msk $0xffff, v0  }
0xb8: {  	v1 =	vld [tilespmem:s23+$0x14830];
	_ =	sdelay $0x4  }
0xb9: {  	v2 =	vld [tilespmem:s23+$0x15830];
	_ =	sdelay $0x2  }
0xba: {  	v3 =	vld.idx.msk [tilespmem:v1+s3+$0x0], $0xffff  }
0xbb: {  	v60 =	vadd.s32 $0x2800, v1;
	_ =	sdelay $0x3  }
0xbc: {  	[tilespmem:v2+s18+$0x0] =	vst.idx.add.f32.msk $0xffff, v3  }
0xbd: {  	v61 =	vadd.s32 $0x2800, v2;
	v3 =	vld.idx.msk [tilespmem:v60+s3+$0x0], $0xffff  }
0xbe: {  	v62 =	vadd.s32 $0x5000, v1;
	_ =	sdelay $0x3  }
0xbf: {  	[tilespmem:v61+s18+$0x0] =	vst.idx.add.f32.msk $0xffff, v3  }
0xc0: {  	v63 =	vadd.s32 $0x5000, v2;
	v3 =	vld.idx.msk [tilespmem:v62+s3+$0x0], $0xffff  }
0xc1: {  	v1 =	vadd.s32 $0x7800, v1;
	_ =	sdelay $0x3  }
0xc2: {  	[tilespmem:v63+s18+$0x0] =	vst.idx.add.f32.msk $0xffff, v3  }
0xc3: {  	v3 =	vadd.s32 $0x7800, v2;
	v1 =	vld.idx.msk [tilespmem:v1+s3+$0x0], $0xffff  }
0xc4: {  	p0 =	sne.s32 s21, $0x1F00  }
.Ltmp1:
0xc5: {  	_ = 	snop;
	(pc) =	sbr.rel @p0 .LBB2_5-.Ltmp1, $3  }
0xc6: {  	_ =	sdelay $0x1  }
0xc7: {  	[tilespmem:v3+s18+$0x0] =	vst.idx.add.f32.msk $0xffff, v1  }
0xc8: {  	s21 =	sadd.s32 $0x100, s21;
	[tilespmem:v2+s25+$0x0] =	vst.idx.add.f32.msk $0xffff, v0  }
0xc9: {  	s19 =	sadd.s32 $0x1, s19  }
0xca: {  	p0 =	sne.s32 s19, $0x50  }
.Ltmp2:
0xcb: {  	_ = 	snop;
	(pc) =	sbr.rel @p0 .LBB2_2-.Ltmp2, $1  }
0xcc: {  	_ =	sdelay $0x3  }
0xcd: {  	[hbm4b:s10+s3] =	stream.linear.scatter [tilespmem:s18], [sflag:$0x3], $0x2800, $0x38;
	[tilespmem:$0x18800] =	vst v63  }
0xce: {  	_ =	swait.ge [sflag:s17], $0x2800  }
0xcf: {  	[sflag:s17] =	ssyncset.done $0x0  }
0xd0: {  	[sflag:s17] =	ssyncadd.s32 $0xFFFFD800  }
0xd1: {  	[hbm4b:s11+s3] =	stream.linear.scatter [tilespmem:s20], [sflag:$0x3], $0x2800, $0x38;
	[tilespmem:$0x18800] =	vst v63  }
0xd2: {  	_ =	swait.ge [sflag:s17], $0x2800  }
0xd3: {  	[sflag:s17] =	ssyncset.done $0x0  }
0xd4: {  	[sflag:s17] =	ssyncadd.s32 $0xFFFFD800  }
0xd5: {  	[hbm4b:s12+s3] =	stream.linear.scatter [tilespmem:s22], [sflag:$0x3], $0x2800, $0x38;
	[tilespmem:$0x18800] =	vst v63  }
0xd6: {  	_ =	swait.ge [sflag:s17], $0x2800  }
0xd7: {  	[sflag:s17] =	ssyncset.done $0x0  }
0xd8: {  	[sflag:s17] =	ssyncadd.s32 $0xFFFFD800  }
0xd9: {  	[hbm4b:s13+s3] =	stream.linear.scatter [tilespmem:s24], [sflag:$0x3], $0x2800, $0x38;
	[tilespmem:$0x18800] =	vst v63  }
0xda: {  	s2 =	sadd.s32 $0x1, s2;
	_ =	swait.ge [sflag:s17], $0x2800  }
0xdb: {  	p0 =	sne.s32 s2, s16;
	[sflag:s17] =	ssyncset.done $0x0  }
.Ltmp3:
0xdc: {  	[sflag:s17] =	ssyncadd.s32 $0xFFFFD800;
	(pc) =	sbr.rel @p0 .LBB2_1-.Ltmp3, $4  }
0xdd: {  	[hbm4b:s14+s3] =	stream.linear.scatter [tilespmem:s15], [sflag:$0x3], $0x140, $0x38;
	[tilespmem:$0x18800] =	vst v63  }
0xde: {  	_ =	swait.ge [sflag:s17], $0x140  }
0xdf: {  	[sflag:s17] =	ssyncset.done $0x0  }
0xe0: {  	[sflag:s17] =	ssyncadd.s32 $0xFFFFFEC0  }
0xe1: {  	_ =	sfence.sel $0x180000  }
0xe2: {  	[bflag:$0x0] =	sbarrier.arrive $0xFFFF  }
0xe3: {  	_ =	strace $0x90000047  }
0xe4: {  	s0 =	stileid.u32;
	[bflag:$0x2] =	sbarrier.arrive $0xFFFF  }
0xe5: {  	p0 =	sne.s32 s0, $0x0;
	s0 =	rddreg [dreg:$0x2]  }
0xe6: {  	s0 =	sadd.s32 @!p0 $0x100000, s0  }
0xe7: {  	[sflag:s0] =	ssyncadd.tile.s32 @!p0 $0x1;
	_ =	shalt  }
.Lfunc_end2:
_tile_overlayer_lowered:
.L_overlay_start_2:
0xe8: {  	(tag) =	ssettag $0x2  }
0xe9: {  	s0 =	rddreg [dreg:$0x0];
	s2 =	stileid.u32  }
0xea: {  	s1 =	rddreg [dreg:$0x1];
	p0 =	sne.s32 s2, $0x0  }
0xeb: {  	s3 =	rddreg [dreg:$0x2];
	[bflag:$0x3] =	sbarrier.arrive $0xFFFF;
	s2 =	simm.s32 @!p0 $0x1C03  }
0xec: {  	[timem:s3], [sflag:s2] =	dma.local @!p0 [hbm:s0], s1  }
0xed: {  	s0 =	simm.s32 @!p0 $0x3  }
0xee: {  	_ =	swait.ge @!p0 [sflag:s0], s1  }
0xef: {  	s1 =	ssub.s32 @!p0 $0x0, s1;
	[sflag:s0] =	ssyncset.done @!p0 $0x0  }
0xf0: {  	[sflag:s0] =	ssyncadd.s32 @!p0 s1  }
0xf1: {  	[bflag:$0x3] =	sbarrier.arrive $0xFFFF  }
0xf2: {  	_ =	shalt  }

</sc_bundles>
